<compile_context>
chip_gen: v7x
topology: tpu7x:2x2x1
jax: 0.10.2.dev20260603
libtpu: 0.0.44.dev20260713+nightly
codegen_flags: <defaults>
</compile_context>

<pallas_src>
import functools

import jax
import jax.numpy as jnp
from jax import lax
from jax.experimental import pallas as pl
from jax.experimental.pallas import tpu as pltpu
from jax.experimental.pallas import tpu_sc as plsc

MAX_LEN = 8192

_NC = 2
_NS = 16
_NW = _NC * _NS
_CH = 16


def _sc_body(bsz, seq_len, d, x_hbm, t_hbm, o_hbm,
             xv0, xv1, ov0, ov1, tv, in_sem, out_sem):
    wid = lax.axis_index("c") * _NS + lax.axis_index("s")
    seq_per_w = seq_len // _NW
    seq_base = wid * seq_per_w
    groups = d // 16
    n_chunks = (seq_per_w // _CH) * bsz

    def row_of(n):
        g = n // bsz
        b = lax.rem(n, bsz)
        return b * seq_len + seq_base + g * _CH

    def in_copy(n, xv):
        return pltpu.make_async_copy(
            x_hbm.at[pl.ds(row_of(n), _CH), :], xv, in_sem.at[lax.rem(n, 2)])

    def out_copy(n, ov):
        return pltpu.make_async_copy(
            ov, o_hbm.at[pl.ds(row_of(n), _CH), :], out_sem.at[lax.rem(n, 2)])

    in_copy(0, xv0).start()

    def step(n, carry):
        cur = lax.rem(n, 2)

        @pl.when(lax.rem(n, bsz) == 0)
        def _():
            t0 = seq_base + (n // bsz) * _CH
            pltpu.sync_copy(t_hbm.at[pl.ds(t0, _CH), :], tv)

        def with_bufs(xv, ov):
            in_copy(n, xv).wait()

            @pl.when(n + 1 < n_chunks)
            def _():
                def start_next(nxv, nov):
                    in_copy(n + 1, nxv).start()
                lax.cond(cur == 0,
                         lambda: start_next(xv1, ov1),
                         lambda: start_next(xv0, ov0))

            @pl.when(n >= 2)
            def _():
                out_copy(n - 2, ov).wait()

            def row(i, c2):
                for j in range(groups):
                    sl = pl.ds(j * 16, 16)
                    ov[i, sl] = xv[i, sl] + tv[i, sl]
                return c2

            lax.fori_loop(0, _CH, row, 0)
            out_copy(n, ov).start()

        lax.cond(cur == 0,
                 lambda: with_bufs(xv0, ov0),
                 lambda: with_bufs(xv1, ov1))
        return carry

    lax.fori_loop(0, n_chunks, step, 0)

    if n_chunks >= 2:
        out_copy(n_chunks - 2, ov0 if (n_chunks - 2) % 2 == 0 else ov1).wait()
    out_copy(n_chunks - 1, ov0 if (n_chunks - 1) % 2 == 0 else ov1).wait()


def kernel(x, table):
    bsz, seq_len, d = x.shape
    if seq_len > MAX_LEN:
        x = x[:, -MAX_LEN:, :]
        seq_len = MAX_LEN
    x2 = x.reshape(bsz * seq_len, d)
    mesh = plsc.VectorSubcoreMesh(core_axis_name="c", subcore_axis_name="s")
    body = functools.partial(_sc_body, bsz, seq_len, d)
    out = pl.kernel(
        body,
        mesh=mesh,
        out_type=jax.ShapeDtypeStruct((bsz * seq_len, d), x.dtype),
        scratch_types=[
            pltpu.VMEM((_CH, d), jnp.float32),
            pltpu.VMEM((_CH, d), jnp.float32),
            pltpu.VMEM((_CH, d), jnp.float32),
            pltpu.VMEM((_CH, d), jnp.float32),
            pltpu.VMEM((_CH, d), jnp.float32),
            pltpu.SemaphoreType.DMA((2,)),
            pltpu.SemaphoreType.DMA((2,)),
        ],
    )(x2, table)
    return out.reshape(bsz, seq_len, d)

# --- scband reference (transcript-rebuilt; emitter-appended) ---
"""Pipeline reference for scband-learned-positional-encoding-9062380995407 (READ-ONLY COPY).

The authoritative reference and input builder live on the scoring server;
editing this copy changes nothing except your own understanding.
"""

import jax, jax.numpy as jnp
import numpy as np

MAX_SEQ_LEN = 8192
D_MODEL = 1024

def setup_inputs(seed: int = 0) -> dict:
    key = jax.random.key(seed)
    k1, k2 = jax.random.split(key)
    x = jax.random.normal(k1, (4, 8192, D_MODEL), dtype=jnp.float32)
    # nn.Embedding default init: N(0, 1)
    table = jax.random.normal(k2, (MAX_SEQ_LEN, D_MODEL), dtype=jnp.float32)
    return {"x": x, "table": table}

def reference(x, table):
    bsz, seq_len, d_model = x.shape
    if seq_len > MAX_SEQ_LEN:
        x = x[:, -MAX_SEQ_LEN:, :]
        seq_len = MAX_SEQ_LEN
    positions = jnp.arange(seq_len, dtype=jnp.int32)
    pos_emb = jnp.take(table, positions, axis=0)[None, :, :]
    return x + pos_emb

if __name__ == "__main__":
    import jax
    _d = setup_inputs()
    print(jax.jit(kernel)(*tuple(_d.values())))

</pallas_src>

<mosaic_0001>
#map = affine_map<(d0, d1) -> (0, 0)>
module attributes {stable_mosaic.version = 14 : i64} {
  func.func @_sc_body(%arg0: i32, %arg1: i32, %arg2: memref<32768x1024xf32, #tpu.memory_space<hbm>>, %arg3: memref<8192x1024xf32, #tpu.memory_space<hbm>>, %arg4: memref<32768x1024xf32, #tpu.memory_space<hbm>>, %arg5: memref<16x1024xf32, #tpu.memory_space<vmem>>, %arg6: memref<16x1024xf32, #tpu.memory_space<vmem>>, %arg7: memref<16x1024xf32, #tpu.memory_space<vmem>>, %arg8: memref<16x1024xf32, #tpu.memory_space<vmem>>, %arg9: memref<16x1024xf32, #tpu.memory_space<vmem>>, %arg10: memref<2x!tpu.dma_semaphore, #tpu.memory_space<semaphore_mem>>, %arg11: memref<2x!tpu.dma_semaphore, #tpu.memory_space<semaphore_mem>>) attributes {dimension_semantics = [#tpu.dimension_semantics<core_parallel>, #tpu.dimension_semantics<subcore_parallel>], iteration_bounds = array<i64: 2, 16>, scalar_prefetch = 0 : i64, scratch_operands = 7 : i64, tpu.core_type = #tpu.core_type<sc_vector_subcore>, window_params = [{transform_indices = #map}, {transform_indices = #map}, {transform_indices = #map}]} {
    %mul3A = arith.constant 16 : i32
    %mul3A_0 = arith.muli %arg0, %mul3A : i32
    %add3A = arith.addi %mul3A_0, %arg1 : i32
    %mul3A_1 = arith.constant 256 : i32
    %mul3A_2 = arith.muli %add3A, %mul3A_1 : i32
    %rem3A = arith.constant 0 : i32
    %rem3A_3 = arith.constant 4 : i32
    %rem3A_4 = arith.remsi %rem3A, %rem3A_3 : i32
    %mul3A_5 = arith.constant 8192 : i32
    %mul3A_6 = arith.muli %rem3A_4, %mul3A_5 : i32
    %add3A_7 = arith.addi %mul3A_6, %mul3A_2 : i32
    %add3A_8 = arith.constant 0 : i32
    %add3A_9 = arith.addi %add3A_7, %add3A_8 : i32
    %rem3A_10 = arith.constant 0 : i32
    %rem3A_11 = arith.constant 2 : i32
    %rem3A_12 = arith.remsi %rem3A_10, %rem3A_11 : i32
    %dma_start3A = arith.constant 0 : i32
    %dma_start3A_13 = tpu.memref_slice %arg2[%add3A_9, %dma_start3A] : memref<32768x1024xf32, #tpu.memory_space<hbm>> -> memref<16x1024xf32, #tpu.memory_space<hbm>>
    %dma_start3A_14 = tpu.memref_slice %arg10[%rem3A_12] : memref<2x!tpu.dma_semaphore, #tpu.memory_space<semaphore_mem>> -> memref<1x!tpu.dma_semaphore, #tpu.memory_space<semaphore_mem>>
    %dma_start3A_15 = tpu.memref_squeeze %dma_start3A_14 : memref<1x!tpu.dma_semaphore, #tpu.memory_space<semaphore_mem>> -> memref<!tpu.dma_semaphore, #tpu.memory_space<semaphore_mem>>
    %dma_start3A_16 = arith.constant 0 : i32
    %dma_start3A_17 = tpu.memref_slice %arg2[%add3A_9, %dma_start3A_16] : memref<32768x1024xf32, #tpu.memory_space<hbm>> -> memref<16x1024xf32, #tpu.memory_space<hbm>>
    tpu.enqueue_dma source(%dma_start3A_17 : memref<16x1024xf32, #tpu.memory_space<hbm>>) target(%arg5 : memref<16x1024xf32, #tpu.memory_space<vmem>>) target_semaphore(%dma_start3A_15 : memref<!tpu.dma_semaphore, #tpu.memory_space<semaphore_mem>>)
    %scan3A = arith.constant 0 : i32
    %scan3A_18 = arith.constant 0 : i32
    %scan3A_19 = arith.constant 64 : i32
    %scan3A_20 = arith.addi %scan3A_18, %scan3A_19 : i32
    %scan3A_21 = arith.constant 1 : i32
    scf.for %scan3A_56 = %scan3A_18 to %scan3A_20 step %scan3A_21  : i32 {
      %rem3A_57 = arith.constant 2 : i32
      %rem3A_58 = arith.remsi %scan3A_56, %rem3A_57 : i32
      %rem3A_59 = arith.constant 4 : i32
      %rem3A_60 = arith.remsi %scan3A_56, %rem3A_59 : i32
      %eq3A = arith.constant 0 : i32
      %eq3A_61 = arith.cmpi eq, %rem3A_60, %eq3A : i32
      %convert_element_type3A = arith.extui %eq3A_61 : i1 to i32
      %cond3A = arith.constant 0 : i32
      %cond3A_62 = arith.cmpi ne, %convert_element_type3A, %cond3A : i32
      scf.if %cond3A_62 {
        %jit3A = arith.constant 4 : i32
        %div3A = arith.divsi %scan3A_56, %jit3A : i32
        %sign3A = arith.constant 0 : i32
        %sign3A_68 = arith.cmpi sgt, %scan3A_56, %sign3A : i32
        %sign3A_69 = arith.extui %sign3A_68 : i1 to i32
        %sign3A_70 = arith.constant 0 : i32
        %sign3A_71 = arith.cmpi slt, %scan3A_56, %sign3A_70 : i32
        %sign3A_72 = arith.extui %sign3A_71 : i1 to i32
        %sign3A_73 = arith.subi %sign3A_69, %sign3A_72 : i32
        %sign3A_74 = arith.constant 0 : i32
        %sign3A_75 = arith.cmpi sgt, %jit3A, %sign3A_74 : i32
        %sign3A_76 = arith.extui %sign3A_75 : i1 to i32
        %sign3A_77 = arith.constant 0 : i32
        %sign3A_78 = arith.cmpi slt, %jit3A, %sign3A_77 : i32
        %sign3A_79 = arith.extui %sign3A_78 : i1 to i32
        %sign3A_80 = arith.subi %sign3A_76, %sign3A_79 : i32
        %ne3A = arith.cmpi ne, %sign3A_73, %sign3A_80 : i32
        %rem3A_81 = arith.remsi %scan3A_56, %jit3A : i32
        %ne3A_82 = arith.constant 0 : i32
        %ne3A_83 = arith.cmpi ne, %rem3A_81, %ne3A_82 : i32
        %and3A = arith.andi %ne3A, %ne3A_83 : i1
        %sub3A = arith.constant 1 : i32
        %sub3A_84 = arith.subi %div3A, %sub3A : i32
        %select_n3A = arith.select %and3A, %sub3A_84, %div3A : i32
        %mul3A_85 = arith.constant 16 : i32
        %mul3A_86 = arith.muli %select_n3A, %mul3A_85 : i32
        %add3A_87 = arith.addi %mul3A_2, %mul3A_86 : i32
        "tpu.region"() ({
          %run_scoped3A = tpu.sem_alloc : memref<!tpu.dma_semaphore, #tpu.memory_space<semaphore_mem>>
          %dma_start3A_88 = arith.constant 0 : i32
          %dma_start3A_89 = tpu.memref_slice %arg3[%add3A_87, %dma_start3A_88] : memref<8192x1024xf32, #tpu.memory_space<hbm>> -> memref<16x1024xf32, #tpu.memory_space<hbm>>
          %dma_start3A_90 = arith.constant 0 : i32
          %dma_start3A_91 = tpu.memref_slice %arg3[%add3A_87, %dma_start3A_90] : memref<8192x1024xf32, #tpu.memory_space<hbm>> -> memref<16x1024xf32, #tpu.memory_space<hbm>>
          tpu.enqueue_dma source(%dma_start3A_91 : memref<16x1024xf32, #tpu.memory_space<hbm>>) target(%arg9 : memref<16x1024xf32, #tpu.memory_space<vmem>>) target_semaphore(%run_scoped3A : memref<!tpu.dma_semaphore, #tpu.memory_space<semaphore_mem>>)
          %dma_wait3A_92 = arith.constant 0 : i32
          %dma_wait3A_93 = tpu.memref_slice %arg3[%add3A_87, %dma_wait3A_92] : memref<8192x1024xf32, #tpu.memory_space<hbm>> -> memref<16x1024xf32, #tpu.memory_space<hbm>>
          %dma_wait3A_94 = arith.constant 0 : i32
          %dma_wait3A_95 = tpu.memref_slice %arg3[%add3A_87, %dma_wait3A_94] : memref<8192x1024xf32, #tpu.memory_space<hbm>> -> memref<16x1024xf32, #tpu.memory_space<hbm>>
          tpu.wait_dma2 semaphore(%run_scoped3A : memref<!tpu.dma_semaphore, #tpu.memory_space<semaphore_mem>>) src(%dma_wait3A_95 : memref<16x1024xf32, #tpu.memory_space<hbm>>) dst(%arg9 : memref<16x1024xf32, #tpu.memory_space<vmem>>)
          tpu.yield
        }) : () -> ()
      } else {
      }
      %eq3A_63 = arith.constant 0 : i32
      %eq3A_64 = arith.cmpi eq, %rem3A_58, %eq3A_63 : i32
      %convert_element_type3A_65 = arith.extui %eq3A_64 : i1 to i32
      %cond3A_66 = arith.constant 0 : i32
      %cond3A_67 = arith.cmpi ne, %convert_element_type3A_65, %cond3A_66 : i32
      scf.if %cond3A_67 {
        %jit3A = arith.constant 4 : i32
        %div3A = arith.divsi %scan3A_56, %jit3A : i32
        %sign3A = arith.constant 0 : i32
        %sign3A_68 = arith.cmpi sgt, %scan3A_56, %sign3A : i32
        %sign3A_69 = arith.extui %sign3A_68 : i1 to i32
        %sign3A_70 = arith.constant 0 : i32
        %sign3A_71 = arith.cmpi slt, %scan3A_56, %sign3A_70 : i32
        %sign3A_72 = arith.extui %sign3A_71 : i1 to i32
        %sign3A_73 = arith.subi %sign3A_69, %sign3A_72 : i32
        %sign3A_74 = arith.constant 0 : i32
        %sign3A_75 = arith.cmpi sgt, %jit3A, %sign3A_74 : i32
        %sign3A_76 = arith.extui %sign3A_75 : i1 to i32
        %sign3A_77 = arith.constant 0 : i32
        %sign3A_78 = arith.cmpi slt, %jit3A, %sign3A_77 : i32
        %sign3A_79 = arith.extui %sign3A_78 : i1 to i32
        %sign3A_80 = arith.subi %sign3A_76, %sign3A_79 : i32
        %ne3A = arith.cmpi ne, %sign3A_73, %sign3A_80 : i32
        %rem3A_81 = arith.remsi %scan3A_56, %jit3A : i32
        %ne3A_82 = arith.constant 0 : i32
        %ne3A_83 = arith.cmpi ne, %rem3A_81, %ne3A_82 : i32
        %and3A = arith.andi %ne3A, %ne3A_83 : i1
        %sub3A = arith.constant 1 : i32
        %sub3A_84 = arith.subi %div3A, %sub3A : i32
        %select_n3A = arith.select %and3A, %sub3A_84, %div3A : i32
        %rem3A_85 = arith.constant 4 : i32
        %rem3A_86 = arith.remsi %scan3A_56, %rem3A_85 : i32
        %mul3A_87 = arith.constant 8192 : i32
        %mul3A_88 = arith.muli %rem3A_86, %mul3A_87 : i32
        %add3A_89 = arith.addi %mul3A_88, %mul3A_2 : i32
        %mul3A_90 = arith.constant 16 : i32
        %mul3A_91 = arith.muli %select_n3A, %mul3A_90 : i32
        %add3A_92 = arith.addi %add3A_89, %mul3A_91 : i32
        %rem3A_93 = arith.constant 2 : i32
        %rem3A_94 = arith.remsi %scan3A_56, %rem3A_93 : i32
        %dma_wait3A_95 = arith.constant 0 : i32
        %dma_wait3A_96 = tpu.memref_slice %arg2[%add3A_92, %dma_wait3A_95] : memref<32768x1024xf32, #tpu.memory_space<hbm>> -> memref<16x1024xf32, #tpu.memory_space<hbm>>
        %dma_wait3A_97 = tpu.memref_slice %arg10[%rem3A_94] : memref<2x!tpu.dma_semaphore, #tpu.memory_space<semaphore_mem>> -> memref<1x!tpu.dma_semaphore, #tpu.memory_space<semaphore_mem>>
        %dma_wait3A_98 = tpu.memref_squeeze %dma_wait3A_97 : memref<1x!tpu.dma_semaphore, #tpu.memory_space<semaphore_mem>> -> memref<!tpu.dma_semaphore, #tpu.memory_space<semaphore_mem>>
        %dma_wait3A_99 = arith.constant 0 : i32
        %dma_wait3A_100 = tpu.memref_slice %arg2[%add3A_92, %dma_wait3A_99] : memref<32768x1024xf32, #tpu.memory_space<hbm>> -> memref<16x1024xf32, #tpu.memory_space<hbm>>
        tpu.wait_dma2 semaphore(%dma_wait3A_98 : memref<!tpu.dma_semaphore, #tpu.memory_space<semaphore_mem>>) src(%dma_wait3A_100 : memref<16x1024xf32, #tpu.memory_space<hbm>>) dst(%arg5 : memref<16x1024xf32, #tpu.memory_space<vmem>>)
        %add3A_101 = arith.constant 1 : i32
        %add3A_102 = arith.addi %scan3A_56, %add3A_101 : i32
        %lt3A = arith.constant 64 : i32
        %lt3A_103 = arith.cmpi slt, %add3A_102, %lt3A : i32
        %convert_element_type3A_104 = arith.extui %lt3A_103 : i1 to i32
        %cond3A_105 = arith.constant 0 : i32
        %cond3A_106 = arith.cmpi ne, %convert_element_type3A_104, %cond3A_105 : i32
        scf.if %cond3A_106 {
          %eq3A_157 = arith.constant 0 : i32
          %eq3A_158 = arith.cmpi eq, %rem3A_58, %eq3A_157 : i32
          %convert_element_type3A_159 = arith.extui %eq3A_158 : i1 to i32
          %cond3A_160 = arith.constant 0 : i32
          %cond3A_161 = arith.cmpi ne, %convert_element_type3A_159, %cond3A_160 : i32
          scf.if %cond3A_161 {
            %add3A_162 = arith.constant 1 : i32
            %add3A_163 = arith.addi %scan3A_56, %add3A_162 : i32
            %jit3A_164 = arith.constant 4 : i32
            %div3A_165 = arith.divsi %add3A_163, %jit3A_164 : i32
            %sign3A_166 = arith.constant 0 : i32
            %sign3A_167 = arith.cmpi sgt, %add3A_163, %sign3A_166 : i32
            %sign3A_168 = arith.extui %sign3A_167 : i1 to i32
            %sign3A_169 = arith.constant 0 : i32
            %sign3A_170 = arith.cmpi slt, %add3A_163, %sign3A_169 : i32
            %sign3A_171 = arith.extui %sign3A_170 : i1 to i32
            %sign3A_172 = arith.subi %sign3A_168, %sign3A_171 : i32
            %sign3A_173 = arith.constant 0 : i32
            %sign3A_174 = arith.cmpi sgt, %jit3A_164, %sign3A_173 : i32
            %sign3A_175 = arith.extui %sign3A_174 : i1 to i32
            %sign3A_176 = arith.constant 0 : i32
            %sign3A_177 = arith.cmpi slt, %jit3A_164, %sign3A_176 : i32
            %sign3A_178 = arith.extui %sign3A_177 : i1 to i32
            %sign3A_179 = arith.subi %sign3A_175, %sign3A_178 : i32
            %ne3A_180 = arith.cmpi ne, %sign3A_172, %sign3A_179 : i32
            %rem3A_181 = arith.remsi %add3A_163, %jit3A_164 : i32
            %ne3A_182 = arith.constant 0 : i32
            %ne3A_183 = arith.cmpi ne, %rem3A_181, %ne3A_182 : i32
            %and3A_184 = arith.andi %ne3A_180, %ne3A_183 : i1
            %sub3A_185 = arith.constant 1 : i32
            %sub3A_186 = arith.subi %div3A_165, %sub3A_185 : i32
            %select_n3A_187 = arith.select %and3A_184, %sub3A_186, %div3A_165 : i32
            %rem3A_188 = arith.constant 4 : i32
            %rem3A_189 = arith.remsi %add3A_163, %rem3A_188 : i32
            %mul3A_190 = arith.constant 8192 : i32
            %mul3A_191 = arith.muli %rem3A_189, %mul3A_190 : i32
            %add3A_192 = arith.addi %mul3A_191, %mul3A_2 : i32
            %mul3A_193 = arith.constant 16 : i32
            %mul3A_194 = arith.muli %select_n3A_187, %mul3A_193 : i32
            %add3A_195 = arith.addi %add3A_192, %mul3A_194 : i32
            %rem3A_196 = arith.constant 2 : i32
            %rem3A_197 = arith.remsi %add3A_163, %rem3A_196 : i32
            %dma_start3A_198 = arith.constant 0 : i32
            %dma_start3A_199 = tpu.memref_slice %arg2[%add3A_195, %dma_start3A_198] : memref<32768x1024xf32, #tpu.memory_space<hbm>> -> memref<16x1024xf32, #tpu.memory_space<hbm>>
            %dma_start3A_200 = tpu.memref_slice %arg10[%rem3A_197] : memref<2x!tpu.dma_semaphore, #tpu.memory_space<semaphore_mem>> -> memref<1x!tpu.dma_semaphore, #tpu.memory_space<semaphore_mem>>
            %dma_start3A_201 = tpu.memref_squeeze %dma_start3A_200 : memref<1x!tpu.dma_semaphore, #tpu.memory_space<semaphore_mem>> -> memref<!tpu.dma_semaphore, #tpu.memory_space<semaphore_mem>>
            %dma_start3A_202 = arith.constant 0 : i32
            %dma_start3A_203 = tpu.memref_slice %arg2[%add3A_195, %dma_start3A_202] : memref<32768x1024xf32, #tpu.memory_space<hbm>> -> memref<16x1024xf32, #tpu.memory_space<hbm>>
            tpu.enqueue_dma source(%dma_start3A_203 : memref<16x1024xf32, #tpu.memory_space<hbm>>) target(%arg6 : memref<16x1024xf32, #tpu.memory_space<vmem>>) target_semaphore(%dma_start3A_201 : memref<!tpu.dma_semaphore, #tpu.memory_space<semaphore_mem>>)
          } else {
            %add3A_162 = arith.constant 1 : i32
            %add3A_163 = arith.addi %scan3A_56, %add3A_162 : i32
            %jit3A_164 = arith.constant 4 : i32
            %div3A_165 = arith.divsi %add3A_163, %jit3A_164 : i32
            %sign3A_166 = arith.constant 0 : i32
            %sign3A_167 = arith.cmpi sgt, %add3A_163, %sign3A_166 : i32
            %sign3A_168 = arith.extui %sign3A_167 : i1 to i32
            %sign3A_169 = arith.constant 0 : i32
            %sign3A_170 = arith.cmpi slt, %add3A_163, %sign3A_169 : i32
            %sign3A_171 = arith.extui %sign3A_170 : i1 to i32
            %sign3A_172 = arith.subi %sign3A_168, %sign3A_171 : i32
            %sign3A_173 = arith.constant 0 : i32
            %sign3A_174 = arith.cmpi sgt, %jit3A_164, %sign3A_173 : i32
            %sign3A_175 = arith.extui %sign3A_174 : i1 to i32
            %sign3A_176 = arith.constant 0 : i32
            %sign3A_177 = arith.cmpi slt, %jit3A_164, %sign3A_176 : i32
            %sign3A_178 = arith.extui %sign3A_177 : i1 to i32
            %sign3A_179 = arith.subi %sign3A_175, %sign3A_178 : i32
            %ne3A_180 = arith.cmpi ne, %sign3A_172, %sign3A_179 : i32
            %rem3A_181 = arith.remsi %add3A_163, %jit3A_164 : i32
            %ne3A_182 = arith.constant 0 : i32
            %ne3A_183 = arith.cmpi ne, %rem3A_181, %ne3A_182 : i32
            %and3A_184 = arith.andi %ne3A_180, %ne3A_183 : i1
            %sub3A_185 = arith.constant 1 : i32
            %sub3A_186 = arith.subi %div3A_165, %sub3A_185 : i32
            %select_n3A_187 = arith.select %and3A_184, %sub3A_186, %div3A_165 : i32
            %rem3A_188 = arith.constant 4 : i32
            %rem3A_189 = arith.remsi %add3A_163, %rem3A_188 : i32
            %mul3A_190 = arith.constant 8192 : i32
            %mul3A_191 = arith.muli %rem3A_189, %mul3A_190 : i32
            %add3A_192 = arith.addi %mul3A_191, %mul3A_2 : i32
            %mul3A_193 = arith.constant 16 : i32
            %mul3A_194 = arith.muli %select_n3A_187, %mul3A_193 : i32
            %add3A_195 = arith.addi %add3A_192, %mul3A_194 : i32
            %rem3A_196 = arith.constant 2 : i32
            %rem3A_197 = arith.remsi %add3A_163, %rem3A_196 : i32
            %dma_start3A_198 = arith.constant 0 : i32
            %dma_start3A_199 = tpu.memref_slice %arg2[%add3A_195, %dma_start3A_198] : memref<32768x1024xf32, #tpu.memory_space<hbm>> -> memref<16x1024xf32, #tpu.memory_space<hbm>>
            %dma_start3A_200 = tpu.memref_slice %arg10[%rem3A_197] : memref<2x!tpu.dma_semaphore, #tpu.memory_space<semaphore_mem>> -> memref<1x!tpu.dma_semaphore, #tpu.memory_space<semaphore_mem>>
            %dma_start3A_201 = tpu.memref_squeeze %dma_start3A_200 : memref<1x!tpu.dma_semaphore, #tpu.memory_space<semaphore_mem>> -> memref<!tpu.dma_semaphore, #tpu.memory_space<semaphore_mem>>
            %dma_start3A_202 = arith.constant 0 : i32
            %dma_start3A_203 = tpu.memref_slice %arg2[%add3A_195, %dma_start3A_202] : memref<32768x1024xf32, #tpu.memory_space<hbm>> -> memref<16x1024xf32, #tpu.memory_space<hbm>>
            tpu.enqueue_dma source(%dma_start3A_203 : memref<16x1024xf32, #tpu.memory_space<hbm>>) target(%arg5 : memref<16x1024xf32, #tpu.memory_space<vmem>>) target_semaphore(%dma_start3A_201 : memref<!tpu.dma_semaphore, #tpu.memory_space<semaphore_mem>>)
          }
        } else {
        }
        %ge3A = arith.constant 2 : i32
        %ge3A_107 = arith.cmpi sge, %scan3A_56, %ge3A : i32
        %convert_element_type3A_108 = arith.extui %ge3A_107 : i1 to i32
        %cond3A_109 = arith.constant 0 : i32
        %cond3A_110 = arith.cmpi ne, %convert_element_type3A_108, %cond3A_109 : i32
        scf.if %cond3A_110 {
          %sub3A_157 = arith.constant 2 : i32
          %sub3A_158 = arith.subi %scan3A_56, %sub3A_157 : i32
          %jit3A_159 = arith.constant 4 : i32
          %div3A_160 = arith.divsi %sub3A_158, %jit3A_159 : i32
          %sign3A_161 = arith.constant 0 : i32
          %sign3A_162 = arith.cmpi sgt, %sub3A_158, %sign3A_161 : i32
          %sign3A_163 = arith.extui %sign3A_162 : i1 to i32
          %sign3A_164 = arith.constant 0 : i32
          %sign3A_165 = arith.cmpi slt, %sub3A_158, %sign3A_164 : i32
          %sign3A_166 = arith.extui %sign3A_165 : i1 to i32
          %sign3A_167 = arith.subi %sign3A_163, %sign3A_166 : i32
          %sign3A_168 = arith.constant 0 : i32
          %sign3A_169 = arith.cmpi sgt, %jit3A_159, %sign3A_168 : i32
          %sign3A_170 = arith.extui %sign3A_169 : i1 to i32
          %sign3A_171 = arith.constant 0 : i32
          %sign3A_172 = arith.cmpi slt, %jit3A_159, %sign3A_171 : i32
          %sign3A_173 = arith.extui %sign3A_172 : i1 to i32
          %sign3A_174 = arith.subi %sign3A_170, %sign3A_173 : i32
          %ne3A_175 = arith.cmpi ne, %sign3A_167, %sign3A_174 : i32
          %rem3A_176 = arith.remsi %sub3A_158, %jit3A_159 : i32
          %ne3A_177 = arith.constant 0 : i32
          %ne3A_178 = arith.cmpi ne, %rem3A_176, %ne3A_177 : i32
          %and3A_179 = arith.andi %ne3A_175, %ne3A_178 : i1
          %sub3A_180 = arith.constant 1 : i32
          %sub3A_181 = arith.subi %div3A_160, %sub3A_180 : i32
          %select_n3A_182 = arith.select %and3A_179, %sub3A_181, %div3A_160 : i32
          %rem3A_183 = arith.constant 4 : i32
          %rem3A_184 = arith.remsi %sub3A_158, %rem3A_183 : i32
          %mul3A_185 = arith.constant 8192 : i32
          %mul3A_186 = arith.muli %rem3A_184, %mul3A_185 : i32
          %add3A_187 = arith.addi %mul3A_186, %mul3A_2 : i32
          %mul3A_188 = arith.constant 16 : i32
          %mul3A_189 = arith.muli %select_n3A_182, %mul3A_188 : i32
          %add3A_190 = arith.addi %add3A_187, %mul3A_189 : i32
          %rem3A_191 = arith.constant 2 : i32
          %rem3A_192 = arith.remsi %sub3A_158, %rem3A_191 : i32
          %dma_wait3A_193 = arith.constant 0 : i32
          %dma_wait3A_194 = tpu.memref_slice %arg4[%add3A_190, %dma_wait3A_193] : memref<32768x1024xf32, #tpu.memory_space<hbm>> -> memref<16x1024xf32, #tpu.memory_space<hbm>>
          %dma_wait3A_195 = tpu.memref_slice %arg11[%rem3A_192] : memref<2x!tpu.dma_semaphore, #tpu.memory_space<semaphore_mem>> -> memref<1x!tpu.dma_semaphore, #tpu.memory_space<semaphore_mem>>
          %dma_wait3A_196 = tpu.memref_squeeze %dma_wait3A_195 : memref<1x!tpu.dma_semaphore, #tpu.memory_space<semaphore_mem>> -> memref<!tpu.dma_semaphore, #tpu.memory_space<semaphore_mem>>
          %dma_wait3A_197 = arith.constant 0 : i32
          %dma_wait3A_198 = tpu.memref_slice %arg4[%add3A_190, %dma_wait3A_197] : memref<32768x1024xf32, #tpu.memory_space<hbm>> -> memref<16x1024xf32, #tpu.memory_space<hbm>>
          tpu.wait_dma2 semaphore(%dma_wait3A_196 : memref<!tpu.dma_semaphore, #tpu.memory_space<semaphore_mem>>) src(%arg7 : memref<16x1024xf32, #tpu.memory_space<vmem>>) dst(%dma_wait3A_198 : memref<16x1024xf32, #tpu.memory_space<hbm>>)
        } else {
        }
        %scan3A_111 = arith.constant 0 : i32
        %scan3A_112 = arith.constant 0 : i32
        %scan3A_113 = arith.constant 16 : i32
        %scan3A_114 = arith.addi %scan3A_112, %scan3A_113 : i32
        %scan3A_115 = arith.constant 1 : i32
        scf.for %scan3A_157 = %scan3A_112 to %scan3A_114 step %scan3A_115  : i32 {
          %get3A = arith.index_cast %scan3A_157 : i32 to index
          %get3A_158 = arith.constant 0 : index
          %get3A_159 = tpu.vector_load %arg5[%get3A, %get3A_158] {strides = array<i32>} : memref<16x1024xf32, #tpu.memory_space<vmem>>, vector<1x16xf32>,
          %get3A_160 = vector.shape_cast %get3A_159 : vector<1x16xf32> to vector<16xf32>
          %get3A_161 = arith.index_cast %scan3A_157 : i32 to index
          %get3A_162 = arith.constant 0 : index
          %get3A_163 = tpu.vector_load %arg9[%get3A_161, %get3A_162] {strides = array<i32>} : memref<16x1024xf32, #tpu.memory_space<vmem>>, vector<1x16xf32>,
          %get3A_164 = vector.shape_cast %get3A_163 : vector<1x16xf32> to vector<16xf32>
          %add3A_165 = arith.addf %get3A_160, %get3A_164 : vector<16xf32>
          %swap3A = arith.index_cast %scan3A_157 : i32 to index
          %swap3A_166 = arith.constant 0 : index
          %swap3A_167 = tpu.vector_load %arg7[%swap3A, %swap3A_166] {strides = array<i32>} : memref<16x1024xf32, #tpu.memory_space<vmem>>, vector<1x16xf32>,
          %swap3A_168 = vector.shape_cast %swap3A_167 : vector<1x16xf32> to vector<16xf32>
          %swap3A_169 = vector.shape_cast %add3A_165 : vector<16xf32> to vector<1x16xf32>
          tpu.vector_store %arg7[%swap3A, %swap3A_166], %swap3A_169 {strides = array<i32>} : memref<16x1024xf32, #tpu.memory_space<vmem>>, vector<1x16xf32>,
          %get3A_170 = arith.index_cast %scan3A_157 : i32 to index
          %get3A_171 = arith.constant 16 : index
          %get3A_172 = tpu.vector_load %arg5[%get3A_170, %get3A_171] {strides = array<i32>} : memref<16x1024xf32, #tpu.memory_space<vmem>>, vector<1x16xf32>,
          %get3A_173 = vector.shape_cast %get3A_172 : vector<1x16xf32> to vector<16xf32>
          %get3A_174 = arith.index_cast %scan3A_157 : i32 to index
          %get3A_175 = arith.constant 16 : index
          %get3A_176 = tpu.vector_load %arg9[%get3A_174, %get3A_175] {strides = array<i32>} : memref<16x1024xf32, #tpu.memory_space<vmem>>, vector<1x16xf32>,
          %get3A_177 = vector.shape_cast %get3A_176 : vector<1x16xf32> to vector<16xf32>
          %add3A_178 = arith.addf %get3A_173, %get3A_177 : vector<16xf32>
          %swap3A_179 = arith.index_cast %scan3A_157 : i32 to index
          %swap3A_180 = arith.constant 16 : index
          %swap3A_181 = tpu.vector_load %arg7[%swap3A_179, %swap3A_180] {strides = array<i32>} : memref<16x1024xf32, #tpu.memory_space<vmem>>, vector<1x16xf32>,
          %swap3A_182 = vector.shape_cast %swap3A_181 : vector<1x16xf32> to vector<16xf32>
          %swap3A_183 = vector.shape_cast %add3A_178 : vector<16xf32> to vector<1x16xf32>
          tpu.vector_store %arg7[%swap3A_179, %swap3A_180], %swap3A_183 {strides = array<i32>} : memref<16x1024xf32, #tpu.memory_space<vmem>>, vector<1x16xf32>,
          %get3A_184 = arith.index_cast %scan3A_157 : i32 to index
          %get3A_185 = arith.constant 32 : index
          %get3A_186 = tpu.vector_load %arg5[%get3A_184, %get3A_185] {strides = array<i32>} : memref<16x1024xf32, #tpu.memory_space<vmem>>, vector<1x16xf32>,
          %get3A_187 = vector.shape_cast %get3A_186 : vector<1x16xf32> to vector<16xf32>
          %get3A_188 = arith.index_cast %scan3A_157 : i32 to index
          %get3A_189 = arith.constant 32 : index
          %get3A_190 = tpu.vector_load %arg9[%get3A_188, %get3A_189] {strides = array<i32>} : memref<16x1024xf32, #tpu.memory_space<vmem>>, vector<1x16xf32>,
          %get3A_191 = vector.shape_cast %get3A_190 : vector<1x16xf32> to vector<16xf32>
          %add3A_192 = arith.addf %get3A_187, %get3A_191 : vector<16xf32>
          %swap3A_193 = arith.index_cast %scan3A_157 : i32 to index
          %swap3A_194 = arith.constant 32 : index
          %swap3A_195 = tpu.vector_load %arg7[%swap3A_193, %swap3A_194] {strides = array<i32>} : memref<16x1024xf32, #tpu.memory_space<vmem>>, vector<1x16xf32>,
          %swap3A_196 = vector.shape_cast %swap3A_195 : vector<1x16xf32> to vector<16xf32>
          %swap3A_197 = vector.shape_cast %add3A_192 : vector<16xf32> to vector<1x16xf32>
          tpu.vector_store %arg7[%swap3A_193, %swap3A_194], %swap3A_197 {strides = array<i32>} : memref<16x1024xf32, #tpu.memory_space<vmem>>, vector<1x16xf32>,
          %get3A_198 = arith.index_cast %scan3A_157 : i32 to index
          %get3A_199 = arith.constant 48 : index
          %get3A_200 = tpu.vector_load %arg5[%get3A_198, %get3A_199] {strides = array<i32>} : memref<16x1024xf32, #tpu.memory_space<vmem>>, vector<1x16xf32>,
          %get3A_201 = vector.shape_cast %get3A_200 : vector<1x16xf32> to vector<16xf32>
          %get3A_202 = arith.index_cast %scan3A_157 : i32 to index
          %get3A_203 = arith.constant 48 : index
          %get3A_204 = tpu.vector_load %arg9[%get3A_202, %get3A_203] {strides = array<i32>} : memref<16x1024xf32, #tpu.memory_space<vmem>>, vector<1x16xf32>,
          %get3A_205 = vector.shape_cast %get3A_204 : vector<1x16xf32> to vector<16xf32>
          %add3A_206 = arith.addf %get3A_201, %get3A_205 : vector<16xf32>
          %swap3A_207 = arith.index_cast %scan3A_157 : i32 to index
          %swap3A_208 = arith.constant 48 : index
          %swap3A_209 = tpu.vector_load %arg7[%swap3A_207, %swap3A_208] {strides = array<i32>} : memref<16x1024xf32, #tpu.memory_space<vmem>>, vector<1x16xf32>,
          %swap3A_210 = vector.shape_cast %swap3A_209 : vector<1x16xf32> to vector<16xf32>
          %swap3A_211 = vector.shape_cast %add3A_206 : vector<16xf32> to vector<1x16xf32>
          tpu.vector_store %arg7[%swap3A_207, %swap3A_208], %swap3A_211 {strides = array<i32>} : memref<16x1024xf32, #tpu.memory_space<vmem>>, vector<1x16xf32>,
          %get3A_212 = arith.index_cast %scan3A_157 : i32 to index
          %get3A_213 = arith.constant 64 : index
          %get3A_214 = tpu.vector_load %arg5[%get3A_212, %get3A_213] {strides = array<i32>} : memref<16x1024xf32, #tpu.memory_space<vmem>>, vector<1x16xf32>,
          %get3A_215 = vector.shape_cast %get3A_214 : vector<1x16xf32> to vector<16xf32>
          %get3A_216 = arith.index_cast %scan3A_157 : i32 to index
          %get3A_217 = arith.constant 64 : index
          %get3A_218 = tpu.vector_load %arg9[%get3A_216, %get3A_217] {strides = array<i32>} : memref<16x1024xf32, #tpu.memory_space<vmem>>, vector<1x16xf32>,
          %get3A_219 = vector.shape_cast %get3A_218 : vector<1x16xf32> to vector<16xf32>
          %add3A_220 = arith.addf %get3A_215, %get3A_219 : vector<16xf32>
          %swap3A_221 = arith.index_cast %scan3A_157 : i32 to index
          %swap3A_222 = arith.constant 64 : index
          %swap3A_223 = tpu.vector_load %arg7[%swap3A_221, %swap3A_222] {strides = array<i32>} : memref<16x1024xf32, #tpu.memory_space<vmem>>, vector<1x16xf32>,
          %swap3A_224 = vector.shape_cast %swap3A_223 : vector<1x16xf32> to vector<16xf32>
          %swap3A_225 = vector.shape_cast %add3A_220 : vector<16xf32> to vector<1x16xf32>
          tpu.vector_store %arg7[%swap3A_221, %swap3A_222], %swap3A_225 {strides = array<i32>} : memref<16x1024xf32, #tpu.memory_space<vmem>>, vector<1x16xf32>,
          %get3A_226 = arith.index_cast %scan3A_157 : i32 to index
          %get3A_227 = arith.constant 80 : index
          %get3A_228 = tpu.vector_load %arg5[%get3A_226, %get3A_227] {strides = array<i32>} : memref<16x1024xf32, #tpu.memory_space<vmem>>, vector<1x16xf32>,
          %get3A_229 = vector.shape_cast %get3A_228 : vector<1x16xf32> to vector<16xf32>
          %get3A_230 = arith.index_cast %scan3A_157 : i32 to index
          %get3A_231 = arith.constant 80 : index
          %get3A_232 = tpu.vector_load %arg9[%get3A_230, %get3A_231] {strides = array<i32>} : memref<16x1024xf32, #tpu.memory_space<vmem>>, vector<1x16xf32>,
          %get3A_233 = vector.shape_cast %get3A_232 : vector<1x16xf32> to vector<16xf32>
          %add3A_234 = arith.addf %get3A_229, %get3A_233 : vector<16xf32>
          %swap3A_235 = arith.index_cast %scan3A_157 : i32 to index
          %swap3A_236 = arith.constant 80 : index
          %swap3A_237 = tpu.vector_load %arg7[%swap3A_235, %swap3A_236] {strides = array<i32>} : memref<16x1024xf32, #tpu.memory_space<vmem>>, vector<1x16xf32>,
          %swap3A_238 = vector.shape_cast %swap3A_237 : vector<1x16xf32> to vector<16xf32>
          %swap3A_239 = vector.shape_cast %add3A_234 : vector<16xf32> to vector<1x16xf32>
          tpu.vector_store %arg7[%swap3A_235, %swap3A_236], %swap3A_239 {strides = array<i32>} : memref<16x1024xf32, #tpu.memory_space<vmem>>, vector<1x16xf32>,
          %get3A_240 = arith.index_cast %scan3A_157 : i32 to index
          %get3A_241 = arith.constant 96 : index
          %get3A_242 = tpu.vector_load %arg5[%get3A_240, %get3A_241] {strides = array<i32>} : memref<16x1024xf32, #tpu.memory_space<vmem>>, vector<1x16xf32>,
          %get3A_243 = vector.shape_cast %get3A_242 : vector<1x16xf32> to vector<16xf32>
          %get3A_244 = arith.index_cast %scan3A_157 : i32 to index
          %get3A_245 = arith.constant 96 : index
          %get3A_246 = tpu.vector_load %arg9[%get3A_244, %get3A_245] {strides = array<i32>} : memref<16x1024xf32, #tpu.memory_space<vmem>>, vector<1x16xf32>,
          %get3A_247 = vector.shape_cast %get3A_246 : vector<1x16xf32> to vector<16xf32>
          %add3A_248 = arith.addf %get3A_243, %get3A_247 : vector<16xf32>
          %swap3A_249 = arith.index_cast %scan3A_157 : i32 to index
          %swap3A_250 = arith.constant 96 : index
          %swap3A_251 = tpu.vector_load %arg7[%swap3A_249, %swap3A_250] {strides = array<i32>} : memref<16x1024xf32, #tpu.memory_space<vmem>>, vector<1x16xf32>,
          %swap3A_252 = vector.shape_cast %swap3A_251 : vector<1x16xf32> to vector<16xf32>
          %swap3A_253 = vector.shape_cast %add3A_248 : vector<16xf32> to vector<1x16xf32>
          tpu.vector_store %arg7[%swap3A_249, %swap3A_250], %swap3A_253 {strides = array<i32>} : memref<16x1024xf32, #tpu.memory_space<vmem>>, vector<1x16xf32>,
          %get3A_254 = arith.index_cast %scan3A_157 : i32 to index
          %get3A_255 = arith.constant 112 : index
          %get3A_256 = tpu.vector_load %arg5[%get3A_254, %get3A_255] {strides = array<i32>} : memref<16x1024xf32, #tpu.memory_space<vmem>>, vector<1x16xf32>,
          %get3A_257 = vector.shape_cast %get3A_256 : vector<1x16xf32> to vector<16xf32>
          %get3A_258 = arith.index_cast %scan3A_157 : i32 to index
          %get3A_259 = arith.constant 112 : index
          %get3A_260 = tpu.vector_load %arg9[%get3A_258, %get3A_259] {strides = array<i32>} : memref<16x1024xf32, #tpu.memory_space<vmem>>, vector<1x16xf32>,
          %get3A_261 = vector.shape_cast %get3A_260 : vector<1x16xf32> to vector<16xf32>
          %add3A_262 = arith.addf %get3A_257, %get3A_261 : vector<16xf32>
          %swap3A_263 = arith.index_cast %scan3A_157 : i32 to index
          %swap3A_264 = arith.constant 112 : index
          %swap3A_265 = tpu.vector_load %arg7[%swap3A_263, %swap3A_264] {strides = array<i32>} : memref<16x1024xf32, #tpu.memory_space<vmem>>, vector<1x16xf32>,
          %swap3A_266 = vector.shape_cast %swap3A_265 : vector<1x16xf32> to vector<16xf32>
          %swap3A_267 = vector.shape_cast %add3A_262 : vector<16xf32> to vector<1x16xf32>
          tpu.vector_store %arg7[%swap3A_263, %swap3A_264], %swap3A_267 {strides = array<i32>} : memref<16x1024xf32, #tpu.memory_space<vmem>>, vector<1x16xf32>,
          %get3A_268 = arith.index_cast %scan3A_157 : i32 to index
          %get3A_269 = arith.constant 128 : index
          %get3A_270 = tpu.vector_load %arg5[%get3A_268, %get3A_269] {strides = array<i32>} : memref<16x1024xf32, #tpu.memory_space<vmem>>, vector<1x16xf32>,
          %get3A_271 = vector.shape_cast %get3A_270 : vector<1x16xf32> to vector<16xf32>
          %get3A_272 = arith.index_cast %scan3A_157 : i32 to index
          %get3A_273 = arith.constant 128 : index
          %get3A_274 = tpu.vector_load %arg9[%get3A_272, %get3A_273] {strides = array<i32>} : memref<16x1024xf32, #tpu.memory_space<vmem>>, vector<1x16xf32>,
          %get3A_275 = vector.shape_cast %get3A_274 : vector<1x16xf32> to vector<16xf32>
          %add3A_276 = arith.addf %get3A_271, %get3A_275 : vector<16xf32>
          %swap3A_277 = arith.index_cast %scan3A_157 : i32 to index
          %swap3A_278 = arith.constant 128 : index
          %swap3A_279 = tpu.vector_load %arg7[%swap3A_277, %swap3A_278] {strides = array<i32>} : memref<16x1024xf32, #tpu.memory_space<vmem>>, vector<1x16xf32>,
          %swap3A_280 = vector.shape_cast %swap3A_279 : vector<1x16xf32> to vector<16xf32>
          %swap3A_281 = vector.shape_cast %add3A_276 : vector<16xf32> to vector<1x16xf32>
          tpu.vector_store %arg7[%swap3A_277, %swap3A_278], %swap3A_281 {strides = array<i32>} : memref<16x1024xf32, #tpu.memory_space<vmem>>, vector<1x16xf32>,
          %get3A_282 = arith.index_cast %scan3A_157 : i32 to index
          %get3A_283 = arith.constant 144 : index
          %get3A_284 = tpu.vector_load %arg5[%get3A_282, %get3A_283] {strides = array<i32>} : memref<16x1024xf32, #tpu.memory_space<vmem>>, vector<1x16xf32>,
          %get3A_285 = vector.shape_cast %get3A_284 : vector<1x16xf32> to vector<16xf32>
          %get3A_286 = arith.index_cast %scan3A_157 : i32 to index
          %get3A_287 = arith.constant 144 : index
          %get3A_288 = tpu.vector_load %arg9[%get3A_286, %get3A_287] {strides = array<i32>} : memref<16x1024xf32, #tpu.memory_space<vmem>>, vector<1x16xf32>,
          %get3A_289 = vector.shape_cast %get3A_288 : vector<1x16xf32> to vector<16xf32>
          %add3A_290 = arith.addf %get3A_285, %get3A_289 : vector<16xf32>
          %swap3A_291 = arith.index_cast %scan3A_157 : i32 to index
          %swap3A_292 = arith.constant 144 : index
          %swap3A_293 = tpu.vector_load %arg7[%swap3A_291, %swap3A_292] {strides = array<i32>} : memref<16x1024xf32, #tpu.memory_space<vmem>>, vector<1x16xf32>,
          %swap3A_294 = vector.shape_cast %swap3A_293 : vector<1x16xf32> to vector<16xf32>
          %swap3A_295 = vector.shape_cast %add3A_290 : vector<16xf32> to vector<1x16xf32>
          tpu.vector_store %arg7[%swap3A_291, %swap3A_292], %swap3A_295 {strides = array<i32>} : memref<16x1024xf32, #tpu.memory_space<vmem>>, vector<1x16xf32>,
          %get3A_296 = arith.index_cast %scan3A_157 : i32 to index
          %get3A_297 = arith.constant 160 : index
          %get3A_298 = tpu.vector_load %arg5[%get3A_296, %get3A_297] {strides = array<i32>} : memref<16x1024xf32, #tpu.memory_space<vmem>>, vector<1x16xf32>,
          %get3A_299 = vector.shape_cast %get3A_298 : vector<1x16xf32> to vector<16xf32>
          %get3A_300 = arith.index_cast %scan3A_157 : i32 to index
          %get3A_301 = arith.constant 160 : index
          %get3A_302 = tpu.vector_load %arg9[%get3A_300, %get3A_301] {strides = array<i32>} : memref<16x1024xf32, #tpu.memory_space<vmem>>, vector<1x16xf32>,
          %get3A_303 = vector.shape_cast %get3A_302 : vector<1x16xf32> to vector<16xf32>
          %add3A_304 = arith.addf %get3A_299, %get3A_303 : vector<16xf32>
          %swap3A_305 = arith.index_cast %scan3A_157 : i32 to index
          %swap3A_306 = arith.constant 160 : index
          %swap3A_307 = tpu.vector_load %arg7[%swap3A_305, %swap3A_306] {strides = array<i32>} : memref<16x1024xf32, #tpu.memory_space<vmem>>, vector<1x16xf32>,
          %swap3A_308 = vector.shape_cast %swap3A_307 : vector<1x16xf32> to vector<16xf32>
          %swap3A_309 = vector.shape_cast %add3A_304 : vector<16xf32> to vector<1x16xf32>
          tpu.vector_store %arg7[%swap3A_305, %swap3A_306], %swap3A_309 {strides = array<i32>} : memref<16x1024xf32, #tpu.memory_space<vmem>>, vector<1x16xf32>,
          %get3A_310 = arith.index_cast %scan3A_157 : i32 to index
          %get3A_311 = arith.constant 176 : index
          %get3A_312 = tpu.vector_load %arg5[%get3A_310, %get3A_311] {strides = array<i32>} : memref<16x1024xf32, #tpu.memory_space<vmem>>, vector<1x16xf32>,
          %get3A_313 = vector.shape_cast %get3A_312 : vector<1x16xf32> to vector<16xf32>
          %get3A_314 = arith.index_cast %scan3A_157 : i32 to index
          %get3A_315 = arith.constant 176 : index
          %get3A_316 = tpu.vector_load %arg9[%get3A_314, %get3A_315] {strides = array<i32>} : memref<16x1024xf32, #tpu.memory_space<vmem>>, vector<1x16xf32>,
          %get3A_317 = vector.shape_cast %get3A_316 : vector<1x16xf32> to vector<16xf32>
          %add3A_318 = arith.addf %get3A_313, %get3A_317 : vector<16xf32>
          %swap3A_319 = arith.index_cast %scan3A_157 : i32 to index
          %swap3A_320 = arith.constant 176 : index
          %swap3A_321 = tpu.vector_load %arg7[%swap3A_319, %swap3A_320] {strides = array<i32>} : memref<16x1024xf32, #tpu.memory_space<vmem>>, vector<1x16xf32>,
          %swap3A_322 = vector.shape_cast %swap3A_321 : vector<1x16xf32> to vector<16xf32>
          %swap3A_323 = vector.shape_cast %add3A_318 : vector<16xf32> to vector<1x16xf32>
          tpu.vector_store %arg7[%swap3A_319, %swap3A_320], %swap3A_323 {strides = array<i32>} : memref<16x1024xf32, #tpu.memory_space<vmem>>, vector<1x16xf32>,
          %get3A_324 = arith.index_cast %scan3A_157 : i32 to index
          %get3A_325 = arith.constant 192 : index
          %get3A_326 = tpu.vector_load %arg5[%get3A_324, %get3A_325] {strides = array<i32>} : memref<16x1024xf32, #tpu.memory_space<vmem>>, vector<1x16xf32>,
          %get3A_327 = vector.shape_cast %get3A_326 : vector<1x16xf32> to vector<16xf32>
          %get3A_328 = arith.index_cast %scan3A_157 : i32 to index
          %get3A_329 = arith.constant 192 : index
          %get3A_330 = tpu.vector_load %arg9[%get3A_328, %get3A_329] {strides = array<i32>} : memref<16x1024xf32, #tpu.memory_space<vmem>>, vector<1x16xf32>,
          %get3A_331 = vector.shape_cast %get3A_330 : vector<1x16xf32> to vector<16xf32>
          %add3A_332 = arith.addf %get3A_327, %get3A_331 : vector<16xf32>
          %swap3A_333 = arith.index_cast %scan3A_157 : i32 to index
          %swap3A_334 = arith.constant 192 : index
          %swap3A_335 = tpu.vector_load %arg7[%swap3A_333, %swap3A_334] {strides = array<i32>} : memref<16x1024xf32, #tpu.memory_space<vmem>>, vector<1x16xf32>,
          %swap3A_336 = vector.shape_cast %swap3A_335 : vector<1x16xf32> to vector<16xf32>
          %swap3A_337 = vector.shape_cast %add3A_332 : vector<16xf32> to vector<1x16xf32>
          tpu.vector_store %arg7[%swap3A_333, %swap3A_334], %swap3A_337 {strides = array<i32>} : memref<16x1024xf32, #tpu.memory_space<vmem>>, vector<1x16xf32>,
          %get3A_338 = arith.index_cast %scan3A_157 : i32 to index
          %get3A_339 = arith.constant 208 : index
          %get3A_340 = tpu.vector_load %arg5[%get3A_338, %get3A_339] {strides = array<i32>} : memref<16x1024xf32, #tpu.memory_space<vmem>>, vector<1x16xf32>,
          %get3A_341 = vector.shape_cast %get3A_340 : vector<1x16xf32> to vector<16xf32>
          %get3A_342 = arith.index_cast %scan3A_157 : i32 to index
          %get3A_343 = arith.constant 208 : index
          %get3A_344 = tpu.vector_load %arg9[%get3A_342, %get3A_343] {strides = array<i32>} : memref<16x1024xf32, #tpu.memory_space<vmem>>, vector<1x16xf32>,
          %get3A_345 = vector.shape_cast %get3A_344 : vector<1x16xf32> to vector<16xf32>
          %add3A_346 = arith.addf %get3A_341, %get3A_345 : vector<16xf32>
          %swap3A_347 = arith.index_cast %scan3A_157 : i32 to index
          %swap3A_348 = arith.constant 208 : index
          %swap3A_349 = tpu.vector_load %arg7[%swap3A_347, %swap3A_348] {strides = array<i32>} : memref<16x1024xf32, #tpu.memory_space<vmem>>, vector<1x16xf32>,
          %swap3A_350 = vector.shape_cast %swap3A_349 : vector<1x16xf32> to vector<16xf32>
          %swap3A_351 = vector.shape_cast %add3A_346 : vector<16xf32> to vector<1x16xf32>
          tpu.vector_store %arg7[%swap3A_347, %swap3A_348], %swap3A_351 {strides = array<i32>} : memref<16x1024xf32, #tpu.memory_space<vmem>>, vector<1x16xf32>,
          %get3A_352 = arith.index_cast %scan3A_157 : i32 to index
          %get3A_353 = arith.constant 224 : index
          %get3A_354 = tpu.vector_load %arg5[%get3A_352, %get3A_353] {strides = array<i32>} : memref<16x1024xf32, #tpu.memory_space<vmem>>, vector<1x16xf32>,
          %get3A_355 = vector.shape_cast %get3A_354 : vector<1x16xf32> to vector<16xf32>
          %get3A_356 = arith.index_cast %scan3A_157 : i32 to index
          %get3A_357 = arith.constant 224 : index
          %get3A_358 = tpu.vector_load %arg9[%get3A_356, %get3A_357] {strides = array<i32>} : memref<16x1024xf32, #tpu.memory_space<vmem>>, vector<1x16xf32>,
          %get3A_359 = vector.shape_cast %get3A_358 : vector<1x16xf32> to vector<16xf32>
          %add3A_360 = arith.addf %get3A_355, %get3A_359 : vector<16xf32>
          %swap3A_361 = arith.index_cast %scan3A_157 : i32 to index
          %swap3A_362 = arith.constant 224 : index
          %swap3A_363 = tpu.vector_load %arg7[%swap3A_361, %swap3A_362] {strides = array<i32>} : memref<16x1024xf32, #tpu.memory_space<vmem>>, vector<1x16xf32>,
          %swap3A_364 = vector.shape_cast %swap3A_363 : vector<1x16xf32> to vector<16xf32>
          %swap3A_365 = vector.shape_cast %add3A_360 : vector<16xf32> to vector<1x16xf32>
          tpu.vector_store %arg7[%swap3A_361, %swap3A_362], %swap3A_365 {strides = array<i32>} : memref<16x1024xf32, #tpu.memory_space<vmem>>, vector<1x16xf32>,
          %get3A_366 = arith.index_cast %scan3A_157 : i32 to index
          %get3A_367 = arith.constant 240 : index
          %get3A_368 = tpu.vector_load %arg5[%get3A_366, %get3A_367] {strides = array<i32>} : memref<16x1024xf32, #tpu.memory_space<vmem>>, vector<1x16xf32>,
          %get3A_369 = vector.shape_cast %get3A_368 : vector<1x16xf32> to vector<16xf32>
          %get3A_370 = arith.index_cast %scan3A_157 : i32 to index
          %get3A_371 = arith.constant 240 : index
          %get3A_372 = tpu.vector_load %arg9[%get3A_370, %get3A_371] {strides = array<i32>} : memref<16x1024xf32, #tpu.memory_space<vmem>>, vector<1x16xf32>,
          %get3A_373 = vector.shape_cast %get3A_372 : vector<1x16xf32> to vector<16xf32>
          %add3A_374 = arith.addf %get3A_369, %get3A_373 : vector<16xf32>
          %swap3A_375 = arith.index_cast %scan3A_157 : i32 to index
          %swap3A_376 = arith.constant 240 : index
          %swap3A_377 = tpu.vector_load %arg7[%swap3A_375, %swap3A_376] {strides = array<i32>} : memref<16x1024xf32, #tpu.memory_space<vmem>>, vector<1x16xf32>,
          %swap3A_378 = vector.shape_cast %swap3A_377 : vector<1x16xf32> to vector<16xf32>
          %swap3A_379 = vector.shape_cast %add3A_374 : vector<16xf32> to vector<1x16xf32>
          tpu.vector_store %arg7[%swap3A_375, %swap3A_376], %swap3A_379 {strides = array<i32>} : memref<16x1024xf32, #tpu.memory_space<vmem>>, vector<1x16xf32>,
          %get3A_380 = arith.index_cast %scan3A_157 : i32 to index
          %get3A_381 = arith.constant 256 : index
          %get3A_382 = tpu.vector_load %arg5[%get3A_380, %get3A_381] {strides = array<i32>} : memref<16x1024xf32, #tpu.memory_space<vmem>>, vector<1x16xf32>,
          %get3A_383 = vector.shape_cast %get3A_382 : vector<1x16xf32> to vector<16xf32>
          %get3A_384 = arith.index_cast %scan3A_157 : i32 to index
          %get3A_385 = arith.constant 256 : index
          %get3A_386 = tpu.vector_load %arg9[%get3A_384, %get3A_385] {strides = array<i32>} : memref<16x1024xf32, #tpu.memory_space<vmem>>, vector<1x16xf32>,
          %get3A_387 = vector.shape_cast %get3A_386 : vector<1x16xf32> to vector<16xf32>
          %add3A_388 = arith.addf %get3A_383, %get3A_387 : vector<16xf32>
          %swap3A_389 = arith.index_cast %scan3A_157 : i32 to index
          %swap3A_390 = arith.constant 256 : index
          %swap3A_391 = tpu.vector_load %arg7[%swap3A_389, %swap3A_390] {strides = array<i32>} : memref<16x1024xf32, #tpu.memory_space<vmem>>, vector<1x16xf32>,
          %swap3A_392 = vector.shape_cast %swap3A_391 : vector<1x16xf32> to vector<16xf32>
          %swap3A_393 = vector.shape_cast %add3A_388 : vector<16xf32> to vector<1x16xf32>
          tpu.vector_store %arg7[%swap3A_389, %swap3A_390], %swap3A_393 {strides = array<i32>} : memref<16x1024xf32, #tpu.memory_space<vmem>>, vector<1x16xf32>,
          %get3A_394 = arith.index_cast %scan3A_157 : i32 to index
          %get3A_395 = arith.constant 272 : index
          %get3A_396 = tpu.vector_load %arg5[%get3A_394, %get3A_395] {strides = array<i32>} : memref<16x1024xf32, #tpu.memory_space<vmem>>, vector<1x16xf32>,
          %get3A_397 = vector.shape_cast %get3A_396 : vector<1x16xf32> to vector<16xf32>
          %get3A_398 = arith.index_cast %scan3A_157 : i32 to index
          %get3A_399 = arith.constant 272 : index
          %get3A_400 = tpu.vector_load %arg9[%get3A_398, %get3A_399] {strides = array<i32>} : memref<16x1024xf32, #tpu.memory_space<vmem>>, vector<1x16xf32>,
          %get3A_401 = vector.shape_cast %get3A_400 : vector<1x16xf32> to vector<16xf32>
          %add3A_402 = arith.addf %get3A_397, %get3A_401 : vector<16xf32>
          %swap3A_403 = arith.index_cast %scan3A_157 : i32 to index
          %swap3A_404 = arith.constant 272 : index
          %swap3A_405 = tpu.vector_load %arg7[%swap3A_403, %swap3A_404] {strides = array<i32>} : memref<16x1024xf32, #tpu.memory_space<vmem>>, vector<1x16xf32>,
          %swap3A_406 = vector.shape_cast %swap3A_405 : vector<1x16xf32> to vector<16xf32>
          %swap3A_407 = vector.shape_cast %add3A_402 : vector<16xf32> to vector<1x16xf32>
          tpu.vector_store %arg7[%swap3A_403, %swap3A_404], %swap3A_407 {strides = array<i32>} : memref<16x1024xf32, #tpu.memory_space<vmem>>, vector<1x16xf32>,
          %get3A_408 = arith.index_cast %scan3A_157 : i32 to index
          %get3A_409 = arith.constant 288 : index
          %get3A_410 = tpu.vector_load %arg5[%get3A_408, %get3A_409] {strides = array<i32>} : memref<16x1024xf32, #tpu.memory_space<vmem>>, vector<1x16xf32>,
          %get3A_411 = vector.shape_cast %get3A_410 : vector<1x16xf32> to vector<16xf32>
          %get3A_412 = arith.index_cast %scan3A_157 : i32 to index
          %get3A_413 = arith.constant 288 : index
          %get3A_414 = tpu.vector_load %arg9[%get3A_412, %get3A_413] {strides = array<i32>} : memref<16x1024xf32, #tpu.memory_space<vmem>>, vector<1x16xf32>,
          %get3A_415 = vector.shape_cast %get3A_414 : vector<1x16xf32> to vector<16xf32>
          %add3A_416 = arith.addf %get3A_411, %get3A_415 : vector<16xf32>
          %swap3A_417 = arith.index_cast %scan3A_157 : i32 to index
          %swap3A_418 = arith.constant 288 : index
          %swap3A_419 = tpu.vector_load %arg7[%swap3A_417, %swap3A_418] {strides = array<i32>} : memref<16x1024xf32, #tpu.memory_space<vmem>>, vector<1x16xf32>,
          %swap3A_420 = vector.shape_cast %swap3A_419 : vector<1x16xf32> to vector<16xf32>
          %swap3A_421 = vector.shape_cast %add3A_416 : vector<16xf32> to vector<1x16xf32>
          tpu.vector_store %arg7[%swap3A_417, %swap3A_418], %swap3A_421 {strides = array<i32>} : memref<16x1024xf32, #tpu.memory_space<vmem>>, vector<1x16xf32>,
          %get3A_422 = arith.index_cast %scan3A_157 : i32 to index
          %get3A_423 = arith.constant 304 : index
          %get3A_424 = tpu.vector_load %arg5[%get3A_422, %get3A_423] {strides = array<i32>} : memref<16x1024xf32, #tpu.memory_space<vmem>>, vector<1x16xf32>,
          %get3A_425 = vector.shape_cast %get3A_424 : vector<1x16xf32> to vector<16xf32>
          %get3A_426 = arith.index_cast %scan3A_157 : i32 to index
          %get3A_427 = arith.constant 304 : index
          %get3A_428 = tpu.vector_load %arg9[%get3A_426, %get3A_427] {strides = array<i32>} : memref<16x1024xf32, #tpu.memory_space<vmem>>, vector<1x16xf32>,
          %get3A_429 = vector.shape_cast %get3A_428 : vector<1x16xf32> to vector<16xf32>
          %add3A_430 = arith.addf %get3A_425, %get3A_429 : vector<16xf32>
          %swap3A_431 = arith.index_cast %scan3A_157 : i32 to index
          %swap3A_432 = arith.constant 304 : index
          %swap3A_433 = tpu.vector_load %arg7[%swap3A_431, %swap3A_432] {strides = array<i32>} : memref<16x1024xf32, #tpu.memory_space<vmem>>, vector<1x16xf32>,
          %swap3A_434 = vector.shape_cast %swap3A_433 : vector<1x16xf32> to vector<16xf32>
          %swap3A_435 = vector.shape_cast %add3A_430 : vector<16xf32> to vector<1x16xf32>
          tpu.vector_store %arg7[%swap3A_431, %swap3A_432], %swap3A_435 {strides = array<i32>} : memref<16x1024xf32, #tpu.memory_space<vmem>>, vector<1x16xf32>,
          %get3A_436 = arith.index_cast %scan3A_157 : i32 to index
          %get3A_437 = arith.constant 320 : index
          %get3A_438 = tpu.vector_load %arg5[%get3A_436, %get3A_437] {strides = array<i32>} : memref<16x1024xf32, #tpu.memory_space<vmem>>, vector<1x16xf32>,
          %get3A_439 = vector.shape_cast %get3A_438 : vector<1x16xf32> to vector<16xf32>
          %get3A_440 = arith.index_cast %scan3A_157 : i32 to index
          %get3A_441 = arith.constant 320 : index
          %get3A_442 = tpu.vector_load %arg9[%get3A_440, %get3A_441] {strides = array<i32>} : memref<16x1024xf32, #tpu.memory_space<vmem>>, vector<1x16xf32>,
          %get3A_443 = vector.shape_cast %get3A_442 : vector<1x16xf32> to vector<16xf32>
          %add3A_444 = arith.addf %get3A_439, %get3A_443 : vector<16xf32>
          %swap3A_445 = arith.index_cast %scan3A_157 : i32 to index
          %swap3A_446 = arith.constant 320 : index
          %swap3A_447 = tpu.vector_load %arg7[%swap3A_445, %swap3A_446] {strides = array<i32>} : memref<16x1024xf32, #tpu.memory_space<vmem>>, vector<1x16xf32>,
          %swap3A_448 = vector.shape_cast %swap3A_447 : vector<1x16xf32> to vector<16xf32>
          %swap3A_449 = vector.shape_cast %add3A_444 : vector<16xf32> to vector<1x16xf32>
          tpu.vector_store %arg7[%swap3A_445, %swap3A_446], %swap3A_449 {strides = array<i32>} : memref<16x1024xf32, #tpu.memory_space<vmem>>, vector<1x16xf32>,
          %get3A_450 = arith.index_cast %scan3A_157 : i32 to index
          %get3A_451 = arith.constant 336 : index
          %get3A_452 = tpu.vector_load %arg5[%get3A_450, %get3A_451] {strides = array<i32>} : memref<16x1024xf32, #tpu.memory_space<vmem>>, vector<1x16xf32>,
          %get3A_453 = vector.shape_cast %get3A_452 : vector<1x16xf32> to vector<16xf32>
          %get3A_454 = arith.index_cast %scan3A_157 : i32 to index
          %get3A_455 = arith.constant 336 : index
          %get3A_456 = tpu.vector_load %arg9[%get3A_454, %get3A_455] {strides = array<i32>} : memref<16x1024xf32, #tpu.memory_space<vmem>>, vector<1x16xf32>,
          %get3A_457 = vector.shape_cast %get3A_456 : vector<1x16xf32> to vector<16xf32>
          %add3A_458 = arith.addf %get3A_453, %get3A_457 : vector<16xf32>
          %swap3A_459 = arith.index_cast %scan3A_157 : i32 to index
          %swap3A_460 = arith.constant 336 : index
          %swap3A_461 = tpu.vector_load %arg7[%swap3A_459, %swap3A_460] {strides = array<i32>} : memref<16x1024xf32, #tpu.memory_space<vmem>>, vector<1x16xf32>,
          %swap3A_462 = vector.shape_cast %swap3A_461 : vector<1x16xf32> to vector<16xf32>
          %swap3A_463 = vector.shape_cast %add3A_458 : vector<16xf32> to vector<1x16xf32>
          tpu.vector_store %arg7[%swap3A_459, %swap3A_460], %swap3A_463 {strides = array<i32>} : memref<16x1024xf32, #tpu.memory_space<vmem>>, vector<1x16xf32>,
          %get3A_464 = arith.index_cast %scan3A_157 : i32 to index
          %get3A_465 = arith.constant 352 : index
          %get3A_466 = tpu.vector_load %arg5[%get3A_464, %get3A_465] {strides = array<i32>} : memref<16x1024xf32, #tpu.memory_space<vmem>>, vector<1x16xf32>,
          %get3A_467 = vector.shape_cast %get3A_466 : vector<1x16xf32> to vector<16xf32>
          %get3A_468 = arith.index_cast %scan3A_157 : i32 to index
          %get3A_469 = arith.constant 352 : index
          %get3A_470 = tpu.vector_load %arg9[%get3A_468, %get3A_469] {strides = array<i32>} : memref<16x1024xf32, #tpu.memory_space<vmem>>, vector<1x16xf32>,
          %get3A_471 = vector.shape_cast %get3A_470 : vector<1x16xf32> to vector<16xf32>
          %add3A_472 = arith.addf %get3A_467, %get3A_471 : vector<16xf32>
          %swap3A_473 = arith.index_cast %scan3A_157 : i32 to index
          %swap3A_474 = arith.constant 352 : index
          %swap3A_475 = tpu.vector_load %arg7[%swap3A_473, %swap3A_474] {strides = array<i32>} : memref<16x1024xf32, #tpu.memory_space<vmem>>, vector<1x16xf32>,
          %swap3A_476 = vector.shape_cast %swap3A_475 : vector<1x16xf32> to vector<16xf32>
          %swap3A_477 = vector.shape_cast %add3A_472 : vector<16xf32> to vector<1x16xf32>
          tpu.vector_store %arg7[%swap3A_473, %swap3A_474], %swap3A_477 {strides = array<i32>} : memref<16x1024xf32, #tpu.memory_space<vmem>>, vector<1x16xf32>,
          %get3A_478 = arith.index_cast %scan3A_157 : i32 to index
          %get3A_479 = arith.constant 368 : index
          %get3A_480 = tpu.vector_load %arg5[%get3A_478, %get3A_479] {strides = array<i32>} : memref<16x1024xf32, #tpu.memory_space<vmem>>, vector<1x16xf32>,
          %get3A_481 = vector.shape_cast %get3A_480 : vector<1x16xf32> to vector<16xf32>
          %get3A_482 = arith.index_cast %scan3A_157 : i32 to index
          %get3A_483 = arith.constant 368 : index
          %get3A_484 = tpu.vector_load %arg9[%get3A_482, %get3A_483] {strides = array<i32>} : memref<16x1024xf32, #tpu.memory_space<vmem>>, vector<1x16xf32>,
          %get3A_485 = vector.shape_cast %get3A_484 : vector<1x16xf32> to vector<16xf32>
          %add3A_486 = arith.addf %get3A_481, %get3A_485 : vector<16xf32>
          %swap3A_487 = arith.index_cast %scan3A_157 : i32 to index
          %swap3A_488 = arith.constant 368 : index
          %swap3A_489 = tpu.vector_load %arg7[%swap3A_487, %swap3A_488] {strides = array<i32>} : memref<16x1024xf32, #tpu.memory_space<vmem>>, vector<1x16xf32>,
          %swap3A_490 = vector.shape_cast %swap3A_489 : vector<1x16xf32> to vector<16xf32>
          %swap3A_491 = vector.shape_cast %add3A_486 : vector<16xf32> to vector<1x16xf32>
          tpu.vector_store %arg7[%swap3A_487, %swap3A_488], %swap3A_491 {strides = array<i32>} : memref<16x1024xf32, #tpu.memory_space<vmem>>, vector<1x16xf32>,
          %get3A_492 = arith.index_cast %scan3A_157 : i32 to index
          %get3A_493 = arith.constant 384 : index
          %get3A_494 = tpu.vector_load %arg5[%get3A_492, %get3A_493] {strides = array<i32>} : memref<16x1024xf32, #tpu.memory_space<vmem>>, vector<1x16xf32>,
          %get3A_495 = vector.shape_cast %get3A_494 : vector<1x16xf32> to vector<16xf32>
          %get3A_496 = arith.index_cast %scan3A_157 : i32 to index
          %get3A_497 = arith.constant 384 : index
          %get3A_498 = tpu.vector_load %arg9[%get3A_496, %get3A_497] {strides = array<i32>} : memref<16x1024xf32, #tpu.memory_space<vmem>>, vector<1x16xf32>,
          %get3A_499 = vector.shape_cast %get3A_498 : vector<1x16xf32> to vector<16xf32>
          %add3A_500 = arith.addf %get3A_495, %get3A_499 : vector<16xf32>
          %swap3A_501 = arith.index_cast %scan3A_157 : i32 to index
          %swap3A_502 = arith.constant 384 : index
          %swap3A_503 = tpu.vector_load %arg7[%swap3A_501, %swap3A_502] {strides = array<i32>} : memref<16x1024xf32, #tpu.memory_space<vmem>>, vector<1x16xf32>,
          %swap3A_504 = vector.shape_cast %swap3A_503 : vector<1x16xf32> to vector<16xf32>
          %swap3A_505 = vector.shape_cast %add3A_500 : vector<16xf32> to vector<1x16xf32>
          tpu.vector_store %arg7[%swap3A_501, %swap3A_502], %swap3A_505 {strides = array<i32>} : memref<16x1024xf32, #tpu.memory_space<vmem>>, vector<1x16xf32>,
          %get3A_506 = arith.index_cast %scan3A_157 : i32 to index
          %get3A_507 = arith.constant 400 : index
          %get3A_508 = tpu.vector_load %arg5[%get3A_506, %get3A_507] {strides = array<i32>} : memref<16x1024xf32, #tpu.memory_space<vmem>>, vector<1x16xf32>,
          %get3A_509 = vector.shape_cast %get3A_508 : vector<1x16xf32> to vector<16xf32>
          %get3A_510 = arith.index_cast %scan3A_157 : i32 to index
          %get3A_511 = arith.constant 400 : index
          %get3A_512 = tpu.vector_load %arg9[%get3A_510, %get3A_511] {strides = array<i32>} : memref<16x1024xf32, #tpu.memory_space<vmem>>, vector<1x16xf32>,
          %get3A_513 = vector.shape_cast %get3A_512 : vector<1x16xf32> to vector<16xf32>
          %add3A_514 = arith.addf %get3A_509, %get3A_513 : vector<16xf32>
          %swap3A_515 = arith.index_cast %scan3A_157 : i32 to index
          %swap3A_516 = arith.constant 400 : index
          %swap3A_517 = tpu.vector_load %arg7[%swap3A_515, %swap3A_516] {strides = array<i32>} : memref<16x1024xf32, #tpu.memory_space<vmem>>, vector<1x16xf32>,
          %swap3A_518 = vector.shape_cast %swap3A_517 : vector<1x16xf32> to vector<16xf32>
          %swap3A_519 = vector.shape_cast %add3A_514 : vector<16xf32> to vector<1x16xf32>
          tpu.vector_store %arg7[%swap3A_515, %swap3A_516], %swap3A_519 {strides = array<i32>} : memref<16x1024xf32, #tpu.memory_space<vmem>>, vector<1x16xf32>,
          %get3A_520 = arith.index_cast %scan3A_157 : i32 to index
          %get3A_521 = arith.constant 416 : index
          %get3A_522 = tpu.vector_load %arg5[%get3A_520, %get3A_521] {strides = array<i32>} : memref<16x1024xf32, #tpu.memory_space<vmem>>, vector<1x16xf32>,
          %get3A_523 = vector.shape_cast %get3A_522 : vector<1x16xf32> to vector<16xf32>
          %get3A_524 = arith.index_cast %scan3A_157 : i32 to index
          %get3A_525 = arith.constant 416 : index
          %get3A_526 = tpu.vector_load %arg9[%get3A_524, %get3A_525] {strides = array<i32>} : memref<16x1024xf32, #tpu.memory_space<vmem>>, vector<1x16xf32>,
          %get3A_527 = vector.shape_cast %get3A_526 : vector<1x16xf32> to vector<16xf32>
          %add3A_528 = arith.addf %get3A_523, %get3A_527 : vector<16xf32>
          %swap3A_529 = arith.index_cast %scan3A_157 : i32 to index
          %swap3A_530 = arith.constant 416 : index
          %swap3A_531 = tpu.vector_load %arg7[%swap3A_529, %swap3A_530] {strides = array<i32>} : memref<16x1024xf32, #tpu.memory_space<vmem>>, vector<1x16xf32>,
          %swap3A_532 = vector.shape_cast %swap3A_531 : vector<1x16xf32> to vector<16xf32>
          %swap3A_533 = vector.shape_cast %add3A_528 : vector<16xf32> to vector<1x16xf32>
          tpu.vector_store %arg7[%swap3A_529, %swap3A_530], %swap3A_533 {strides = array<i32>} : memref<16x1024xf32, #tpu.memory_space<vmem>>, vector<1x16xf32>,
          %get3A_534 = arith.index_cast %scan3A_157 : i32 to index
          %get3A_535 = arith.constant 432 : index
          %get3A_536 = tpu.vector_load %arg5[%get3A_534, %get3A_535] {strides = array<i32>} : memref<16x1024xf32, #tpu.memory_space<vmem>>, vector<1x16xf32>,
          %get3A_537 = vector.shape_cast %get3A_536 : vector<1x16xf32> to vector<16xf32>
          %get3A_538 = arith.index_cast %scan3A_157 : i32 to index
          %get3A_539 = arith.constant 432 : index
          %get3A_540 = tpu.vector_load %arg9[%get3A_538, %get3A_539] {strides = array<i32>} : memref<16x1024xf32, #tpu.memory_space<vmem>>, vector<1x16xf32>,
          %get3A_541 = vector.shape_cast %get3A_540 : vector<1x16xf32> to vector<16xf32>
          %add3A_542 = arith.addf %get3A_537, %get3A_541 : vector<16xf32>
          %swap3A_543 = arith.index_cast %scan3A_157 : i32 to index
          %swap3A_544 = arith.constant 432 : index
          %swap3A_545 = tpu.vector_load %arg7[%swap3A_543, %swap3A_544] {strides = array<i32>} : memref<16x1024xf32, #tpu.memory_space<vmem>>, vector<1x16xf32>,
          %swap3A_546 = vector.shape_cast %swap3A_545 : vector<1x16xf32> to vector<16xf32>
          %swap3A_547 = vector.shape_cast %add3A_542 : vector<16xf32> to vector<1x16xf32>
          tpu.vector_store %arg7[%swap3A_543, %swap3A_544], %swap3A_547 {strides = array<i32>} : memref<16x1024xf32, #tpu.memory_space<vmem>>, vector<1x16xf32>,
          %get3A_548 = arith.index_cast %scan3A_157 : i32 to index
          %get3A_549 = arith.constant 448 : index
          %get3A_550 = tpu.vector_load %arg5[%get3A_548, %get3A_549] {strides = array<i32>} : memref<16x1024xf32, #tpu.memory_space<vmem>>, vector<1x16xf32>,
          %get3A_551 = vector.shape_cast %get3A_550 : vector<1x16xf32> to vector<16xf32>
          %get3A_552 = arith.index_cast %scan3A_157 : i32 to index
          %get3A_553 = arith.constant 448 : index
          %get3A_554 = tpu.vector_load %arg9[%get3A_552, %get3A_553] {strides = array<i32>} : memref<16x1024xf32, #tpu.memory_space<vmem>>, vector<1x16xf32>,
          %get3A_555 = vector.shape_cast %get3A_554 : vector<1x16xf32> to vector<16xf32>
          %add3A_556 = arith.addf %get3A_551, %get3A_555 : vector<16xf32>
          %swap3A_557 = arith.index_cast %scan3A_157 : i32 to index
          %swap3A_558 = arith.constant 448 : index
          %swap3A_559 = tpu.vector_load %arg7[%swap3A_557, %swap3A_558] {strides = array<i32>} : memref<16x1024xf32, #tpu.memory_space<vmem>>, vector<1x16xf32>,
          %swap3A_560 = vector.shape_cast %swap3A_559 : vector<1x16xf32> to vector<16xf32>
          %swap3A_561 = vector.shape_cast %add3A_556 : vector<16xf32> to vector<1x16xf32>
          tpu.vector_store %arg7[%swap3A_557, %swap3A_558], %swap3A_561 {strides = array<i32>} : memref<16x1024xf32, #tpu.memory_space<vmem>>, vector<1x16xf32>,
          %get3A_562 = arith.index_cast %scan3A_157 : i32 to index
          %get3A_563 = arith.constant 464 : index
          %get3A_564 = tpu.vector_load %arg5[%get3A_562, %get3A_563] {strides = array<i32>} : memref<16x1024xf32, #tpu.memory_space<vmem>>, vector<1x16xf32>,
          %get3A_565 = vector.shape_cast %get3A_564 : vector<1x16xf32> to vector<16xf32>
          %get3A_566 = arith.index_cast %scan3A_157 : i32 to index
          %get3A_567 = arith.constant 464 : index
          %get3A_568 = tpu.vector_load %arg9[%get3A_566, %get3A_567] {strides = array<i32>} : memref<16x1024xf32, #tpu.memory_space<vmem>>, vector<1x16xf32>,
          %get3A_569 = vector.shape_cast %get3A_568 : vector<1x16xf32> to vector<16xf32>
          %add3A_570 = arith.addf %get3A_565, %get3A_569 : vector<16xf32>
          %swap3A_571 = arith.index_cast %scan3A_157 : i32 to index
          %swap3A_572 = arith.constant 464 : index
          %swap3A_573 = tpu.vector_load %arg7[%swap3A_571, %swap3A_572] {strides = array<i32>} : memref<16x1024xf32, #tpu.memory_space<vmem>>, vector<1x16xf32>,
          %swap3A_574 = vector.shape_cast %swap3A_573 : vector<1x16xf32> to vector<16xf32>
          %swap3A_575 = vector.shape_cast %add3A_570 : vector<16xf32> to vector<1x16xf32>
          tpu.vector_store %arg7[%swap3A_571, %swap3A_572], %swap3A_575 {strides = array<i32>} : memref<16x1024xf32, #tpu.memory_space<vmem>>, vector<1x16xf32>,
          %get3A_576 = arith.index_cast %scan3A_157 : i32 to index
          %get3A_577 = arith.constant 480 : index
          %get3A_578 = tpu.vector_load %arg5[%get3A_576, %get3A_577] {strides = array<i32>} : memref<16x1024xf32, #tpu.memory_space<vmem>>, vector<1x16xf32>,
          %get3A_579 = vector.shape_cast %get3A_578 : vector<1x16xf32> to vector<16xf32>
          %get3A_580 = arith.index_cast %scan3A_157 : i32 to index
          %get3A_581 = arith.constant 480 : index
          %get3A_582 = tpu.vector_load %arg9[%get3A_580, %get3A_581] {strides = array<i32>} : memref<16x1024xf32, #tpu.memory_space<vmem>>, vector<1x16xf32>,
          %get3A_583 = vector.shape_cast %get3A_582 : vector<1x16xf32> to vector<16xf32>
          %add3A_584 = arith.addf %get3A_579, %get3A_583 : vector<16xf32>
          %swap3A_585 = arith.index_cast %scan3A_157 : i32 to index
          %swap3A_586 = arith.constant 480 : index
          %swap3A_587 = tpu.vector_load %arg7[%swap3A_585, %swap3A_586] {strides = array<i32>} : memref<16x1024xf32, #tpu.memory_space<vmem>>, vector<1x16xf32>,
          %swap3A_588 = vector.shape_cast %swap3A_587 : vector<1x16xf32> to vector<16xf32>
          %swap3A_589 = vector.shape_cast %add3A_584 : vector<16xf32> to vector<1x16xf32>
          tpu.vector_store %arg7[%swap3A_585, %swap3A_586], %swap3A_589 {strides = array<i32>} : memref<16x1024xf32, #tpu.memory_space<vmem>>, vector<1x16xf32>,
          %get3A_590 = arith.index_cast %scan3A_157 : i32 to index
          %get3A_591 = arith.constant 496 : index
          %get3A_592 = tpu.vector_load %arg5[%get3A_590, %get3A_591] {strides = array<i32>} : memref<16x1024xf32, #tpu.memory_space<vmem>>, vector<1x16xf32>,
          %get3A_593 = vector.shape_cast %get3A_592 : vector<1x16xf32> to vector<16xf32>
          %get3A_594 = arith.index_cast %scan3A_157 : i32 to index
          %get3A_595 = arith.constant 496 : index
          %get3A_596 = tpu.vector_load %arg9[%get3A_594, %get3A_595] {strides = array<i32>} : memref<16x1024xf32, #tpu.memory_space<vmem>>, vector<1x16xf32>,
          %get3A_597 = vector.shape_cast %get3A_596 : vector<1x16xf32> to vector<16xf32>
          %add3A_598 = arith.addf %get3A_593, %get3A_597 : vector<16xf32>
          %swap3A_599 = arith.index_cast %scan3A_157 : i32 to index
          %swap3A_600 = arith.constant 496 : index
          %swap3A_601 = tpu.vector_load %arg7[%swap3A_599, %swap3A_600] {strides = array<i32>} : memref<16x1024xf32, #tpu.memory_space<vmem>>, vector<1x16xf32>,
          %swap3A_602 = vector.shape_cast %swap3A_601 : vector<1x16xf32> to vector<16xf32>
          %swap3A_603 = vector.shape_cast %add3A_598 : vector<16xf32> to vector<1x16xf32>
          tpu.vector_store %arg7[%swap3A_599, %swap3A_600], %swap3A_603 {strides = array<i32>} : memref<16x1024xf32, #tpu.memory_space<vmem>>, vector<1x16xf32>,
          %get3A_604 = arith.index_cast %scan3A_157 : i32 to index
          %get3A_605 = arith.constant 512 : index
          %get3A_606 = tpu.vector_load %arg5[%get3A_604, %get3A_605] {strides = array<i32>} : memref<16x1024xf32, #tpu.memory_space<vmem>>, vector<1x16xf32>,
          %get3A_607 = vector.shape_cast %get3A_606 : vector<1x16xf32> to vector<16xf32>
          %get3A_608 = arith.index_cast %scan3A_157 : i32 to index
          %get3A_609 = arith.constant 512 : index
          %get3A_610 = tpu.vector_load %arg9[%get3A_608, %get3A_609] {strides = array<i32>} : memref<16x1024xf32, #tpu.memory_space<vmem>>, vector<1x16xf32>,
          %get3A_611 = vector.shape_cast %get3A_610 : vector<1x16xf32> to vector<16xf32>
          %add3A_612 = arith.addf %get3A_607, %get3A_611 : vector<16xf32>
          %swap3A_613 = arith.index_cast %scan3A_157 : i32 to index
          %swap3A_614 = arith.constant 512 : index
          %swap3A_615 = tpu.vector_load %arg7[%swap3A_613, %swap3A_614] {strides = array<i32>} : memref<16x1024xf32, #tpu.memory_space<vmem>>, vector<1x16xf32>,
          %swap3A_616 = vector.shape_cast %swap3A_615 : vector<1x16xf32> to vector<16xf32>
          %swap3A_617 = vector.shape_cast %add3A_612 : vector<16xf32> to vector<1x16xf32>
          tpu.vector_store %arg7[%swap3A_613, %swap3A_614], %swap3A_617 {strides = array<i32>} : memref<16x1024xf32, #tpu.memory_space<vmem>>, vector<1x16xf32>,
          %get3A_618 = arith.index_cast %scan3A_157 : i32 to index
          %get3A_619 = arith.constant 528 : index
          %get3A_620 = tpu.vector_load %arg5[%get3A_618, %get3A_619] {strides = array<i32>} : memref<16x1024xf32, #tpu.memory_space<vmem>>, vector<1x16xf32>,
          %get3A_621 = vector.shape_cast %get3A_620 : vector<1x16xf32> to vector<16xf32>
          %get3A_622 = arith.index_cast %scan3A_157 : i32 to index
          %get3A_623 = arith.constant 528 : index
          %get3A_624 = tpu.vector_load %arg9[%get3A_622, %get3A_623] {strides = array<i32>} : memref<16x1024xf32, #tpu.memory_space<vmem>>, vector<1x16xf32>,
          %get3A_625 = vector.shape_cast %get3A_624 : vector<1x16xf32> to vector<16xf32>
          %add3A_626 = arith.addf %get3A_621, %get3A_625 : vector<16xf32>
          %swap3A_627 = arith.index_cast %scan3A_157 : i32 to index
          %swap3A_628 = arith.constant 528 : index
          %swap3A_629 = tpu.vector_load %arg7[%swap3A_627, %swap3A_628] {strides = array<i32>} : memref<16x1024xf32, #tpu.memory_space<vmem>>, vector<1x16xf32>,
          %swap3A_630 = vector.shape_cast %swap3A_629 : vector<1x16xf32> to vector<16xf32>
          %swap3A_631 = vector.shape_cast %add3A_626 : vector<16xf32> to vector<1x16xf32>
          tpu.vector_store %arg7[%swap3A_627, %swap3A_628], %swap3A_631 {strides = array<i32>} : memref<16x1024xf32, #tpu.memory_space<vmem>>, vector<1x16xf32>,
          %get3A_632 = arith.index_cast %scan3A_157 : i32 to index
          %get3A_633 = arith.constant 544 : index
          %get3A_634 = tpu.vector_load %arg5[%get3A_632, %get3A_633] {strides = array<i32>} : memref<16x1024xf32, #tpu.memory_space<vmem>>, vector<1x16xf32>,
          %get3A_635 = vector.shape_cast %get3A_634 : vector<1x16xf32> to vector<16xf32>
          %get3A_636 = arith.index_cast %scan3A_157 : i32 to index
          %get3A_637 = arith.constant 544 : index
          %get3A_638 = tpu.vector_load %arg9[%get3A_636, %get3A_637] {strides = array<i32>} : memref<16x1024xf32, #tpu.memory_space<vmem>>, vector<1x16xf32>,
          %get3A_639 = vector.shape_cast %get3A_638 : vector<1x16xf32> to vector<16xf32>
          %add3A_640 = arith.addf %get3A_635, %get3A_639 : vector<16xf32>
          %swap3A_641 = arith.index_cast %scan3A_157 : i32 to index
          %swap3A_642 = arith.constant 544 : index
          %swap3A_643 = tpu.vector_load %arg7[%swap3A_641, %swap3A_642] {strides = array<i32>} : memref<16x1024xf32, #tpu.memory_space<vmem>>, vector<1x16xf32>,
          %swap3A_644 = vector.shape_cast %swap3A_643 : vector<1x16xf32> to vector<16xf32>
          %swap3A_645 = vector.shape_cast %add3A_640 : vector<16xf32> to vector<1x16xf32>
          tpu.vector_store %arg7[%swap3A_641, %swap3A_642], %swap3A_645 {strides = array<i32>} : memref<16x1024xf32, #tpu.memory_space<vmem>>, vector<1x16xf32>,
          %get3A_646 = arith.index_cast %scan3A_157 : i32 to index
          %get3A_647 = arith.constant 560 : index
          %get3A_648 = tpu.vector_load %arg5[%get3A_646, %get3A_647] {strides = array<i32>} : memref<16x1024xf32, #tpu.memory_space<vmem>>, vector<1x16xf32>,
          %get3A_649 = vector.shape_cast %get3A_648 : vector<1x16xf32> to vector<16xf32>
          %get3A_650 = arith.index_cast %scan3A_157 : i32 to index
          %get3A_651 = arith.constant 560 : index
          %get3A_652 = tpu.vector_load %arg9[%get3A_650, %get3A_651] {strides = array<i32>} : memref<16x1024xf32, #tpu.memory_space<vmem>>, vector<1x16xf32>,
          %get3A_653 = vector.shape_cast %get3A_652 : vector<1x16xf32> to vector<16xf32>
          %add3A_654 = arith.addf %get3A_649, %get3A_653 : vector<16xf32>
          %swap3A_655 = arith.index_cast %scan3A_157 : i32 to index
          %swap3A_656 = arith.constant 560 : index
          %swap3A_657 = tpu.vector_load %arg7[%swap3A_655, %swap3A_656] {strides = array<i32>} : memref<16x1024xf32, #tpu.memory_space<vmem>>, vector<1x16xf32>,
          %swap3A_658 = vector.shape_cast %swap3A_657 : vector<1x16xf32> to vector<16xf32>
          %swap3A_659 = vector.shape_cast %add3A_654 : vector<16xf32> to vector<1x16xf32>
          tpu.vector_store %arg7[%swap3A_655, %swap3A_656], %swap3A_659 {strides = array<i32>} : memref<16x1024xf32, #tpu.memory_space<vmem>>, vector<1x16xf32>,
          %get3A_660 = arith.index_cast %scan3A_157 : i32 to index
          %get3A_661 = arith.constant 576 : index
          %get3A_662 = tpu.vector_load %arg5[%get3A_660, %get3A_661] {strides = array<i32>} : memref<16x1024xf32, #tpu.memory_space<vmem>>, vector<1x16xf32>,
          %get3A_663 = vector.shape_cast %get3A_662 : vector<1x16xf32> to vector<16xf32>
          %get3A_664 = arith.index_cast %scan3A_157 : i32 to index
          %get3A_665 = arith.constant 576 : index
          %get3A_666 = tpu.vector_load %arg9[%get3A_664, %get3A_665] {strides = array<i32>} : memref<16x1024xf32, #tpu.memory_space<vmem>>, vector<1x16xf32>,
          %get3A_667 = vector.shape_cast %get3A_666 : vector<1x16xf32> to vector<16xf32>
          %add3A_668 = arith.addf %get3A_663, %get3A_667 : vector<16xf32>
          %swap3A_669 = arith.index_cast %scan3A_157 : i32 to index
          %swap3A_670 = arith.constant 576 : index
          %swap3A_671 = tpu.vector_load %arg7[%swap3A_669, %swap3A_670] {strides = array<i32>} : memref<16x1024xf32, #tpu.memory_space<vmem>>, vector<1x16xf32>,
          %swap3A_672 = vector.shape_cast %swap3A_671 : vector<1x16xf32> to vector<16xf32>
          %swap3A_673 = vector.shape_cast %add3A_668 : vector<16xf32> to vector<1x16xf32>
          tpu.vector_store %arg7[%swap3A_669, %swap3A_670], %swap3A_673 {strides = array<i32>} : memref<16x1024xf32, #tpu.memory_space<vmem>>, vector<1x16xf32>,
          %get3A_674 = arith.index_cast %scan3A_157 : i32 to index
          %get3A_675 = arith.constant 592 : index
          %get3A_676 = tpu.vector_load %arg5[%get3A_674, %get3A_675] {strides = array<i32>} : memref<16x1024xf32, #tpu.memory_space<vmem>>, vector<1x16xf32>,
          %get3A_677 = vector.shape_cast %get3A_676 : vector<1x16xf32> to vector<16xf32>
          %get3A_678 = arith.index_cast %scan3A_157 : i32 to index
          %get3A_679 = arith.constant 592 : index
          %get3A_680 = tpu.vector_load %arg9[%get3A_678, %get3A_679] {strides = array<i32>} : memref<16x1024xf32, #tpu.memory_space<vmem>>, vector<1x16xf32>,
          %get3A_681 = vector.shape_cast %get3A_680 : vector<1x16xf32> to vector<16xf32>
          %add3A_682 = arith.addf %get3A_677, %get3A_681 : vector<16xf32>
          %swap3A_683 = arith.index_cast %scan3A_157 : i32 to index
          %swap3A_684 = arith.constant 592 : index
          %swap3A_685 = tpu.vector_load %arg7[%swap3A_683, %swap3A_684] {strides = array<i32>} : memref<16x1024xf32, #tpu.memory_space<vmem>>, vector<1x16xf32>,
          %swap3A_686 = vector.shape_cast %swap3A_685 : vector<1x16xf32> to vector<16xf32>
          %swap3A_687 = vector.shape_cast %add3A_682 : vector<16xf32> to vector<1x16xf32>
          tpu.vector_store %arg7[%swap3A_683, %swap3A_684], %swap3A_687 {strides = array<i32>} : memref<16x1024xf32, #tpu.memory_space<vmem>>, vector<1x16xf32>,
          %get3A_688 = arith.index_cast %scan3A_157 : i32 to index
          %get3A_689 = arith.constant 608 : index
          %get3A_690 = tpu.vector_load %arg5[%get3A_688, %get3A_689] {strides = array<i32>} : memref<16x1024xf32, #tpu.memory_space<vmem>>, vector<1x16xf32>,
          %get3A_691 = vector.shape_cast %get3A_690 : vector<1x16xf32> to vector<16xf32>
          %get3A_692 = arith.index_cast %scan3A_157 : i32 to index
          %get3A_693 = arith.constant 608 : index
          %get3A_694 = tpu.vector_load %arg9[%get3A_692, %get3A_693] {strides = array<i32>} : memref<16x1024xf32, #tpu.memory_space<vmem>>, vector<1x16xf32>,
          %get3A_695 = vector.shape_cast %get3A_694 : vector<1x16xf32> to vector<16xf32>
          %add3A_696 = arith.addf %get3A_691, %get3A_695 : vector<16xf32>
          %swap3A_697 = arith.index_cast %scan3A_157 : i32 to index
          %swap3A_698 = arith.constant 608 : index
          %swap3A_699 = tpu.vector_load %arg7[%swap3A_697, %swap3A_698] {strides = array<i32>} : memref<16x1024xf32, #tpu.memory_space<vmem>>, vector<1x16xf32>,
          %swap3A_700 = vector.shape_cast %swap3A_699 : vector<1x16xf32> to vector<16xf32>
          %swap3A_701 = vector.shape_cast %add3A_696 : vector<16xf32> to vector<1x16xf32>
          tpu.vector_store %arg7[%swap3A_697, %swap3A_698], %swap3A_701 {strides = array<i32>} : memref<16x1024xf32, #tpu.memory_space<vmem>>, vector<1x16xf32>,
          %get3A_702 = arith.index_cast %scan3A_157 : i32 to index
          %get3A_703 = arith.constant 624 : index
          %get3A_704 = tpu.vector_load %arg5[%get3A_702, %get3A_703] {strides = array<i32>} : memref<16x1024xf32, #tpu.memory_space<vmem>>, vector<1x16xf32>,
          %get3A_705 = vector.shape_cast %get3A_704 : vector<1x16xf32> to vector<16xf32>
          %get3A_706 = arith.index_cast %scan3A_157 : i32 to index
          %get3A_707 = arith.constant 624 : index
          %get3A_708 = tpu.vector_load %arg9[%get3A_706, %get3A_707] {strides = array<i32>} : memref<16x1024xf32, #tpu.memory_space<vmem>>, vector<1x16xf32>,
          %get3A_709 = vector.shape_cast %get3A_708 : vector<1x16xf32> to vector<16xf32>
          %add3A_710 = arith.addf %get3A_705, %get3A_709 : vector<16xf32>
          %swap3A_711 = arith.index_cast %scan3A_157 : i32 to index
          %swap3A_712 = arith.constant 624 : index
          %swap3A_713 = tpu.vector_load %arg7[%swap3A_711, %swap3A_712] {strides = array<i32>} : memref<16x1024xf32, #tpu.memory_space<vmem>>, vector<1x16xf32>,
          %swap3A_714 = vector.shape_cast %swap3A_713 : vector<1x16xf32> to vector<16xf32>
          %swap3A_715 = vector.shape_cast %add3A_710 : vector<16xf32> to vector<1x16xf32>
          tpu.vector_store %arg7[%swap3A_711, %swap3A_712], %swap3A_715 {strides = array<i32>} : memref<16x1024xf32, #tpu.memory_space<vmem>>, vector<1x16xf32>,
          %get3A_716 = arith.index_cast %scan3A_157 : i32 to index
          %get3A_717 = arith.constant 640 : index
          %get3A_718 = tpu.vector_load %arg5[%get3A_716, %get3A_717] {strides = array<i32>} : memref<16x1024xf32, #tpu.memory_space<vmem>>, vector<1x16xf32>,
          %get3A_719 = vector.shape_cast %get3A_718 : vector<1x16xf32> to vector<16xf32>
          %get3A_720 = arith.index_cast %scan3A_157 : i32 to index
          %get3A_721 = arith.constant 640 : index
          %get3A_722 = tpu.vector_load %arg9[%get3A_720, %get3A_721] {strides = array<i32>} : memref<16x1024xf32, #tpu.memory_space<vmem>>, vector<1x16xf32>,
          %get3A_723 = vector.shape_cast %get3A_722 : vector<1x16xf32> to vector<16xf32>
          %add3A_724 = arith.addf %get3A_719, %get3A_723 : vector<16xf32>
          %swap3A_725 = arith.index_cast %scan3A_157 : i32 to index
          %swap3A_726 = arith.constant 640 : index
          %swap3A_727 = tpu.vector_load %arg7[%swap3A_725, %swap3A_726] {strides = array<i32>} : memref<16x1024xf32, #tpu.memory_space<vmem>>, vector<1x16xf32>,
          %swap3A_728 = vector.shape_cast %swap3A_727 : vector<1x16xf32> to vector<16xf32>
          %swap3A_729 = vector.shape_cast %add3A_724 : vector<16xf32> to vector<1x16xf32>
          tpu.vector_store %arg7[%swap3A_725, %swap3A_726], %swap3A_729 {strides = array<i32>} : memref<16x1024xf32, #tpu.memory_space<vmem>>, vector<1x16xf32>,
          %get3A_730 = arith.index_cast %scan3A_157 : i32 to index
          %get3A_731 = arith.constant 656 : index
          %get3A_732 = tpu.vector_load %arg5[%get3A_730, %get3A_731] {strides = array<i32>} : memref<16x1024xf32, #tpu.memory_space<vmem>>, vector<1x16xf32>,
          %get3A_733 = vector.shape_cast %get3A_732 : vector<1x16xf32> to vector<16xf32>
          %get3A_734 = arith.index_cast %scan3A_157 : i32 to index
          %get3A_735 = arith.constant 656 : index
          %get3A_736 = tpu.vector_load %arg9[%get3A_734, %get3A_735] {strides = array<i32>} : memref<16x1024xf32, #tpu.memory_space<vmem>>, vector<1x16xf32>,
          %get3A_737 = vector.shape_cast %get3A_736 : vector<1x16xf32> to vector<16xf32>
          %add3A_738 = arith.addf %get3A_733, %get3A_737 : vector<16xf32>
          %swap3A_739 = arith.index_cast %scan3A_157 : i32 to index
          %swap3A_740 = arith.constant 656 : index
          %swap3A_741 = tpu.vector_load %arg7[%swap3A_739, %swap3A_740] {strides = array<i32>} : memref<16x1024xf32, #tpu.memory_space<vmem>>, vector<1x16xf32>,
          %swap3A_742 = vector.shape_cast %swap3A_741 : vector<1x16xf32> to vector<16xf32>
          %swap3A_743 = vector.shape_cast %add3A_738 : vector<16xf32> to vector<1x16xf32>
          tpu.vector_store %arg7[%swap3A_739, %swap3A_740], %swap3A_743 {strides = array<i32>} : memref<16x1024xf32, #tpu.memory_space<vmem>>, vector<1x16xf32>,
          %get3A_744 = arith.index_cast %scan3A_157 : i32 to index
          %get3A_745 = arith.constant 672 : index
          %get3A_746 = tpu.vector_load %arg5[%get3A_744, %get3A_745] {strides = array<i32>} : memref<16x1024xf32, #tpu.memory_space<vmem>>, vector<1x16xf32>,
          %get3A_747 = vector.shape_cast %get3A_746 : vector<1x16xf32> to vector<16xf32>
          %get3A_748 = arith.index_cast %scan3A_157 : i32 to index
          %get3A_749 = arith.constant 672 : index
          %get3A_750 = tpu.vector_load %arg9[%get3A_748, %get3A_749] {strides = array<i32>} : memref<16x1024xf32, #tpu.memory_space<vmem>>, vector<1x16xf32>,
          %get3A_751 = vector.shape_cast %get3A_750 : vector<1x16xf32> to vector<16xf32>
          %add3A_752 = arith.addf %get3A_747, %get3A_751 : vector<16xf32>
          %swap3A_753 = arith.index_cast %scan3A_157 : i32 to index
          %swap3A_754 = arith.constant 672 : index
          %swap3A_755 = tpu.vector_load %arg7[%swap3A_753, %swap3A_754] {strides = array<i32>} : memref<16x1024xf32, #tpu.memory_space<vmem>>, vector<1x16xf32>,
          %swap3A_756 = vector.shape_cast %swap3A_755 : vector<1x16xf32> to vector<16xf32>
          %swap3A_757 = vector.shape_cast %add3A_752 : vector<16xf32> to vector<1x16xf32>
          tpu.vector_store %arg7[%swap3A_753, %swap3A_754], %swap3A_757 {strides = array<i32>} : memref<16x1024xf32, #tpu.memory_space<vmem>>, vector<1x16xf32>,
          %get3A_758 = arith.index_cast %scan3A_157 : i32 to index
          %get3A_759 = arith.constant 688 : index
          %get3A_760 = tpu.vector_load %arg5[%get3A_758, %get3A_759] {strides = array<i32>} : memref<16x1024xf32, #tpu.memory_space<vmem>>, vector<1x16xf32>,
          %get3A_761 = vector.shape_cast %get3A_760 : vector<1x16xf32> to vector<16xf32>
          %get3A_762 = arith.index_cast %scan3A_157 : i32 to index
          %get3A_763 = arith.constant 688 : index
          %get3A_764 = tpu.vector_load %arg9[%get3A_762, %get3A_763] {strides = array<i32>} : memref<16x1024xf32, #tpu.memory_space<vmem>>, vector<1x16xf32>,
          %get3A_765 = vector.shape_cast %get3A_764 : vector<1x16xf32> to vector<16xf32>
          %add3A_766 = arith.addf %get3A_761, %get3A_765 : vector<16xf32>
          %swap3A_767 = arith.index_cast %scan3A_157 : i32 to index
          %swap3A_768 = arith.constant 688 : index
          %swap3A_769 = tpu.vector_load %arg7[%swap3A_767, %swap3A_768] {strides = array<i32>} : memref<16x1024xf32, #tpu.memory_space<vmem>>, vector<1x16xf32>,
          %swap3A_770 = vector.shape_cast %swap3A_769 : vector<1x16xf32> to vector<16xf32>
          %swap3A_771 = vector.shape_cast %add3A_766 : vector<16xf32> to vector<1x16xf32>
          tpu.vector_store %arg7[%swap3A_767, %swap3A_768], %swap3A_771 {strides = array<i32>} : memref<16x1024xf32, #tpu.memory_space<vmem>>, vector<1x16xf32>,
          %get3A_772 = arith.index_cast %scan3A_157 : i32 to index
          %get3A_773 = arith.constant 704 : index
          %get3A_774 = tpu.vector_load %arg5[%get3A_772, %get3A_773] {strides = array<i32>} : memref<16x1024xf32, #tpu.memory_space<vmem>>, vector<1x16xf32>,
          %get3A_775 = vector.shape_cast %get3A_774 : vector<1x16xf32> to vector<16xf32>
          %get3A_776 = arith.index_cast %scan3A_157 : i32 to index
          %get3A_777 = arith.constant 704 : index
          %get3A_778 = tpu.vector_load %arg9[%get3A_776, %get3A_777] {strides = array<i32>} : memref<16x1024xf32, #tpu.memory_space<vmem>>, vector<1x16xf32>,
          %get3A_779 = vector.shape_cast %get3A_778 : vector<1x16xf32> to vector<16xf32>
          %add3A_780 = arith.addf %get3A_775, %get3A_779 : vector<16xf32>
          %swap3A_781 = arith.index_cast %scan3A_157 : i32 to index
          %swap3A_782 = arith.constant 704 : index
          %swap3A_783 = tpu.vector_load %arg7[%swap3A_781, %swap3A_782] {strides = array<i32>} : memref<16x1024xf32, #tpu.memory_space<vmem>>, vector<1x16xf32>,
          %swap3A_784 = vector.shape_cast %swap3A_783 : vector<1x16xf32> to vector<16xf32>
          %swap3A_785 = vector.shape_cast %add3A_780 : vector<16xf32> to vector<1x16xf32>
          tpu.vector_store %arg7[%swap3A_781, %swap3A_782], %swap3A_785 {strides = array<i32>} : memref<16x1024xf32, #tpu.memory_space<vmem>>, vector<1x16xf32>,
          %get3A_786 = arith.index_cast %scan3A_157 : i32 to index
          %get3A_787 = arith.constant 720 : index
          %get3A_788 = tpu.vector_load %arg5[%get3A_786, %get3A_787] {strides = array<i32>} : memref<16x1024xf32, #tpu.memory_space<vmem>>, vector<1x16xf32>,
          %get3A_789 = vector.shape_cast %get3A_788 : vector<1x16xf32> to vector<16xf32>
          %get3A_790 = arith.index_cast %scan3A_157 : i32 to index
          %get3A_791 = arith.constant 720 : index
          %get3A_792 = tpu.vector_load %arg9[%get3A_790, %get3A_791] {strides = array<i32>} : memref<16x1024xf32, #tpu.memory_space<vmem>>, vector<1x16xf32>,
          %get3A_793 = vector.shape_cast %get3A_792 : vector<1x16xf32> to vector<16xf32>
          %add3A_794 = arith.addf %get3A_789, %get3A_793 : vector<16xf32>
          %swap3A_795 = arith.index_cast %scan3A_157 : i32 to index
          %swap3A_796 = arith.constant 720 : index
          %swap3A_797 = tpu.vector_load %arg7[%swap3A_795, %swap3A_796] {strides = array<i32>} : memref<16x1024xf32, #tpu.memory_space<vmem>>, vector<1x16xf32>,
          %swap3A_798 = vector.shape_cast %swap3A_797 : vector<1x16xf32> to vector<16xf32>
          %swap3A_799 = vector.shape_cast %add3A_794 : vector<16xf32> to vector<1x16xf32>
          tpu.vector_store %arg7[%swap3A_795, %swap3A_796], %swap3A_799 {strides = array<i32>} : memref<16x1024xf32, #tpu.memory_space<vmem>>, vector<1x16xf32>,
          %get3A_800 = arith.index_cast %scan3A_157 : i32 to index
          %get3A_801 = arith.constant 736 : index
          %get3A_802 = tpu.vector_load %arg5[%get3A_800, %get3A_801] {strides = array<i32>} : memref<16x1024xf32, #tpu.memory_space<vmem>>, vector<1x16xf32>,
          %get3A_803 = vector.shape_cast %get3A_802 : vector<1x16xf32> to vector<16xf32>
          %get3A_804 = arith.index_cast %scan3A_157 : i32 to index
          %get3A_805 = arith.constant 736 : index
          %get3A_806 = tpu.vector_load %arg9[%get3A_804, %get3A_805] {strides = array<i32>} : memref<16x1024xf32, #tpu.memory_space<vmem>>, vector<1x16xf32>,
          %get3A_807 = vector.shape_cast %get3A_806 : vector<1x16xf32> to vector<16xf32>
          %add3A_808 = arith.addf %get3A_803, %get3A_807 : vector<16xf32>
          %swap3A_809 = arith.index_cast %scan3A_157 : i32 to index
          %swap3A_810 = arith.constant 736 : index
          %swap3A_811 = tpu.vector_load %arg7[%swap3A_809, %swap3A_810] {strides = array<i32>} : memref<16x1024xf32, #tpu.memory_space<vmem>>, vector<1x16xf32>,
          %swap3A_812 = vector.shape_cast %swap3A_811 : vector<1x16xf32> to vector<16xf32>
          %swap3A_813 = vector.shape_cast %add3A_808 : vector<16xf32> to vector<1x16xf32>
          tpu.vector_store %arg7[%swap3A_809, %swap3A_810], %swap3A_813 {strides = array<i32>} : memref<16x1024xf32, #tpu.memory_space<vmem>>, vector<1x16xf32>,
          %get3A_814 = arith.index_cast %scan3A_157 : i32 to index
          %get3A_815 = arith.constant 752 : index
          %get3A_816 = tpu.vector_load %arg5[%get3A_814, %get3A_815] {strides = array<i32>} : memref<16x1024xf32, #tpu.memory_space<vmem>>, vector<1x16xf32>,
          %get3A_817 = vector.shape_cast %get3A_816 : vector<1x16xf32> to vector<16xf32>
          %get3A_818 = arith.index_cast %scan3A_157 : i32 to index
          %get3A_819 = arith.constant 752 : index
          %get3A_820 = tpu.vector_load %arg9[%get3A_818, %get3A_819] {strides = array<i32>} : memref<16x1024xf32, #tpu.memory_space<vmem>>, vector<1x16xf32>,
          %get3A_821 = vector.shape_cast %get3A_820 : vector<1x16xf32> to vector<16xf32>
          %add3A_822 = arith.addf %get3A_817, %get3A_821 : vector<16xf32>
          %swap3A_823 = arith.index_cast %scan3A_157 : i32 to index
          %swap3A_824 = arith.constant 752 : index
          %swap3A_825 = tpu.vector_load %arg7[%swap3A_823, %swap3A_824] {strides = array<i32>} : memref<16x1024xf32, #tpu.memory_space<vmem>>, vector<1x16xf32>,
          %swap3A_826 = vector.shape_cast %swap3A_825 : vector<1x16xf32> to vector<16xf32>
          %swap3A_827 = vector.shape_cast %add3A_822 : vector<16xf32> to vector<1x16xf32>
          tpu.vector_store %arg7[%swap3A_823, %swap3A_824], %swap3A_827 {strides = array<i32>} : memref<16x1024xf32, #tpu.memory_space<vmem>>, vector<1x16xf32>,
          %get3A_828 = arith.index_cast %scan3A_157 : i32 to index
          %get3A_829 = arith.constant 768 : index
          %get3A_830 = tpu.vector_load %arg5[%get3A_828, %get3A_829] {strides = array<i32>} : memref<16x1024xf32, #tpu.memory_space<vmem>>, vector<1x16xf32>,
          %get3A_831 = vector.shape_cast %get3A_830 : vector<1x16xf32> to vector<16xf32>
          %get3A_832 = arith.index_cast %scan3A_157 : i32 to index
          %get3A_833 = arith.constant 768 : index
          %get3A_834 = tpu.vector_load %arg9[%get3A_832, %get3A_833] {strides = array<i32>} : memref<16x1024xf32, #tpu.memory_space<vmem>>, vector<1x16xf32>,
          %get3A_835 = vector.shape_cast %get3A_834 : vector<1x16xf32> to vector<16xf32>
          %add3A_836 = arith.addf %get3A_831, %get3A_835 : vector<16xf32>
          %swap3A_837 = arith.index_cast %scan3A_157 : i32 to index
          %swap3A_838 = arith.constant 768 : index
          %swap3A_839 = tpu.vector_load %arg7[%swap3A_837, %swap3A_838] {strides = array<i32>} : memref<16x1024xf32, #tpu.memory_space<vmem>>, vector<1x16xf32>,
          %swap3A_840 = vector.shape_cast %swap3A_839 : vector<1x16xf32> to vector<16xf32>
          %swap3A_841 = vector.shape_cast %add3A_836 : vector<16xf32> to vector<1x16xf32>
          tpu.vector_store %arg7[%swap3A_837, %swap3A_838], %swap3A_841 {strides = array<i32>} : memref<16x1024xf32, #tpu.memory_space<vmem>>, vector<1x16xf32>,
          %get3A_842 = arith.index_cast %scan3A_157 : i32 to index
          %get3A_843 = arith.constant 784 : index
          %get3A_844 = tpu.vector_load %arg5[%get3A_842, %get3A_843] {strides = array<i32>} : memref<16x1024xf32, #tpu.memory_space<vmem>>, vector<1x16xf32>,
          %get3A_845 = vector.shape_cast %get3A_844 : vector<1x16xf32> to vector<16xf32>
          %get3A_846 = arith.index_cast %scan3A_157 : i32 to index
          %get3A_847 = arith.constant 784 : index
          %get3A_848 = tpu.vector_load %arg9[%get3A_846, %get3A_847] {strides = array<i32>} : memref<16x1024xf32, #tpu.memory_space<vmem>>, vector<1x16xf32>,
          %get3A_849 = vector.shape_cast %get3A_848 : vector<1x16xf32> to vector<16xf32>
          %add3A_850 = arith.addf %get3A_845, %get3A_849 : vector<16xf32>
          %swap3A_851 = arith.index_cast %scan3A_157 : i32 to index
          %swap3A_852 = arith.constant 784 : index
          %swap3A_853 = tpu.vector_load %arg7[%swap3A_851, %swap3A_852] {strides = array<i32>} : memref<16x1024xf32, #tpu.memory_space<vmem>>, vector<1x16xf32>,
          %swap3A_854 = vector.shape_cast %swap3A_853 : vector<1x16xf32> to vector<16xf32>
          %swap3A_855 = vector.shape_cast %add3A_850 : vector<16xf32> to vector<1x16xf32>
          tpu.vector_store %arg7[%swap3A_851, %swap3A_852], %swap3A_855 {strides = array<i32>} : memref<16x1024xf32, #tpu.memory_space<vmem>>, vector<1x16xf32>,
          %get3A_856 = arith.index_cast %scan3A_157 : i32 to index
          %get3A_857 = arith.constant 800 : index
          %get3A_858 = tpu.vector_load %arg5[%get3A_856, %get3A_857] {strides = array<i32>} : memref<16x1024xf32, #tpu.memory_space<vmem>>, vector<1x16xf32>,
          %get3A_859 = vector.shape_cast %get3A_858 : vector<1x16xf32> to vector<16xf32>
          %get3A_860 = arith.index_cast %scan3A_157 : i32 to index
          %get3A_861 = arith.constant 800 : index
          %get3A_862 = tpu.vector_load %arg9[%get3A_860, %get3A_861] {strides = array<i32>} : memref<16x1024xf32, #tpu.memory_space<vmem>>, vector<1x16xf32>,
          %get3A_863 = vector.shape_cast %get3A_862 : vector<1x16xf32> to vector<16xf32>
          %add3A_864 = arith.addf %get3A_859, %get3A_863 : vector<16xf32>
          %swap3A_865 = arith.index_cast %scan3A_157 : i32 to index
          %swap3A_866 = arith.constant 800 : index
          %swap3A_867 = tpu.vector_load %arg7[%swap3A_865, %swap3A_866] {strides = array<i32>} : memref<16x1024xf32, #tpu.memory_space<vmem>>, vector<1x16xf32>,
          %swap3A_868 = vector.shape_cast %swap3A_867 : vector<1x16xf32> to vector<16xf32>
          %swap3A_869 = vector.shape_cast %add3A_864 : vector<16xf32> to vector<1x16xf32>
          tpu.vector_store %arg7[%swap3A_865, %swap3A_866], %swap3A_869 {strides = array<i32>} : memref<16x1024xf32, #tpu.memory_space<vmem>>, vector<1x16xf32>,
          %get3A_870 = arith.index_cast %scan3A_157 : i32 to index
          %get3A_871 = arith.constant 816 : index
          %get3A_872 = tpu.vector_load %arg5[%get3A_870, %get3A_871] {strides = array<i32>} : memref<16x1024xf32, #tpu.memory_space<vmem>>, vector<1x16xf32>,
          %get3A_873 = vector.shape_cast %get3A_872 : vector<1x16xf32> to vector<16xf32>
          %get3A_874 = arith.index_cast %scan3A_157 : i32 to index
          %get3A_875 = arith.constant 816 : index
          %get3A_876 = tpu.vector_load %arg9[%get3A_874, %get3A_875] {strides = array<i32>} : memref<16x1024xf32, #tpu.memory_space<vmem>>, vector<1x16xf32>,
          %get3A_877 = vector.shape_cast %get3A_876 : vector<1x16xf32> to vector<16xf32>
          %add3A_878 = arith.addf %get3A_873, %get3A_877 : vector<16xf32>
          %swap3A_879 = arith.index_cast %scan3A_157 : i32 to index
          %swap3A_880 = arith.constant 816 : index
          %swap3A_881 = tpu.vector_load %arg7[%swap3A_879, %swap3A_880] {strides = array<i32>} : memref<16x1024xf32, #tpu.memory_space<vmem>>, vector<1x16xf32>,
          %swap3A_882 = vector.shape_cast %swap3A_881 : vector<1x16xf32> to vector<16xf32>
          %swap3A_883 = vector.shape_cast %add3A_878 : vector<16xf32> to vector<1x16xf32>
          tpu.vector_store %arg7[%swap3A_879, %swap3A_880], %swap3A_883 {strides = array<i32>} : memref<16x1024xf32, #tpu.memory_space<vmem>>, vector<1x16xf32>,
          %get3A_884 = arith.index_cast %scan3A_157 : i32 to index
          %get3A_885 = arith.constant 832 : index
          %get3A_886 = tpu.vector_load %arg5[%get3A_884, %get3A_885] {strides = array<i32>} : memref<16x1024xf32, #tpu.memory_space<vmem>>, vector<1x16xf32>,
          %get3A_887 = vector.shape_cast %get3A_886 : vector<1x16xf32> to vector<16xf32>
          %get3A_888 = arith.index_cast %scan3A_157 : i32 to index
          %get3A_889 = arith.constant 832 : index
          %get3A_890 = tpu.vector_load %arg9[%get3A_888, %get3A_889] {strides = array<i32>} : memref<16x1024xf32, #tpu.memory_space<vmem>>, vector<1x16xf32>,
          %get3A_891 = vector.shape_cast %get3A_890 : vector<1x16xf32> to vector<16xf32>
          %add3A_892 = arith.addf %get3A_887, %get3A_891 : vector<16xf32>
          %swap3A_893 = arith.index_cast %scan3A_157 : i32 to index
          %swap3A_894 = arith.constant 832 : index
          %swap3A_895 = tpu.vector_load %arg7[%swap3A_893, %swap3A_894] {strides = array<i32>} : memref<16x1024xf32, #tpu.memory_space<vmem>>, vector<1x16xf32>,
          %swap3A_896 = vector.shape_cast %swap3A_895 : vector<1x16xf32> to vector<16xf32>
          %swap3A_897 = vector.shape_cast %add3A_892 : vector<16xf32> to vector<1x16xf32>
          tpu.vector_store %arg7[%swap3A_893, %swap3A_894], %swap3A_897 {strides = array<i32>} : memref<16x1024xf32, #tpu.memory_space<vmem>>, vector<1x16xf32>,
          %get3A_898 = arith.index_cast %scan3A_157 : i32 to index
          %get3A_899 = arith.constant 848 : index
          %get3A_900 = tpu.vector_load %arg5[%get3A_898, %get3A_899] {strides = array<i32>} : memref<16x1024xf32, #tpu.memory_space<vmem>>, vector<1x16xf32>,
          %get3A_901 = vector.shape_cast %get3A_900 : vector<1x16xf32> to vector<16xf32>
          %get3A_902 = arith.index_cast %scan3A_157 : i32 to index
          %get3A_903 = arith.constant 848 : index
          %get3A_904 = tpu.vector_load %arg9[%get3A_902, %get3A_903] {strides = array<i32>} : memref<16x1024xf32, #tpu.memory_space<vmem>>, vector<1x16xf32>,
          %get3A_905 = vector.shape_cast %get3A_904 : vector<1x16xf32> to vector<16xf32>
          %add3A_906 = arith.addf %get3A_901, %get3A_905 : vector<16xf32>
          %swap3A_907 = arith.index_cast %scan3A_157 : i32 to index
          %swap3A_908 = arith.constant 848 : index
          %swap3A_909 = tpu.vector_load %arg7[%swap3A_907, %swap3A_908] {strides = array<i32>} : memref<16x1024xf32, #tpu.memory_space<vmem>>, vector<1x16xf32>,
          %swap3A_910 = vector.shape_cast %swap3A_909 : vector<1x16xf32> to vector<16xf32>
          %swap3A_911 = vector.shape_cast %add3A_906 : vector<16xf32> to vector<1x16xf32>
          tpu.vector_store %arg7[%swap3A_907, %swap3A_908], %swap3A_911 {strides = array<i32>} : memref<16x1024xf32, #tpu.memory_space<vmem>>, vector<1x16xf32>,
          %get3A_912 = arith.index_cast %scan3A_157 : i32 to index
          %get3A_913 = arith.constant 864 : index
          %get3A_914 = tpu.vector_load %arg5[%get3A_912, %get3A_913] {strides = array<i32>} : memref<16x1024xf32, #tpu.memory_space<vmem>>, vector<1x16xf32>,
          %get3A_915 = vector.shape_cast %get3A_914 : vector<1x16xf32> to vector<16xf32>
          %get3A_916 = arith.index_cast %scan3A_157 : i32 to index
          %get3A_917 = arith.constant 864 : index
          %get3A_918 = tpu.vector_load %arg9[%get3A_916, %get3A_917] {strides = array<i32>} : memref<16x1024xf32, #tpu.memory_space<vmem>>, vector<1x16xf32>,
          %get3A_919 = vector.shape_cast %get3A_918 : vector<1x16xf32> to vector<16xf32>
          %add3A_920 = arith.addf %get3A_915, %get3A_919 : vector<16xf32>
          %swap3A_921 = arith.index_cast %scan3A_157 : i32 to index
          %swap3A_922 = arith.constant 864 : index
          %swap3A_923 = tpu.vector_load %arg7[%swap3A_921, %swap3A_922] {strides = array<i32>} : memref<16x1024xf32, #tpu.memory_space<vmem>>, vector<1x16xf32>,
          %swap3A_924 = vector.shape_cast %swap3A_923 : vector<1x16xf32> to vector<16xf32>
          %swap3A_925 = vector.shape_cast %add3A_920 : vector<16xf32> to vector<1x16xf32>
          tpu.vector_store %arg7[%swap3A_921, %swap3A_922], %swap3A_925 {strides = array<i32>} : memref<16x1024xf32, #tpu.memory_space<vmem>>, vector<1x16xf32>,
          %get3A_926 = arith.index_cast %scan3A_157 : i32 to index
          %get3A_927 = arith.constant 880 : index
          %get3A_928 = tpu.vector_load %arg5[%get3A_926, %get3A_927] {strides = array<i32>} : memref<16x1024xf32, #tpu.memory_space<vmem>>, vector<1x16xf32>,
          %get3A_929 = vector.shape_cast %get3A_928 : vector<1x16xf32> to vector<16xf32>
          %get3A_930 = arith.index_cast %scan3A_157 : i32 to index
          %get3A_931 = arith.constant 880 : index
          %get3A_932 = tpu.vector_load %arg9[%get3A_930, %get3A_931] {strides = array<i32>} : memref<16x1024xf32, #tpu.memory_space<vmem>>, vector<1x16xf32>,
          %get3A_933 = vector.shape_cast %get3A_932 : vector<1x16xf32> to vector<16xf32>
          %add3A_934 = arith.addf %get3A_929, %get3A_933 : vector<16xf32>
          %swap3A_935 = arith.index_cast %scan3A_157 : i32 to index
          %swap3A_936 = arith.constant 880 : index
          %swap3A_937 = tpu.vector_load %arg7[%swap3A_935, %swap3A_936] {strides = array<i32>} : memref<16x1024xf32, #tpu.memory_space<vmem>>, vector<1x16xf32>,
          %swap3A_938 = vector.shape_cast %swap3A_937 : vector<1x16xf32> to vector<16xf32>
          %swap3A_939 = vector.shape_cast %add3A_934 : vector<16xf32> to vector<1x16xf32>
          tpu.vector_store %arg7[%swap3A_935, %swap3A_936], %swap3A_939 {strides = array<i32>} : memref<16x1024xf32, #tpu.memory_space<vmem>>, vector<1x16xf32>,
          %get3A_940 = arith.index_cast %scan3A_157 : i32 to index
          %get3A_941 = arith.constant 896 : index
          %get3A_942 = tpu.vector_load %arg5[%get3A_940, %get3A_941] {strides = array<i32>} : memref<16x1024xf32, #tpu.memory_space<vmem>>, vector<1x16xf32>,
          %get3A_943 = vector.shape_cast %get3A_942 : vector<1x16xf32> to vector<16xf32>
          %get3A_944 = arith.index_cast %scan3A_157 : i32 to index
          %get3A_945 = arith.constant 896 : index
          %get3A_946 = tpu.vector_load %arg9[%get3A_944, %get3A_945] {strides = array<i32>} : memref<16x1024xf32, #tpu.memory_space<vmem>>, vector<1x16xf32>,
          %get3A_947 = vector.shape_cast %get3A_946 : vector<1x16xf32> to vector<16xf32>
          %add3A_948 = arith.addf %get3A_943, %get3A_947 : vector<16xf32>
          %swap3A_949 = arith.index_cast %scan3A_157 : i32 to index
          %swap3A_950 = arith.constant 896 : index
          %swap3A_951 = tpu.vector_load %arg7[%swap3A_949, %swap3A_950] {strides = array<i32>} : memref<16x1024xf32, #tpu.memory_space<vmem>>, vector<1x16xf32>,
          %swap3A_952 = vector.shape_cast %swap3A_951 : vector<1x16xf32> to vector<16xf32>
          %swap3A_953 = vector.shape_cast %add3A_948 : vector<16xf32> to vector<1x16xf32>
          tpu.vector_store %arg7[%swap3A_949, %swap3A_950], %swap3A_953 {strides = array<i32>} : memref<16x1024xf32, #tpu.memory_space<vmem>>, vector<1x16xf32>,
          %get3A_954 = arith.index_cast %scan3A_157 : i32 to index
          %get3A_955 = arith.constant 912 : index
          %get3A_956 = tpu.vector_load %arg5[%get3A_954, %get3A_955] {strides = array<i32>} : memref<16x1024xf32, #tpu.memory_space<vmem>>, vector<1x16xf32>,
          %get3A_957 = vector.shape_cast %get3A_956 : vector<1x16xf32> to vector<16xf32>
          %get3A_958 = arith.index_cast %scan3A_157 : i32 to index
          %get3A_959 = arith.constant 912 : index
          %get3A_960 = tpu.vector_load %arg9[%get3A_958, %get3A_959] {strides = array<i32>} : memref<16x1024xf32, #tpu.memory_space<vmem>>, vector<1x16xf32>,
          %get3A_961 = vector.shape_cast %get3A_960 : vector<1x16xf32> to vector<16xf32>
          %add3A_962 = arith.addf %get3A_957, %get3A_961 : vector<16xf32>
          %swap3A_963 = arith.index_cast %scan3A_157 : i32 to index
          %swap3A_964 = arith.constant 912 : index
          %swap3A_965 = tpu.vector_load %arg7[%swap3A_963, %swap3A_964] {strides = array<i32>} : memref<16x1024xf32, #tpu.memory_space<vmem>>, vector<1x16xf32>,
          %swap3A_966 = vector.shape_cast %swap3A_965 : vector<1x16xf32> to vector<16xf32>
          %swap3A_967 = vector.shape_cast %add3A_962 : vector<16xf32> to vector<1x16xf32>
          tpu.vector_store %arg7[%swap3A_963, %swap3A_964], %swap3A_967 {strides = array<i32>} : memref<16x1024xf32, #tpu.memory_space<vmem>>, vector<1x16xf32>,
          %get3A_968 = arith.index_cast %scan3A_157 : i32 to index
          %get3A_969 = arith.constant 928 : index
          %get3A_970 = tpu.vector_load %arg5[%get3A_968, %get3A_969] {strides = array<i32>} : memref<16x1024xf32, #tpu.memory_space<vmem>>, vector<1x16xf32>,
          %get3A_971 = vector.shape_cast %get3A_970 : vector<1x16xf32> to vector<16xf32>
          %get3A_972 = arith.index_cast %scan3A_157 : i32 to index
          %get3A_973 = arith.constant 928 : index
          %get3A_974 = tpu.vector_load %arg9[%get3A_972, %get3A_973] {strides = array<i32>} : memref<16x1024xf32, #tpu.memory_space<vmem>>, vector<1x16xf32>,
          %get3A_975 = vector.shape_cast %get3A_974 : vector<1x16xf32> to vector<16xf32>
          %add3A_976 = arith.addf %get3A_971, %get3A_975 : vector<16xf32>
          %swap3A_977 = arith.index_cast %scan3A_157 : i32 to index
          %swap3A_978 = arith.constant 928 : index
          %swap3A_979 = tpu.vector_load %arg7[%swap3A_977, %swap3A_978] {strides = array<i32>} : memref<16x1024xf32, #tpu.memory_space<vmem>>, vector<1x16xf32>,
          %swap3A_980 = vector.shape_cast %swap3A_979 : vector<1x16xf32> to vector<16xf32>
          %swap3A_981 = vector.shape_cast %add3A_976 : vector<16xf32> to vector<1x16xf32>
          tpu.vector_store %arg7[%swap3A_977, %swap3A_978], %swap3A_981 {strides = array<i32>} : memref<16x1024xf32, #tpu.memory_space<vmem>>, vector<1x16xf32>,
          %get3A_982 = arith.index_cast %scan3A_157 : i32 to index
          %get3A_983 = arith.constant 944 : index
          %get3A_984 = tpu.vector_load %arg5[%get3A_982, %get3A_983] {strides = array<i32>} : memref<16x1024xf32, #tpu.memory_space<vmem>>, vector<1x16xf32>,
          %get3A_985 = vector.shape_cast %get3A_984 : vector<1x16xf32> to vector<16xf32>
          %get3A_986 = arith.index_cast %scan3A_157 : i32 to index
          %get3A_987 = arith.constant 944 : index
          %get3A_988 = tpu.vector_load %arg9[%get3A_986, %get3A_987] {strides = array<i32>} : memref<16x1024xf32, #tpu.memory_space<vmem>>, vector<1x16xf32>,
          %get3A_989 = vector.shape_cast %get3A_988 : vector<1x16xf32> to vector<16xf32>
          %add3A_990 = arith.addf %get3A_985, %get3A_989 : vector<16xf32>
          %swap3A_991 = arith.index_cast %scan3A_157 : i32 to index
          %swap3A_992 = arith.constant 944 : index
          %swap3A_993 = tpu.vector_load %arg7[%swap3A_991, %swap3A_992] {strides = array<i32>} : memref<16x1024xf32, #tpu.memory_space<vmem>>, vector<1x16xf32>,
          %swap3A_994 = vector.shape_cast %swap3A_993 : vector<1x16xf32> to vector<16xf32>
          %swap3A_995 = vector.shape_cast %add3A_990 : vector<16xf32> to vector<1x16xf32>
          tpu.vector_store %arg7[%swap3A_991, %swap3A_992], %swap3A_995 {strides = array<i32>} : memref<16x1024xf32, #tpu.memory_space<vmem>>, vector<1x16xf32>,
          %get3A_996 = arith.index_cast %scan3A_157 : i32 to index
          %get3A_997 = arith.constant 960 : index
          %get3A_998 = tpu.vector_load %arg5[%get3A_996, %get3A_997] {strides = array<i32>} : memref<16x1024xf32, #tpu.memory_space<vmem>>, vector<1x16xf32>,
          %get3A_999 = vector.shape_cast %get3A_998 : vector<1x16xf32> to vector<16xf32>
          %get3A_1000 = arith.index_cast %scan3A_157 : i32 to index
          %get3A_1001 = arith.constant 960 : index
          %get3A_1002 = tpu.vector_load %arg9[%get3A_1000, %get3A_1001] {strides = array<i32>} : memref<16x1024xf32, #tpu.memory_space<vmem>>, vector<1x16xf32>,
          %get3A_1003 = vector.shape_cast %get3A_1002 : vector<1x16xf32> to vector<16xf32>
          %add3A_1004 = arith.addf %get3A_999, %get3A_1003 : vector<16xf32>
          %swap3A_1005 = arith.index_cast %scan3A_157 : i32 to index
          %swap3A_1006 = arith.constant 960 : index
          %swap3A_1007 = tpu.vector_load %arg7[%swap3A_1005, %swap3A_1006] {strides = array<i32>} : memref<16x1024xf32, #tpu.memory_space<vmem>>, vector<1x16xf32>,
          %swap3A_1008 = vector.shape_cast %swap3A_1007 : vector<1x16xf32> to vector<16xf32>
          %swap3A_1009 = vector.shape_cast %add3A_1004 : vector<16xf32> to vector<1x16xf32>
          tpu.vector_store %arg7[%swap3A_1005, %swap3A_1006], %swap3A_1009 {strides = array<i32>} : memref<16x1024xf32, #tpu.memory_space<vmem>>, vector<1x16xf32>,
          %get3A_1010 = arith.index_cast %scan3A_157 : i32 to index
          %get3A_1011 = arith.constant 976 : index
          %get3A_1012 = tpu.vector_load %arg5[%get3A_1010, %get3A_1011] {strides = array<i32>} : memref<16x1024xf32, #tpu.memory_space<vmem>>, vector<1x16xf32>,
          %get3A_1013 = vector.shape_cast %get3A_1012 : vector<1x16xf32> to vector<16xf32>
          %get3A_1014 = arith.index_cast %scan3A_157 : i32 to index
          %get3A_1015 = arith.constant 976 : index
          %get3A_1016 = tpu.vector_load %arg9[%get3A_1014, %get3A_1015] {strides = array<i32>} : memref<16x1024xf32, #tpu.memory_space<vmem>>, vector<1x16xf32>,
          %get3A_1017 = vector.shape_cast %get3A_1016 : vector<1x16xf32> to vector<16xf32>
          %add3A_1018 = arith.addf %get3A_1013, %get3A_1017 : vector<16xf32>
          %swap3A_1019 = arith.index_cast %scan3A_157 : i32 to index
          %swap3A_1020 = arith.constant 976 : index
          %swap3A_1021 = tpu.vector_load %arg7[%swap3A_1019, %swap3A_1020] {strides = array<i32>} : memref<16x1024xf32, #tpu.memory_space<vmem>>, vector<1x16xf32>,
          %swap3A_1022 = vector.shape_cast %swap3A_1021 : vector<1x16xf32> to vector<16xf32>
          %swap3A_1023 = vector.shape_cast %add3A_1018 : vector<16xf32> to vector<1x16xf32>
          tpu.vector_store %arg7[%swap3A_1019, %swap3A_1020], %swap3A_1023 {strides = array<i32>} : memref<16x1024xf32, #tpu.memory_space<vmem>>, vector<1x16xf32>,
          %get3A_1024 = arith.index_cast %scan3A_157 : i32 to index
          %get3A_1025 = arith.constant 992 : index
          %get3A_1026 = tpu.vector_load %arg5[%get3A_1024, %get3A_1025] {strides = array<i32>} : memref<16x1024xf32, #tpu.memory_space<vmem>>, vector<1x16xf32>,
          %get3A_1027 = vector.shape_cast %get3A_1026 : vector<1x16xf32> to vector<16xf32>
          %get3A_1028 = arith.index_cast %scan3A_157 : i32 to index
          %get3A_1029 = arith.constant 992 : index
          %get3A_1030 = tpu.vector_load %arg9[%get3A_1028, %get3A_1029] {strides = array<i32>} : memref<16x1024xf32, #tpu.memory_space<vmem>>, vector<1x16xf32>,
          %get3A_1031 = vector.shape_cast %get3A_1030 : vector<1x16xf32> to vector<16xf32>
          %add3A_1032 = arith.addf %get3A_1027, %get3A_1031 : vector<16xf32>
          %swap3A_1033 = arith.index_cast %scan3A_157 : i32 to index
          %swap3A_1034 = arith.constant 992 : index
          %swap3A_1035 = tpu.vector_load %arg7[%swap3A_1033, %swap3A_1034] {strides = array<i32>} : memref<16x1024xf32, #tpu.memory_space<vmem>>, vector<1x16xf32>,
          %swap3A_1036 = vector.shape_cast %swap3A_1035 : vector<1x16xf32> to vector<16xf32>
          %swap3A_1037 = vector.shape_cast %add3A_1032 : vector<16xf32> to vector<1x16xf32>
          tpu.vector_store %arg7[%swap3A_1033, %swap3A_1034], %swap3A_1037 {strides = array<i32>} : memref<16x1024xf32, #tpu.memory_space<vmem>>, vector<1x16xf32>,
          %get3A_1038 = arith.index_cast %scan3A_157 : i32 to index
          %get3A_1039 = arith.constant 1008 : index
          %get3A_1040 = tpu.vector_load %arg5[%get3A_1038, %get3A_1039] {strides = array<i32>} : memref<16x1024xf32, #tpu.memory_space<vmem>>, vector<1x16xf32>,
          %get3A_1041 = vector.shape_cast %get3A_1040 : vector<1x16xf32> to vector<16xf32>
          %get3A_1042 = arith.index_cast %scan3A_157 : i32 to index
          %get3A_1043 = arith.constant 1008 : index
          %get3A_1044 = tpu.vector_load %arg9[%get3A_1042, %get3A_1043] {strides = array<i32>} : memref<16x1024xf32, #tpu.memory_space<vmem>>, vector<1x16xf32>,
          %get3A_1045 = vector.shape_cast %get3A_1044 : vector<1x16xf32> to vector<16xf32>
          %add3A_1046 = arith.addf %get3A_1041, %get3A_1045 : vector<16xf32>
          %swap3A_1047 = arith.index_cast %scan3A_157 : i32 to index
          %swap3A_1048 = arith.constant 1008 : index
          %swap3A_1049 = tpu.vector_load %arg7[%swap3A_1047, %swap3A_1048] {strides = array<i32>} : memref<16x1024xf32, #tpu.memory_space<vmem>>, vector<1x16xf32>,
          %swap3A_1050 = vector.shape_cast %swap3A_1049 : vector<1x16xf32> to vector<16xf32>
          %swap3A_1051 = vector.shape_cast %add3A_1046 : vector<16xf32> to vector<1x16xf32>
          tpu.vector_store %arg7[%swap3A_1047, %swap3A_1048], %swap3A_1051 {strides = array<i32>} : memref<16x1024xf32, #tpu.memory_space<vmem>>, vector<1x16xf32>,
        }
        %scan3A_116 = arith.constant 16 : i32
        %jit3A_117 = arith.constant 4 : i32
        %div3A_118 = arith.divsi %scan3A_56, %jit3A_117 : i32
        %sign3A_119 = arith.constant 0 : i32
        %sign3A_120 = arith.cmpi sgt, %scan3A_56, %sign3A_119 : i32
        %sign3A_121 = arith.extui %sign3A_120 : i1 to i32
        %sign3A_122 = arith.constant 0 : i32
        %sign3A_123 = arith.cmpi slt, %scan3A_56, %sign3A_122 : i32
        %sign3A_124 = arith.extui %sign3A_123 : i1 to i32
        %sign3A_125 = arith.subi %sign3A_121, %sign3A_124 : i32
        %sign3A_126 = arith.constant 0 : i32
        %sign3A_127 = arith.cmpi sgt, %jit3A_117, %sign3A_126 : i32
        %sign3A_128 = arith.extui %sign3A_127 : i1 to i32
        %sign3A_129 = arith.constant 0 : i32
        %sign3A_130 = arith.cmpi slt, %jit3A_117, %sign3A_129 : i32
        %sign3A_131 = arith.extui %sign3A_130 : i1 to i32
        %sign3A_132 = arith.subi %sign3A_128, %sign3A_131 : i32
        %ne3A_133 = arith.cmpi ne, %sign3A_125, %sign3A_132 : i32
        %rem3A_134 = arith.remsi %scan3A_56, %jit3A_117 : i32
        %ne3A_135 = arith.constant 0 : i32
        %ne3A_136 = arith.cmpi ne, %rem3A_134, %ne3A_135 : i32
        %and3A_137 = arith.andi %ne3A_133, %ne3A_136 : i1
        %sub3A_138 = arith.constant 1 : i32
        %sub3A_139 = arith.subi %div3A_118, %sub3A_138 : i32
        %select_n3A_140 = arith.select %and3A_137, %sub3A_139, %div3A_118 : i32
        %rem3A_141 = arith.constant 4 : i32
        %rem3A_142 = arith.remsi %scan3A_56, %rem3A_141 : i32
        %mul3A_143 = arith.constant 8192 : i32
        %mul3A_144 = arith.muli %rem3A_142, %mul3A_143 : i32
        %add3A_145 = arith.addi %mul3A_144, %mul3A_2 : i32
        %mul3A_146 = arith.constant 16 : i32
        %mul3A_147 = arith.muli %select_n3A_140, %mul3A_146 : i32
        %add3A_148 = arith.addi %add3A_145, %mul3A_147 : i32
        %rem3A_149 = arith.constant 2 : i32
        %rem3A_150 = arith.remsi %scan3A_56, %rem3A_149 : i32
        %dma_start3A_151 = arith.constant 0 : i32
        %dma_start3A_152 = tpu.memref_slice %arg4[%add3A_148, %dma_start3A_151] : memref<32768x1024xf32, #tpu.memory_space<hbm>> -> memref<16x1024xf32, #tpu.memory_space<hbm>>
        %dma_start3A_153 = tpu.memref_slice %arg11[%rem3A_150] : memref<2x!tpu.dma_semaphore, #tpu.memory_space<semaphore_mem>> -> memref<1x!tpu.dma_semaphore, #tpu.memory_space<semaphore_mem>>
        %dma_start3A_154 = tpu.memref_squeeze %dma_start3A_153 : memref<1x!tpu.dma_semaphore, #tpu.memory_space<semaphore_mem>> -> memref<!tpu.dma_semaphore, #tpu.memory_space<semaphore_mem>>
        %dma_start3A_155 = arith.constant 0 : i32
        %dma_start3A_156 = tpu.memref_slice %arg4[%add3A_148, %dma_start3A_155] : memref<32768x1024xf32, #tpu.memory_space<hbm>> -> memref<16x1024xf32, #tpu.memory_space<hbm>>
        tpu.enqueue_dma source(%arg7 : memref<16x1024xf32, #tpu.memory_space<vmem>>) target(%dma_start3A_156 : memref<16x1024xf32, #tpu.memory_space<hbm>>) target_semaphore(%dma_start3A_154 : memref<!tpu.dma_semaphore, #tpu.memory_space<semaphore_mem>>)
      } else {
        %jit3A = arith.constant 4 : i32
        %div3A = arith.divsi %scan3A_56, %jit3A : i32
        %sign3A = arith.constant 0 : i32
        %sign3A_68 = arith.cmpi sgt, %scan3A_56, %sign3A : i32
        %sign3A_69 = arith.extui %sign3A_68 : i1 to i32
        %sign3A_70 = arith.constant 0 : i32
        %sign3A_71 = arith.cmpi slt, %scan3A_56, %sign3A_70 : i32
        %sign3A_72 = arith.extui %sign3A_71 : i1 to i32
        %sign3A_73 = arith.subi %sign3A_69, %sign3A_72 : i32
        %sign3A_74 = arith.constant 0 : i32
        %sign3A_75 = arith.cmpi sgt, %jit3A, %sign3A_74 : i32
        %sign3A_76 = arith.extui %sign3A_75 : i1 to i32
        %sign3A_77 = arith.constant 0 : i32
        %sign3A_78 = arith.cmpi slt, %jit3A, %sign3A_77 : i32
        %sign3A_79 = arith.extui %sign3A_78 : i1 to i32
        %sign3A_80 = arith.subi %sign3A_76, %sign3A_79 : i32
        %ne3A = arith.cmpi ne, %sign3A_73, %sign3A_80 : i32
        %rem3A_81 = arith.remsi %scan3A_56, %jit3A : i32
        %ne3A_82 = arith.constant 0 : i32
        %ne3A_83 = arith.cmpi ne, %rem3A_81, %ne3A_82 : i32
        %and3A = arith.andi %ne3A, %ne3A_83 : i1
        %sub3A = arith.constant 1 : i32
        %sub3A_84 = arith.subi %div3A, %sub3A : i32
        %select_n3A = arith.select %and3A, %sub3A_84, %div3A : i32
        %rem3A_85 = arith.constant 4 : i32
        %rem3A_86 = arith.remsi %scan3A_56, %rem3A_85 : i32
        %mul3A_87 = arith.constant 8192 : i32
        %mul3A_88 = arith.muli %rem3A_86, %mul3A_87 : i32
        %add3A_89 = arith.addi %mul3A_88, %mul3A_2 : i32
        %mul3A_90 = arith.constant 16 : i32
        %mul3A_91 = arith.muli %select_n3A, %mul3A_90 : i32
        %add3A_92 = arith.addi %add3A_89, %mul3A_91 : i32
        %rem3A_93 = arith.constant 2 : i32
        %rem3A_94 = arith.remsi %scan3A_56, %rem3A_93 : i32
        %dma_wait3A_95 = arith.constant 0 : i32
        %dma_wait3A_96 = tpu.memref_slice %arg2[%add3A_92, %dma_wait3A_95] : memref<32768x1024xf32, #tpu.memory_space<hbm>> -> memref<16x1024xf32, #tpu.memory_space<hbm>>
        %dma_wait3A_97 = tpu.memref_slice %arg10[%rem3A_94] : memref<2x!tpu.dma_semaphore, #tpu.memory_space<semaphore_mem>> -> memref<1x!tpu.dma_semaphore, #tpu.memory_space<semaphore_mem>>
        %dma_wait3A_98 = tpu.memref_squeeze %dma_wait3A_97 : memref<1x!tpu.dma_semaphore, #tpu.memory_space<semaphore_mem>> -> memref<!tpu.dma_semaphore, #tpu.memory_space<semaphore_mem>>
        %dma_wait3A_99 = arith.constant 0 : i32
        %dma_wait3A_100 = tpu.memref_slice %arg2[%add3A_92, %dma_wait3A_99] : memref<32768x1024xf32, #tpu.memory_space<hbm>> -> memref<16x1024xf32, #tpu.memory_space<hbm>>
        tpu.wait_dma2 semaphore(%dma_wait3A_98 : memref<!tpu.dma_semaphore, #tpu.memory_space<semaphore_mem>>) src(%dma_wait3A_100 : memref<16x1024xf32, #tpu.memory_space<hbm>>) dst(%arg6 : memref<16x1024xf32, #tpu.memory_space<vmem>>)
        %add3A_101 = arith.constant 1 : i32
        %add3A_102 = arith.addi %scan3A_56, %add3A_101 : i32
        %lt3A = arith.constant 64 : i32
        %lt3A_103 = arith.cmpi slt, %add3A_102, %lt3A : i32
        %convert_element_type3A_104 = arith.extui %lt3A_103 : i1 to i32
        %cond3A_105 = arith.constant 0 : i32
        %cond3A_106 = arith.cmpi ne, %convert_element_type3A_104, %cond3A_105 : i32
        scf.if %cond3A_106 {
          %eq3A_157 = arith.constant 0 : i32
          %eq3A_158 = arith.cmpi eq, %rem3A_58, %eq3A_157 : i32
          %convert_element_type3A_159 = arith.extui %eq3A_158 : i1 to i32
          %cond3A_160 = arith.constant 0 : i32
          %cond3A_161 = arith.cmpi ne, %convert_element_type3A_159, %cond3A_160 : i32
          scf.if %cond3A_161 {
            %add3A_162 = arith.constant 1 : i32
            %add3A_163 = arith.addi %scan3A_56, %add3A_162 : i32
            %jit3A_164 = arith.constant 4 : i32
            %div3A_165 = arith.divsi %add3A_163, %jit3A_164 : i32
            %sign3A_166 = arith.constant 0 : i32
            %sign3A_167 = arith.cmpi sgt, %add3A_163, %sign3A_166 : i32
            %sign3A_168 = arith.extui %sign3A_167 : i1 to i32
            %sign3A_169 = arith.constant 0 : i32
            %sign3A_170 = arith.cmpi slt, %add3A_163, %sign3A_169 : i32
            %sign3A_171 = arith.extui %sign3A_170 : i1 to i32
            %sign3A_172 = arith.subi %sign3A_168, %sign3A_171 : i32
            %sign3A_173 = arith.constant 0 : i32
            %sign3A_174 = arith.cmpi sgt, %jit3A_164, %sign3A_173 : i32
            %sign3A_175 = arith.extui %sign3A_174 : i1 to i32
            %sign3A_176 = arith.constant 0 : i32
            %sign3A_177 = arith.cmpi slt, %jit3A_164, %sign3A_176 : i32
            %sign3A_178 = arith.extui %sign3A_177 : i1 to i32
            %sign3A_179 = arith.subi %sign3A_175, %sign3A_178 : i32
            %ne3A_180 = arith.cmpi ne, %sign3A_172, %sign3A_179 : i32
            %rem3A_181 = arith.remsi %add3A_163, %jit3A_164 : i32
            %ne3A_182 = arith.constant 0 : i32
            %ne3A_183 = arith.cmpi ne, %rem3A_181, %ne3A_182 : i32
            %and3A_184 = arith.andi %ne3A_180, %ne3A_183 : i1
            %sub3A_185 = arith.constant 1 : i32
            %sub3A_186 = arith.subi %div3A_165, %sub3A_185 : i32
            %select_n3A_187 = arith.select %and3A_184, %sub3A_186, %div3A_165 : i32
            %rem3A_188 = arith.constant 4 : i32
            %rem3A_189 = arith.remsi %add3A_163, %rem3A_188 : i32
            %mul3A_190 = arith.constant 8192 : i32
            %mul3A_191 = arith.muli %rem3A_189, %mul3A_190 : i32
            %add3A_192 = arith.addi %mul3A_191, %mul3A_2 : i32
            %mul3A_193 = arith.constant 16 : i32
            %mul3A_194 = arith.muli %select_n3A_187, %mul3A_193 : i32
            %add3A_195 = arith.addi %add3A_192, %mul3A_194 : i32
            %rem3A_196 = arith.constant 2 : i32
            %rem3A_197 = arith.remsi %add3A_163, %rem3A_196 : i32
            %dma_start3A_198 = arith.constant 0 : i32
            %dma_start3A_199 = tpu.memref_slice %arg2[%add3A_195, %dma_start3A_198] : memref<32768x1024xf32, #tpu.memory_space<hbm>> -> memref<16x1024xf32, #tpu.memory_space<hbm>>
            %dma_start3A_200 = tpu.memref_slice %arg10[%rem3A_197] : memref<2x!tpu.dma_semaphore, #tpu.memory_space<semaphore_mem>> -> memref<1x!tpu.dma_semaphore, #tpu.memory_space<semaphore_mem>>
            %dma_start3A_201 = tpu.memref_squeeze %dma_start3A_200 : memref<1x!tpu.dma_semaphore, #tpu.memory_space<semaphore_mem>> -> memref<!tpu.dma_semaphore, #tpu.memory_space<semaphore_mem>>
            %dma_start3A_202 = arith.constant 0 : i32
            %dma_start3A_203 = tpu.memref_slice %arg2[%add3A_195, %dma_start3A_202] : memref<32768x1024xf32, #tpu.memory_space<hbm>> -> memref<16x1024xf32, #tpu.memory_space<hbm>>
            tpu.enqueue_dma source(%dma_start3A_203 : memref<16x1024xf32, #tpu.memory_space<hbm>>) target(%arg6 : memref<16x1024xf32, #tpu.memory_space<vmem>>) target_semaphore(%dma_start3A_201 : memref<!tpu.dma_semaphore, #tpu.memory_space<semaphore_mem>>)
          } else {
            %add3A_162 = arith.constant 1 : i32
            %add3A_163 = arith.addi %scan3A_56, %add3A_162 : i32
            %jit3A_164 = arith.constant 4 : i32
            %div3A_165 = arith.divsi %add3A_163, %jit3A_164 : i32
            %sign3A_166 = arith.constant 0 : i32
            %sign3A_167 = arith.cmpi sgt, %add3A_163, %sign3A_166 : i32
            %sign3A_168 = arith.extui %sign3A_167 : i1 to i32
            %sign3A_169 = arith.constant 0 : i32
            %sign3A_170 = arith.cmpi slt, %add3A_163, %sign3A_169 : i32
            %sign3A_171 = arith.extui %sign3A_170 : i1 to i32
            %sign3A_172 = arith.subi %sign3A_168, %sign3A_171 : i32
            %sign3A_173 = arith.constant 0 : i32
            %sign3A_174 = arith.cmpi sgt, %jit3A_164, %sign3A_173 : i32
            %sign3A_175 = arith.extui %sign3A_174 : i1 to i32
            %sign3A_176 = arith.constant 0 : i32
            %sign3A_177 = arith.cmpi slt, %jit3A_164, %sign3A_176 : i32
            %sign3A_178 = arith.extui %sign3A_177 : i1 to i32
            %sign3A_179 = arith.subi %sign3A_175, %sign3A_178 : i32
            %ne3A_180 = arith.cmpi ne, %sign3A_172, %sign3A_179 : i32
            %rem3A_181 = arith.remsi %add3A_163, %jit3A_164 : i32
            %ne3A_182 = arith.constant 0 : i32
            %ne3A_183 = arith.cmpi ne, %rem3A_181, %ne3A_182 : i32
            %and3A_184 = arith.andi %ne3A_180, %ne3A_183 : i1
            %sub3A_185 = arith.constant 1 : i32
            %sub3A_186 = arith.subi %div3A_165, %sub3A_185 : i32
            %select_n3A_187 = arith.select %and3A_184, %sub3A_186, %div3A_165 : i32
            %rem3A_188 = arith.constant 4 : i32
            %rem3A_189 = arith.remsi %add3A_163, %rem3A_188 : i32
            %mul3A_190 = arith.constant 8192 : i32
            %mul3A_191 = arith.muli %rem3A_189, %mul3A_190 : i32
            %add3A_192 = arith.addi %mul3A_191, %mul3A_2 : i32
            %mul3A_193 = arith.constant 16 : i32
            %mul3A_194 = arith.muli %select_n3A_187, %mul3A_193 : i32
            %add3A_195 = arith.addi %add3A_192, %mul3A_194 : i32
            %rem3A_196 = arith.constant 2 : i32
            %rem3A_197 = arith.remsi %add3A_163, %rem3A_196 : i32
            %dma_start3A_198 = arith.constant 0 : i32
            %dma_start3A_199 = tpu.memref_slice %arg2[%add3A_195, %dma_start3A_198] : memref<32768x1024xf32, #tpu.memory_space<hbm>> -> memref<16x1024xf32, #tpu.memory_space<hbm>>
            %dma_start3A_200 = tpu.memref_slice %arg10[%rem3A_197] : memref<2x!tpu.dma_semaphore, #tpu.memory_space<semaphore_mem>> -> memref<1x!tpu.dma_semaphore, #tpu.memory_space<semaphore_mem>>
            %dma_start3A_201 = tpu.memref_squeeze %dma_start3A_200 : memref<1x!tpu.dma_semaphore, #tpu.memory_space<semaphore_mem>> -> memref<!tpu.dma_semaphore, #tpu.memory_space<semaphore_mem>>
            %dma_start3A_202 = arith.constant 0 : i32
            %dma_start3A_203 = tpu.memref_slice %arg2[%add3A_195, %dma_start3A_202] : memref<32768x1024xf32, #tpu.memory_space<hbm>> -> memref<16x1024xf32, #tpu.memory_space<hbm>>
            tpu.enqueue_dma source(%dma_start3A_203 : memref<16x1024xf32, #tpu.memory_space<hbm>>) target(%arg5 : memref<16x1024xf32, #tpu.memory_space<vmem>>) target_semaphore(%dma_start3A_201 : memref<!tpu.dma_semaphore, #tpu.memory_space<semaphore_mem>>)
          }
        } else {
        }
        %ge3A = arith.constant 2 : i32
        %ge3A_107 = arith.cmpi sge, %scan3A_56, %ge3A : i32
        %convert_element_type3A_108 = arith.extui %ge3A_107 : i1 to i32
        %cond3A_109 = arith.constant 0 : i32
        %cond3A_110 = arith.cmpi ne, %convert_element_type3A_108, %cond3A_109 : i32
        scf.if %cond3A_110 {
          %sub3A_157 = arith.constant 2 : i32
          %sub3A_158 = arith.subi %scan3A_56, %sub3A_157 : i32
          %jit3A_159 = arith.constant 4 : i32
          %div3A_160 = arith.divsi %sub3A_158, %jit3A_159 : i32
          %sign3A_161 = arith.constant 0 : i32
          %sign3A_162 = arith.cmpi sgt, %sub3A_158, %sign3A_161 : i32
          %sign3A_163 = arith.extui %sign3A_162 : i1 to i32
          %sign3A_164 = arith.constant 0 : i32
          %sign3A_165 = arith.cmpi slt, %sub3A_158, %sign3A_164 : i32
          %sign3A_166 = arith.extui %sign3A_165 : i1 to i32
          %sign3A_167 = arith.subi %sign3A_163, %sign3A_166 : i32
          %sign3A_168 = arith.constant 0 : i32
          %sign3A_169 = arith.cmpi sgt, %jit3A_159, %sign3A_168 : i32
          %sign3A_170 = arith.extui %sign3A_169 : i1 to i32
          %sign3A_171 = arith.constant 0 : i32
          %sign3A_172 = arith.cmpi slt, %jit3A_159, %sign3A_171 : i32
          %sign3A_173 = arith.extui %sign3A_172 : i1 to i32
          %sign3A_174 = arith.subi %sign3A_170, %sign3A_173 : i32
          %ne3A_175 = arith.cmpi ne, %sign3A_167, %sign3A_174 : i32
          %rem3A_176 = arith.remsi %sub3A_158, %jit3A_159 : i32
          %ne3A_177 = arith.constant 0 : i32
          %ne3A_178 = arith.cmpi ne, %rem3A_176, %ne3A_177 : i32
          %and3A_179 = arith.andi %ne3A_175, %ne3A_178 : i1
          %sub3A_180 = arith.constant 1 : i32
          %sub3A_181 = arith.subi %div3A_160, %sub3A_180 : i32
          %select_n3A_182 = arith.select %and3A_179, %sub3A_181, %div3A_160 : i32
          %rem3A_183 = arith.constant 4 : i32
          %rem3A_184 = arith.remsi %sub3A_158, %rem3A_183 : i32
          %mul3A_185 = arith.constant 8192 : i32
          %mul3A_186 = arith.muli %rem3A_184, %mul3A_185 : i32
          %add3A_187 = arith.addi %mul3A_186, %mul3A_2 : i32
          %mul3A_188 = arith.constant 16 : i32
          %mul3A_189 = arith.muli %select_n3A_182, %mul3A_188 : i32
          %add3A_190 = arith.addi %add3A_187, %mul3A_189 : i32
          %rem3A_191 = arith.constant 2 : i32
          %rem3A_192 = arith.remsi %sub3A_158, %rem3A_191 : i32
          %dma_wait3A_193 = arith.constant 0 : i32
          %dma_wait3A_194 = tpu.memref_slice %arg4[%add3A_190, %dma_wait3A_193] : memref<32768x1024xf32, #tpu.memory_space<hbm>> -> memref<16x1024xf32, #tpu.memory_space<hbm>>
          %dma_wait3A_195 = tpu.memref_slice %arg11[%rem3A_192] : memref<2x!tpu.dma_semaphore, #tpu.memory_space<semaphore_mem>> -> memref<1x!tpu.dma_semaphore, #tpu.memory_space<semaphore_mem>>
          %dma_wait3A_196 = tpu.memref_squeeze %dma_wait3A_195 : memref<1x!tpu.dma_semaphore, #tpu.memory_space<semaphore_mem>> -> memref<!tpu.dma_semaphore, #tpu.memory_space<semaphore_mem>>
          %dma_wait3A_197 = arith.constant 0 : i32
          %dma_wait3A_198 = tpu.memref_slice %arg4[%add3A_190, %dma_wait3A_197] : memref<32768x1024xf32, #tpu.memory_space<hbm>> -> memref<16x1024xf32, #tpu.memory_space<hbm>>
          tpu.wait_dma2 semaphore(%dma_wait3A_196 : memref<!tpu.dma_semaphore, #tpu.memory_space<semaphore_mem>>) src(%arg8 : memref<16x1024xf32, #tpu.memory_space<vmem>>) dst(%dma_wait3A_198 : memref<16x1024xf32, #tpu.memory_space<hbm>>)
        } else {
        }
        %scan3A_111 = arith.constant 0 : i32
        %scan3A_112 = arith.constant 0 : i32
        %scan3A_113 = arith.constant 16 : i32
        %scan3A_114 = arith.addi %scan3A_112, %scan3A_113 : i32
        %scan3A_115 = arith.constant 1 : i32
        scf.for %scan3A_157 = %scan3A_112 to %scan3A_114 step %scan3A_115  : i32 {
          %get3A = arith.index_cast %scan3A_157 : i32 to index
          %get3A_158 = arith.constant 0 : index
          %get3A_159 = tpu.vector_load %arg6[%get3A, %get3A_158] {strides = array<i32>} : memref<16x1024xf32, #tpu.memory_space<vmem>>, vector<1x16xf32>,
          %get3A_160 = vector.shape_cast %get3A_159 : vector<1x16xf32> to vector<16xf32>
          %get3A_161 = arith.index_cast %scan3A_157 : i32 to index
          %get3A_162 = arith.constant 0 : index
          %get3A_163 = tpu.vector_load %arg9[%get3A_161, %get3A_162] {strides = array<i32>} : memref<16x1024xf32, #tpu.memory_space<vmem>>, vector<1x16xf32>,
          %get3A_164 = vector.shape_cast %get3A_163 : vector<1x16xf32> to vector<16xf32>
          %add3A_165 = arith.addf %get3A_160, %get3A_164 : vector<16xf32>
          %swap3A = arith.index_cast %scan3A_157 : i32 to index
          %swap3A_166 = arith.constant 0 : index
          %swap3A_167 = tpu.vector_load %arg8[%swap3A, %swap3A_166] {strides = array<i32>} : memref<16x1024xf32, #tpu.memory_space<vmem>>, vector<1x16xf32>,
          %swap3A_168 = vector.shape_cast %swap3A_167 : vector<1x16xf32> to vector<16xf32>
          %swap3A_169 = vector.shape_cast %add3A_165 : vector<16xf32> to vector<1x16xf32>
          tpu.vector_store %arg8[%swap3A, %swap3A_166], %swap3A_169 {strides = array<i32>} : memref<16x1024xf32, #tpu.memory_space<vmem>>, vector<1x16xf32>,
          %get3A_170 = arith.index_cast %scan3A_157 : i32 to index
          %get3A_171 = arith.constant 16 : index
          %get3A_172 = tpu.vector_load %arg6[%get3A_170, %get3A_171] {strides = array<i32>} : memref<16x1024xf32, #tpu.memory_space<vmem>>, vector<1x16xf32>,
          %get3A_173 = vector.shape_cast %get3A_172 : vector<1x16xf32> to vector<16xf32>
          %get3A_174 = arith.index_cast %scan3A_157 : i32 to index
          %get3A_175 = arith.constant 16 : index
          %get3A_176 = tpu.vector_load %arg9[%get3A_174, %get3A_175] {strides = array<i32>} : memref<16x1024xf32, #tpu.memory_space<vmem>>, vector<1x16xf32>,
          %get3A_177 = vector.shape_cast %get3A_176 : vector<1x16xf32> to vector<16xf32>
          %add3A_178 = arith.addf %get3A_173, %get3A_177 : vector<16xf32>
          %swap3A_179 = arith.index_cast %scan3A_157 : i32 to index
          %swap3A_180 = arith.constant 16 : index
          %swap3A_181 = tpu.vector_load %arg8[%swap3A_179, %swap3A_180] {strides = array<i32>} : memref<16x1024xf32, #tpu.memory_space<vmem>>, vector<1x16xf32>,
          %swap3A_182 = vector.shape_cast %swap3A_181 : vector<1x16xf32> to vector<16xf32>
          %swap3A_183 = vector.shape_cast %add3A_178 : vector<16xf32> to vector<1x16xf32>
          tpu.vector_store %arg8[%swap3A_179, %swap3A_180], %swap3A_183 {strides = array<i32>} : memref<16x1024xf32, #tpu.memory_space<vmem>>, vector<1x16xf32>,
          %get3A_184 = arith.index_cast %scan3A_157 : i32 to index
          %get3A_185 = arith.constant 32 : index
          %get3A_186 = tpu.vector_load %arg6[%get3A_184, %get3A_185] {strides = array<i32>} : memref<16x1024xf32, #tpu.memory_space<vmem>>, vector<1x16xf32>,
          %get3A_187 = vector.shape_cast %get3A_186 : vector<1x16xf32> to vector<16xf32>
          %get3A_188 = arith.index_cast %scan3A_157 : i32 to index
          %get3A_189 = arith.constant 32 : index
          %get3A_190 = tpu.vector_load %arg9[%get3A_188, %get3A_189] {strides = array<i32>} : memref<16x1024xf32, #tpu.memory_space<vmem>>, vector<1x16xf32>,
          %get3A_191 = vector.shape_cast %get3A_190 : vector<1x16xf32> to vector<16xf32>
          %add3A_192 = arith.addf %get3A_187, %get3A_191 : vector<16xf32>
          %swap3A_193 = arith.index_cast %scan3A_157 : i32 to index
          %swap3A_194 = arith.constant 32 : index
          %swap3A_195 = tpu.vector_load %arg8[%swap3A_193, %swap3A_194] {strides = array<i32>} : memref<16x1024xf32, #tpu.memory_space<vmem>>, vector<1x16xf32>,
          %swap3A_196 = vector.shape_cast %swap3A_195 : vector<1x16xf32> to vector<16xf32>
          %swap3A_197 = vector.shape_cast %add3A_192 : vector<16xf32> to vector<1x16xf32>
          tpu.vector_store %arg8[%swap3A_193, %swap3A_194], %swap3A_197 {strides = array<i32>} : memref<16x1024xf32, #tpu.memory_space<vmem>>, vector<1x16xf32>,
          %get3A_198 = arith.index_cast %scan3A_157 : i32 to index
          %get3A_199 = arith.constant 48 : index
          %get3A_200 = tpu.vector_load %arg6[%get3A_198, %get3A_199] {strides = array<i32>} : memref<16x1024xf32, #tpu.memory_space<vmem>>, vector<1x16xf32>,
          %get3A_201 = vector.shape_cast %get3A_200 : vector<1x16xf32> to vector<16xf32>
          %get3A_202 = arith.index_cast %scan3A_157 : i32 to index
          %get3A_203 = arith.constant 48 : index
          %get3A_204 = tpu.vector_load %arg9[%get3A_202, %get3A_203] {strides = array<i32>} : memref<16x1024xf32, #tpu.memory_space<vmem>>, vector<1x16xf32>,
          %get3A_205 = vector.shape_cast %get3A_204 : vector<1x16xf32> to vector<16xf32>
          %add3A_206 = arith.addf %get3A_201, %get3A_205 : vector<16xf32>
          %swap3A_207 = arith.index_cast %scan3A_157 : i32 to index
          %swap3A_208 = arith.constant 48 : index
          %swap3A_209 = tpu.vector_load %arg8[%swap3A_207, %swap3A_208] {strides = array<i32>} : memref<16x1024xf32, #tpu.memory_space<vmem>>, vector<1x16xf32>,
          %swap3A_210 = vector.shape_cast %swap3A_209 : vector<1x16xf32> to vector<16xf32>
          %swap3A_211 = vector.shape_cast %add3A_206 : vector<16xf32> to vector<1x16xf32>
          tpu.vector_store %arg8[%swap3A_207, %swap3A_208], %swap3A_211 {strides = array<i32>} : memref<16x1024xf32, #tpu.memory_space<vmem>>, vector<1x16xf32>,
          %get3A_212 = arith.index_cast %scan3A_157 : i32 to index
          %get3A_213 = arith.constant 64 : index
          %get3A_214 = tpu.vector_load %arg6[%get3A_212, %get3A_213] {strides = array<i32>} : memref<16x1024xf32, #tpu.memory_space<vmem>>, vector<1x16xf32>,
          %get3A_215 = vector.shape_cast %get3A_214 : vector<1x16xf32> to vector<16xf32>
          %get3A_216 = arith.index_cast %scan3A_157 : i32 to index
          %get3A_217 = arith.constant 64 : index
          %get3A_218 = tpu.vector_load %arg9[%get3A_216, %get3A_217] {strides = array<i32>} : memref<16x1024xf32, #tpu.memory_space<vmem>>, vector<1x16xf32>,
          %get3A_219 = vector.shape_cast %get3A_218 : vector<1x16xf32> to vector<16xf32>
          %add3A_220 = arith.addf %get3A_215, %get3A_219 : vector<16xf32>
          %swap3A_221 = arith.index_cast %scan3A_157 : i32 to index
          %swap3A_222 = arith.constant 64 : index
          %swap3A_223 = tpu.vector_load %arg8[%swap3A_221, %swap3A_222] {strides = array<i32>} : memref<16x1024xf32, #tpu.memory_space<vmem>>, vector<1x16xf32>,
          %swap3A_224 = vector.shape_cast %swap3A_223 : vector<1x16xf32> to vector<16xf32>
          %swap3A_225 = vector.shape_cast %add3A_220 : vector<16xf32> to vector<1x16xf32>
          tpu.vector_store %arg8[%swap3A_221, %swap3A_222], %swap3A_225 {strides = array<i32>} : memref<16x1024xf32, #tpu.memory_space<vmem>>, vector<1x16xf32>,
          %get3A_226 = arith.index_cast %scan3A_157 : i32 to index
          %get3A_227 = arith.constant 80 : index
          %get3A_228 = tpu.vector_load %arg6[%get3A_226, %get3A_227] {strides = array<i32>} : memref<16x1024xf32, #tpu.memory_space<vmem>>, vector<1x16xf32>,
          %get3A_229 = vector.shape_cast %get3A_228 : vector<1x16xf32> to vector<16xf32>
          %get3A_230 = arith.index_cast %scan3A_157 : i32 to index
          %get3A_231 = arith.constant 80 : index
          %get3A_232 = tpu.vector_load %arg9[%get3A_230, %get3A_231] {strides = array<i32>} : memref<16x1024xf32, #tpu.memory_space<vmem>>, vector<1x16xf32>,
          %get3A_233 = vector.shape_cast %get3A_232 : vector<1x16xf32> to vector<16xf32>
          %add3A_234 = arith.addf %get3A_229, %get3A_233 : vector<16xf32>
          %swap3A_235 = arith.index_cast %scan3A_157 : i32 to index
          %swap3A_236 = arith.constant 80 : index
          %swap3A_237 = tpu.vector_load %arg8[%swap3A_235, %swap3A_236] {strides = array<i32>} : memref<16x1024xf32, #tpu.memory_space<vmem>>, vector<1x16xf32>,
          %swap3A_238 = vector.shape_cast %swap3A_237 : vector<1x16xf32> to vector<16xf32>
          %swap3A_239 = vector.shape_cast %add3A_234 : vector<16xf32> to vector<1x16xf32>
          tpu.vector_store %arg8[%swap3A_235, %swap3A_236], %swap3A_239 {strides = array<i32>} : memref<16x1024xf32, #tpu.memory_space<vmem>>, vector<1x16xf32>,
          %get3A_240 = arith.index_cast %scan3A_157 : i32 to index
          %get3A_241 = arith.constant 96 : index
          %get3A_242 = tpu.vector_load %arg6[%get3A_240, %get3A_241] {strides = array<i32>} : memref<16x1024xf32, #tpu.memory_space<vmem>>, vector<1x16xf32>,
          %get3A_243 = vector.shape_cast %get3A_242 : vector<1x16xf32> to vector<16xf32>
          %get3A_244 = arith.index_cast %scan3A_157 : i32 to index
          %get3A_245 = arith.constant 96 : index
          %get3A_246 = tpu.vector_load %arg9[%get3A_244, %get3A_245] {strides = array<i32>} : memref<16x1024xf32, #tpu.memory_space<vmem>>, vector<1x16xf32>,
          %get3A_247 = vector.shape_cast %get3A_246 : vector<1x16xf32> to vector<16xf32>
          %add3A_248 = arith.addf %get3A_243, %get3A_247 : vector<16xf32>
          %swap3A_249 = arith.index_cast %scan3A_157 : i32 to index
          %swap3A_250 = arith.constant 96 : index
          %swap3A_251 = tpu.vector_load %arg8[%swap3A_249, %swap3A_250] {strides = array<i32>} : memref<16x1024xf32, #tpu.memory_space<vmem>>, vector<1x16xf32>,
          %swap3A_252 = vector.shape_cast %swap3A_251 : vector<1x16xf32> to vector<16xf32>
          %swap3A_253 = vector.shape_cast %add3A_248 : vector<16xf32> to vector<1x16xf32>
          tpu.vector_store %arg8[%swap3A_249, %swap3A_250], %swap3A_253 {strides = array<i32>} : memref<16x1024xf32, #tpu.memory_space<vmem>>, vector<1x16xf32>,
          %get3A_254 = arith.index_cast %scan3A_157 : i32 to index
          %get3A_255 = arith.constant 112 : index
          %get3A_256 = tpu.vector_load %arg6[%get3A_254, %get3A_255] {strides = array<i32>} : memref<16x1024xf32, #tpu.memory_space<vmem>>, vector<1x16xf32>,
          %get3A_257 = vector.shape_cast %get3A_256 : vector<1x16xf32> to vector<16xf32>
          %get3A_258 = arith.index_cast %scan3A_157 : i32 to index
          %get3A_259 = arith.constant 112 : index
          %get3A_260 = tpu.vector_load %arg9[%get3A_258, %get3A_259] {strides = array<i32>} : memref<16x1024xf32, #tpu.memory_space<vmem>>, vector<1x16xf32>,
          %get3A_261 = vector.shape_cast %get3A_260 : vector<1x16xf32> to vector<16xf32>
          %add3A_262 = arith.addf %get3A_257, %get3A_261 : vector<16xf32>
          %swap3A_263 = arith.index_cast %scan3A_157 : i32 to index
          %swap3A_264 = arith.constant 112 : index
          %swap3A_265 = tpu.vector_load %arg8[%swap3A_263, %swap3A_264] {strides = array<i32>} : memref<16x1024xf32, #tpu.memory_space<vmem>>, vector<1x16xf32>,
          %swap3A_266 = vector.shape_cast %swap3A_265 : vector<1x16xf32> to vector<16xf32>
          %swap3A_267 = vector.shape_cast %add3A_262 : vector<16xf32> to vector<1x16xf32>
          tpu.vector_store %arg8[%swap3A_263, %swap3A_264], %swap3A_267 {strides = array<i32>} : memref<16x1024xf32, #tpu.memory_space<vmem>>, vector<1x16xf32>,
          %get3A_268 = arith.index_cast %scan3A_157 : i32 to index
          %get3A_269 = arith.constant 128 : index
          %get3A_270 = tpu.vector_load %arg6[%get3A_268, %get3A_269] {strides = array<i32>} : memref<16x1024xf32, #tpu.memory_space<vmem>>, vector<1x16xf32>,
          %get3A_271 = vector.shape_cast %get3A_270 : vector<1x16xf32> to vector<16xf32>
          %get3A_272 = arith.index_cast %scan3A_157 : i32 to index
          %get3A_273 = arith.constant 128 : index
          %get3A_274 = tpu.vector_load %arg9[%get3A_272, %get3A_273] {strides = array<i32>} : memref<16x1024xf32, #tpu.memory_space<vmem>>, vector<1x16xf32>,
          %get3A_275 = vector.shape_cast %get3A_274 : vector<1x16xf32> to vector<16xf32>
          %add3A_276 = arith.addf %get3A_271, %get3A_275 : vector<16xf32>
          %swap3A_277 = arith.index_cast %scan3A_157 : i32 to index
          %swap3A_278 = arith.constant 128 : index
          %swap3A_279 = tpu.vector_load %arg8[%swap3A_277, %swap3A_278] {strides = array<i32>} : memref<16x1024xf32, #tpu.memory_space<vmem>>, vector<1x16xf32>,
          %swap3A_280 = vector.shape_cast %swap3A_279 : vector<1x16xf32> to vector<16xf32>
          %swap3A_281 = vector.shape_cast %add3A_276 : vector<16xf32> to vector<1x16xf32>
          tpu.vector_store %arg8[%swap3A_277, %swap3A_278], %swap3A_281 {strides = array<i32>} : memref<16x1024xf32, #tpu.memory_space<vmem>>, vector<1x16xf32>,
          %get3A_282 = arith.index_cast %scan3A_157 : i32 to index
          %get3A_283 = arith.constant 144 : index
          %get3A_284 = tpu.vector_load %arg6[%get3A_282, %get3A_283] {strides = array<i32>} : memref<16x1024xf32, #tpu.memory_space<vmem>>, vector<1x16xf32>,
          %get3A_285 = vector.shape_cast %get3A_284 : vector<1x16xf32> to vector<16xf32>
          %get3A_286 = arith.index_cast %scan3A_157 : i32 to index
          %get3A_287 = arith.constant 144 : index
          %get3A_288 = tpu.vector_load %arg9[%get3A_286, %get3A_287] {strides = array<i32>} : memref<16x1024xf32, #tpu.memory_space<vmem>>, vector<1x16xf32>,
          %get3A_289 = vector.shape_cast %get3A_288 : vector<1x16xf32> to vector<16xf32>
          %add3A_290 = arith.addf %get3A_285, %get3A_289 : vector<16xf32>
          %swap3A_291 = arith.index_cast %scan3A_157 : i32 to index
          %swap3A_292 = arith.constant 144 : index
          %swap3A_293 = tpu.vector_load %arg8[%swap3A_291, %swap3A_292] {strides = array<i32>} : memref<16x1024xf32, #tpu.memory_space<vmem>>, vector<1x16xf32>,
          %swap3A_294 = vector.shape_cast %swap3A_293 : vector<1x16xf32> to vector<16xf32>
          %swap3A_295 = vector.shape_cast %add3A_290 : vector<16xf32> to vector<1x16xf32>
          tpu.vector_store %arg8[%swap3A_291, %swap3A_292], %swap3A_295 {strides = array<i32>} : memref<16x1024xf32, #tpu.memory_space<vmem>>, vector<1x16xf32>,
          %get3A_296 = arith.index_cast %scan3A_157 : i32 to index
          %get3A_297 = arith.constant 160 : index
          %get3A_298 = tpu.vector_load %arg6[%get3A_296, %get3A_297] {strides = array<i32>} : memref<16x1024xf32, #tpu.memory_space<vmem>>, vector<1x16xf32>,
          %get3A_299 = vector.shape_cast %get3A_298 : vector<1x16xf32> to vector<16xf32>
          %get3A_300 = arith.index_cast %scan3A_157 : i32 to index
          %get3A_301 = arith.constant 160 : index
          %get3A_302 = tpu.vector_load %arg9[%get3A_300, %get3A_301] {strides = array<i32>} : memref<16x1024xf32, #tpu.memory_space<vmem>>, vector<1x16xf32>,
          %get3A_303 = vector.shape_cast %get3A_302 : vector<1x16xf32> to vector<16xf32>
          %add3A_304 = arith.addf %get3A_299, %get3A_303 : vector<16xf32>
          %swap3A_305 = arith.index_cast %scan3A_157 : i32 to index
          %swap3A_306 = arith.constant 160 : index
          %swap3A_307 = tpu.vector_load %arg8[%swap3A_305, %swap3A_306] {strides = array<i32>} : memref<16x1024xf32, #tpu.memory_space<vmem>>, vector<1x16xf32>,
          %swap3A_308 = vector.shape_cast %swap3A_307 : vector<1x16xf32> to vector<16xf32>
          %swap3A_309 = vector.shape_cast %add3A_304 : vector<16xf32> to vector<1x16xf32>
          tpu.vector_store %arg8[%swap3A_305, %swap3A_306], %swap3A_309 {strides = array<i32>} : memref<16x1024xf32, #tpu.memory_space<vmem>>, vector<1x16xf32>,
          %get3A_310 = arith.index_cast %scan3A_157 : i32 to index
          %get3A_311 = arith.constant 176 : index
          %get3A_312 = tpu.vector_load %arg6[%get3A_310, %get3A_311] {strides = array<i32>} : memref<16x1024xf32, #tpu.memory_space<vmem>>, vector<1x16xf32>,
          %get3A_313 = vector.shape_cast %get3A_312 : vector<1x16xf32> to vector<16xf32>
          %get3A_314 = arith.index_cast %scan3A_157 : i32 to index
          %get3A_315 = arith.constant 176 : index
          %get3A_316 = tpu.vector_load %arg9[%get3A_314, %get3A_315] {strides = array<i32>} : memref<16x1024xf32, #tpu.memory_space<vmem>>, vector<1x16xf32>,
          %get3A_317 = vector.shape_cast %get3A_316 : vector<1x16xf32> to vector<16xf32>
          %add3A_318 = arith.addf %get3A_313, %get3A_317 : vector<16xf32>
          %swap3A_319 = arith.index_cast %scan3A_157 : i32 to index
          %swap3A_320 = arith.constant 176 : index
          %swap3A_321 = tpu.vector_load %arg8[%swap3A_319, %swap3A_320] {strides = array<i32>} : memref<16x1024xf32, #tpu.memory_space<vmem>>, vector<1x16xf32>,
          %swap3A_322 = vector.shape_cast %swap3A_321 : vector<1x16xf32> to vector<16xf32>
          %swap3A_323 = vector.shape_cast %add3A_318 : vector<16xf32> to vector<1x16xf32>
          tpu.vector_store %arg8[%swap3A_319, %swap3A_320], %swap3A_323 {strides = array<i32>} : memref<16x1024xf32, #tpu.memory_space<vmem>>, vector<1x16xf32>,
          %get3A_324 = arith.index_cast %scan3A_157 : i32 to index
          %get3A_325 = arith.constant 192 : index
          %get3A_326 = tpu.vector_load %arg6[%get3A_324, %get3A_325] {strides = array<i32>} : memref<16x1024xf32, #tpu.memory_space<vmem>>, vector<1x16xf32>,
          %get3A_327 = vector.shape_cast %get3A_326 : vector<1x16xf32> to vector<16xf32>
          %get3A_328 = arith.index_cast %scan3A_157 : i32 to index
          %get3A_329 = arith.constant 192 : index
          %get3A_330 = tpu.vector_load %arg9[%get3A_328, %get3A_329] {strides = array<i32>} : memref<16x1024xf32, #tpu.memory_space<vmem>>, vector<1x16xf32>,
          %get3A_331 = vector.shape_cast %get3A_330 : vector<1x16xf32> to vector<16xf32>
          %add3A_332 = arith.addf %get3A_327, %get3A_331 : vector<16xf32>
          %swap3A_333 = arith.index_cast %scan3A_157 : i32 to index
          %swap3A_334 = arith.constant 192 : index
          %swap3A_335 = tpu.vector_load %arg8[%swap3A_333, %swap3A_334] {strides = array<i32>} : memref<16x1024xf32, #tpu.memory_space<vmem>>, vector<1x16xf32>,
          %swap3A_336 = vector.shape_cast %swap3A_335 : vector<1x16xf32> to vector<16xf32>
          %swap3A_337 = vector.shape_cast %add3A_332 : vector<16xf32> to vector<1x16xf32>
          tpu.vector_store %arg8[%swap3A_333, %swap3A_334], %swap3A_337 {strides = array<i32>} : memref<16x1024xf32, #tpu.memory_space<vmem>>, vector<1x16xf32>,
          %get3A_338 = arith.index_cast %scan3A_157 : i32 to index
          %get3A_339 = arith.constant 208 : index
          %get3A_340 = tpu.vector_load %arg6[%get3A_338, %get3A_339] {strides = array<i32>} : memref<16x1024xf32, #tpu.memory_space<vmem>>, vector<1x16xf32>,
          %get3A_341 = vector.shape_cast %get3A_340 : vector<1x16xf32> to vector<16xf32>
          %get3A_342 = arith.index_cast %scan3A_157 : i32 to index
          %get3A_343 = arith.constant 208 : index
          %get3A_344 = tpu.vector_load %arg9[%get3A_342, %get3A_343] {strides = array<i32>} : memref<16x1024xf32, #tpu.memory_space<vmem>>, vector<1x16xf32>,
          %get3A_345 = vector.shape_cast %get3A_344 : vector<1x16xf32> to vector<16xf32>
          %add3A_346 = arith.addf %get3A_341, %get3A_345 : vector<16xf32>
          %swap3A_347 = arith.index_cast %scan3A_157 : i32 to index
          %swap3A_348 = arith.constant 208 : index
          %swap3A_349 = tpu.vector_load %arg8[%swap3A_347, %swap3A_348] {strides = array<i32>} : memref<16x1024xf32, #tpu.memory_space<vmem>>, vector<1x16xf32>,
          %swap3A_350 = vector.shape_cast %swap3A_349 : vector<1x16xf32> to vector<16xf32>
          %swap3A_351 = vector.shape_cast %add3A_346 : vector<16xf32> to vector<1x16xf32>
          tpu.vector_store %arg8[%swap3A_347, %swap3A_348], %swap3A_351 {strides = array<i32>} : memref<16x1024xf32, #tpu.memory_space<vmem>>, vector<1x16xf32>,
          %get3A_352 = arith.index_cast %scan3A_157 : i32 to index
          %get3A_353 = arith.constant 224 : index
          %get3A_354 = tpu.vector_load %arg6[%get3A_352, %get3A_353] {strides = array<i32>} : memref<16x1024xf32, #tpu.memory_space<vmem>>, vector<1x16xf32>,
          %get3A_355 = vector.shape_cast %get3A_354 : vector<1x16xf32> to vector<16xf32>
          %get3A_356 = arith.index_cast %scan3A_157 : i32 to index
          %get3A_357 = arith.constant 224 : index
          %get3A_358 = tpu.vector_load %arg9[%get3A_356, %get3A_357] {strides = array<i32>} : memref<16x1024xf32, #tpu.memory_space<vmem>>, vector<1x16xf32>,
          %get3A_359 = vector.shape_cast %get3A_358 : vector<1x16xf32> to vector<16xf32>
          %add3A_360 = arith.addf %get3A_355, %get3A_359 : vector<16xf32>
          %swap3A_361 = arith.index_cast %scan3A_157 : i32 to index
          %swap3A_362 = arith.constant 224 : index
          %swap3A_363 = tpu.vector_load %arg8[%swap3A_361, %swap3A_362] {strides = array<i32>} : memref<16x1024xf32, #tpu.memory_space<vmem>>, vector<1x16xf32>,
          %swap3A_364 = vector.shape_cast %swap3A_363 : vector<1x16xf32> to vector<16xf32>
          %swap3A_365 = vector.shape_cast %add3A_360 : vector<16xf32> to vector<1x16xf32>
          tpu.vector_store %arg8[%swap3A_361, %swap3A_362], %swap3A_365 {strides = array<i32>} : memref<16x1024xf32, #tpu.memory_space<vmem>>, vector<1x16xf32>,
          %get3A_366 = arith.index_cast %scan3A_157 : i32 to index
          %get3A_367 = arith.constant 240 : index
          %get3A_368 = tpu.vector_load %arg6[%get3A_366, %get3A_367] {strides = array<i32>} : memref<16x1024xf32, #tpu.memory_space<vmem>>, vector<1x16xf32>,
          %get3A_369 = vector.shape_cast %get3A_368 : vector<1x16xf32> to vector<16xf32>
          %get3A_370 = arith.index_cast %scan3A_157 : i32 to index
          %get3A_371 = arith.constant 240 : index
          %get3A_372 = tpu.vector_load %arg9[%get3A_370, %get3A_371] {strides = array<i32>} : memref<16x1024xf32, #tpu.memory_space<vmem>>, vector<1x16xf32>,
          %get3A_373 = vector.shape_cast %get3A_372 : vector<1x16xf32> to vector<16xf32>
          %add3A_374 = arith.addf %get3A_369, %get3A_373 : vector<16xf32>
          %swap3A_375 = arith.index_cast %scan3A_157 : i32 to index
          %swap3A_376 = arith.constant 240 : index
          %swap3A_377 = tpu.vector_load %arg8[%swap3A_375, %swap3A_376] {strides = array<i32>} : memref<16x1024xf32, #tpu.memory_space<vmem>>, vector<1x16xf32>,
          %swap3A_378 = vector.shape_cast %swap3A_377 : vector<1x16xf32> to vector<16xf32>
          %swap3A_379 = vector.shape_cast %add3A_374 : vector<16xf32> to vector<1x16xf32>
          tpu.vector_store %arg8[%swap3A_375, %swap3A_376], %swap3A_379 {strides = array<i32>} : memref<16x1024xf32, #tpu.memory_space<vmem>>, vector<1x16xf32>,
          %get3A_380 = arith.index_cast %scan3A_157 : i32 to index
          %get3A_381 = arith.constant 256 : index
          %get3A_382 = tpu.vector_load %arg6[%get3A_380, %get3A_381] {strides = array<i32>} : memref<16x1024xf32, #tpu.memory_space<vmem>>, vector<1x16xf32>,
          %get3A_383 = vector.shape_cast %get3A_382 : vector<1x16xf32> to vector<16xf32>
          %get3A_384 = arith.index_cast %scan3A_157 : i32 to index
          %get3A_385 = arith.constant 256 : index
          %get3A_386 = tpu.vector_load %arg9[%get3A_384, %get3A_385] {strides = array<i32>} : memref<16x1024xf32, #tpu.memory_space<vmem>>, vector<1x16xf32>,
          %get3A_387 = vector.shape_cast %get3A_386 : vector<1x16xf32> to vector<16xf32>
          %add3A_388 = arith.addf %get3A_383, %get3A_387 : vector<16xf32>
          %swap3A_389 = arith.index_cast %scan3A_157 : i32 to index
          %swap3A_390 = arith.constant 256 : index
          %swap3A_391 = tpu.vector_load %arg8[%swap3A_389, %swap3A_390] {strides = array<i32>} : memref<16x1024xf32, #tpu.memory_space<vmem>>, vector<1x16xf32>,
          %swap3A_392 = vector.shape_cast %swap3A_391 : vector<1x16xf32> to vector<16xf32>
          %swap3A_393 = vector.shape_cast %add3A_388 : vector<16xf32> to vector<1x16xf32>
          tpu.vector_store %arg8[%swap3A_389, %swap3A_390], %swap3A_393 {strides = array<i32>} : memref<16x1024xf32, #tpu.memory_space<vmem>>, vector<1x16xf32>,
          %get3A_394 = arith.index_cast %scan3A_157 : i32 to index
          %get3A_395 = arith.constant 272 : index
          %get3A_396 = tpu.vector_load %arg6[%get3A_394, %get3A_395] {strides = array<i32>} : memref<16x1024xf32, #tpu.memory_space<vmem>>, vector<1x16xf32>,
          %get3A_397 = vector.shape_cast %get3A_396 : vector<1x16xf32> to vector<16xf32>
          %get3A_398 = arith.index_cast %scan3A_157 : i32 to index
          %get3A_399 = arith.constant 272 : index
          %get3A_400 = tpu.vector_load %arg9[%get3A_398, %get3A_399] {strides = array<i32>} : memref<16x1024xf32, #tpu.memory_space<vmem>>, vector<1x16xf32>,
          %get3A_401 = vector.shape_cast %get3A_400 : vector<1x16xf32> to vector<16xf32>
          %add3A_402 = arith.addf %get3A_397, %get3A_401 : vector<16xf32>
          %swap3A_403 = arith.index_cast %scan3A_157 : i32 to index
          %swap3A_404 = arith.constant 272 : index
          %swap3A_405 = tpu.vector_load %arg8[%swap3A_403, %swap3A_404] {strides = array<i32>} : memref<16x1024xf32, #tpu.memory_space<vmem>>, vector<1x16xf32>,
          %swap3A_406 = vector.shape_cast %swap3A_405 : vector<1x16xf32> to vector<16xf32>
          %swap3A_407 = vector.shape_cast %add3A_402 : vector<16xf32> to vector<1x16xf32>
          tpu.vector_store %arg8[%swap3A_403, %swap3A_404], %swap3A_407 {strides = array<i32>} : memref<16x1024xf32, #tpu.memory_space<vmem>>, vector<1x16xf32>,
          %get3A_408 = arith.index_cast %scan3A_157 : i32 to index
          %get3A_409 = arith.constant 288 : index
          %get3A_410 = tpu.vector_load %arg6[%get3A_408, %get3A_409] {strides = array<i32>} : memref<16x1024xf32, #tpu.memory_space<vmem>>, vector<1x16xf32>,
          %get3A_411 = vector.shape_cast %get3A_410 : vector<1x16xf32> to vector<16xf32>
          %get3A_412 = arith.index_cast %scan3A_157 : i32 to index
          %get3A_413 = arith.constant 288 : index
          %get3A_414 = tpu.vector_load %arg9[%get3A_412, %get3A_413] {strides = array<i32>} : memref<16x1024xf32, #tpu.memory_space<vmem>>, vector<1x16xf32>,
          %get3A_415 = vector.shape_cast %get3A_414 : vector<1x16xf32> to vector<16xf32>
          %add3A_416 = arith.addf %get3A_411, %get3A_415 : vector<16xf32>
          %swap3A_417 = arith.index_cast %scan3A_157 : i32 to index
          %swap3A_418 = arith.constant 288 : index
          %swap3A_419 = tpu.vector_load %arg8[%swap3A_417, %swap3A_418] {strides = array<i32>} : memref<16x1024xf32, #tpu.memory_space<vmem>>, vector<1x16xf32>,
          %swap3A_420 = vector.shape_cast %swap3A_419 : vector<1x16xf32> to vector<16xf32>
          %swap3A_421 = vector.shape_cast %add3A_416 : vector<16xf32> to vector<1x16xf32>
          tpu.vector_store %arg8[%swap3A_417, %swap3A_418], %swap3A_421 {strides = array<i32>} : memref<16x1024xf32, #tpu.memory_space<vmem>>, vector<1x16xf32>,
          %get3A_422 = arith.index_cast %scan3A_157 : i32 to index
          %get3A_423 = arith.constant 304 : index
          %get3A_424 = tpu.vector_load %arg6[%get3A_422, %get3A_423] {strides = array<i32>} : memref<16x1024xf32, #tpu.memory_space<vmem>>, vector<1x16xf32>,
          %get3A_425 = vector.shape_cast %get3A_424 : vector<1x16xf32> to vector<16xf32>
          %get3A_426 = arith.index_cast %scan3A_157 : i32 to index
          %get3A_427 = arith.constant 304 : index
          %get3A_428 = tpu.vector_load %arg9[%get3A_426, %get3A_427] {strides = array<i32>} : memref<16x1024xf32, #tpu.memory_space<vmem>>, vector<1x16xf32>,
          %get3A_429 = vector.shape_cast %get3A_428 : vector<1x16xf32> to vector<16xf32>
          %add3A_430 = arith.addf %get3A_425, %get3A_429 : vector<16xf32>
          %swap3A_431 = arith.index_cast %scan3A_157 : i32 to index
          %swap3A_432 = arith.constant 304 : index
          %swap3A_433 = tpu.vector_load %arg8[%swap3A_431, %swap3A_432] {strides = array<i32>} : memref<16x1024xf32, #tpu.memory_space<vmem>>, vector<1x16xf32>,
          %swap3A_434 = vector.shape_cast %swap3A_433 : vector<1x16xf32> to vector<16xf32>
          %swap3A_435 = vector.shape_cast %add3A_430 : vector<16xf32> to vector<1x16xf32>
          tpu.vector_store %arg8[%swap3A_431, %swap3A_432], %swap3A_435 {strides = array<i32>} : memref<16x1024xf32, #tpu.memory_space<vmem>>, vector<1x16xf32>,
          %get3A_436 = arith.index_cast %scan3A_157 : i32 to index
          %get3A_437 = arith.constant 320 : index
          %get3A_438 = tpu.vector_load %arg6[%get3A_436, %get3A_437] {strides = array<i32>} : memref<16x1024xf32, #tpu.memory_space<vmem>>, vector<1x16xf32>,
          %get3A_439 = vector.shape_cast %get3A_438 : vector<1x16xf32> to vector<16xf32>
          %get3A_440 = arith.index_cast %scan3A_157 : i32 to index
          %get3A_441 = arith.constant 320 : index
          %get3A_442 = tpu.vector_load %arg9[%get3A_440, %get3A_441] {strides = array<i32>} : memref<16x1024xf32, #tpu.memory_space<vmem>>, vector<1x16xf32>,
          %get3A_443 = vector.shape_cast %get3A_442 : vector<1x16xf32> to vector<16xf32>
          %add3A_444 = arith.addf %get3A_439, %get3A_443 : vector<16xf32>
          %swap3A_445 = arith.index_cast %scan3A_157 : i32 to index
          %swap3A_446 = arith.constant 320 : index
          %swap3A_447 = tpu.vector_load %arg8[%swap3A_445, %swap3A_446] {strides = array<i32>} : memref<16x1024xf32, #tpu.memory_space<vmem>>, vector<1x16xf32>,
          %swap3A_448 = vector.shape_cast %swap3A_447 : vector<1x16xf32> to vector<16xf32>
          %swap3A_449 = vector.shape_cast %add3A_444 : vector<16xf32> to vector<1x16xf32>
          tpu.vector_store %arg8[%swap3A_445, %swap3A_446], %swap3A_449 {strides = array<i32>} : memref<16x1024xf32, #tpu.memory_space<vmem>>, vector<1x16xf32>,
          %get3A_450 = arith.index_cast %scan3A_157 : i32 to index
          %get3A_451 = arith.constant 336 : index
          %get3A_452 = tpu.vector_load %arg6[%get3A_450, %get3A_451] {strides = array<i32>} : memref<16x1024xf32, #tpu.memory_space<vmem>>, vector<1x16xf32>,
          %get3A_453 = vector.shape_cast %get3A_452 : vector<1x16xf32> to vector<16xf32>
          %get3A_454 = arith.index_cast %scan3A_157 : i32 to index
          %get3A_455 = arith.constant 336 : index
          %get3A_456 = tpu.vector_load %arg9[%get3A_454, %get3A_455] {strides = array<i32>} : memref<16x1024xf32, #tpu.memory_space<vmem>>, vector<1x16xf32>,
          %get3A_457 = vector.shape_cast %get3A_456 : vector<1x16xf32> to vector<16xf32>
          %add3A_458 = arith.addf %get3A_453, %get3A_457 : vector<16xf32>
          %swap3A_459 = arith.index_cast %scan3A_157 : i32 to index
          %swap3A_460 = arith.constant 336 : index
          %swap3A_461 = tpu.vector_load %arg8[%swap3A_459, %swap3A_460] {strides = array<i32>} : memref<16x1024xf32, #tpu.memory_space<vmem>>, vector<1x16xf32>,
          %swap3A_462 = vector.shape_cast %swap3A_461 : vector<1x16xf32> to vector<16xf32>
          %swap3A_463 = vector.shape_cast %add3A_458 : vector<16xf32> to vector<1x16xf32>
          tpu.vector_store %arg8[%swap3A_459, %swap3A_460], %swap3A_463 {strides = array<i32>} : memref<16x1024xf32, #tpu.memory_space<vmem>>, vector<1x16xf32>,
          %get3A_464 = arith.index_cast %scan3A_157 : i32 to index
          %get3A_465 = arith.constant 352 : index
          %get3A_466 = tpu.vector_load %arg6[%get3A_464, %get3A_465] {strides = array<i32>} : memref<16x1024xf32, #tpu.memory_space<vmem>>, vector<1x16xf32>,
          %get3A_467 = vector.shape_cast %get3A_466 : vector<1x16xf32> to vector<16xf32>
          %get3A_468 = arith.index_cast %scan3A_157 : i32 to index
          %get3A_469 = arith.constant 352 : index
          %get3A_470 = tpu.vector_load %arg9[%get3A_468, %get3A_469] {strides = array<i32>} : memref<16x1024xf32, #tpu.memory_space<vmem>>, vector<1x16xf32>,
          %get3A_471 = vector.shape_cast %get3A_470 : vector<1x16xf32> to vector<16xf32>
          %add3A_472 = arith.addf %get3A_467, %get3A_471 : vector<16xf32>
          %swap3A_473 = arith.index_cast %scan3A_157 : i32 to index
          %swap3A_474 = arith.constant 352 : index
          %swap3A_475 = tpu.vector_load %arg8[%swap3A_473, %swap3A_474] {strides = array<i32>} : memref<16x1024xf32, #tpu.memory_space<vmem>>, vector<1x16xf32>,
          %swap3A_476 = vector.shape_cast %swap3A_475 : vector<1x16xf32> to vector<16xf32>
          %swap3A_477 = vector.shape_cast %add3A_472 : vector<16xf32> to vector<1x16xf32>
          tpu.vector_store %arg8[%swap3A_473, %swap3A_474], %swap3A_477 {strides = array<i32>} : memref<16x1024xf32, #tpu.memory_space<vmem>>, vector<1x16xf32>,
          %get3A_478 = arith.index_cast %scan3A_157 : i32 to index
          %get3A_479 = arith.constant 368 : index
          %get3A_480 = tpu.vector_load %arg6[%get3A_478, %get3A_479] {strides = array<i32>} : memref<16x1024xf32, #tpu.memory_space<vmem>>, vector<1x16xf32>,
          %get3A_481 = vector.shape_cast %get3A_480 : vector<1x16xf32> to vector<16xf32>
          %get3A_482 = arith.index_cast %scan3A_157 : i32 to index
          %get3A_483 = arith.constant 368 : index
          %get3A_484 = tpu.vector_load %arg9[%get3A_482, %get3A_483] {strides = array<i32>} : memref<16x1024xf32, #tpu.memory_space<vmem>>, vector<1x16xf32>,
          %get3A_485 = vector.shape_cast %get3A_484 : vector<1x16xf32> to vector<16xf32>
          %add3A_486 = arith.addf %get3A_481, %get3A_485 : vector<16xf32>
          %swap3A_487 = arith.index_cast %scan3A_157 : i32 to index
          %swap3A_488 = arith.constant 368 : index
          %swap3A_489 = tpu.vector_load %arg8[%swap3A_487, %swap3A_488] {strides = array<i32>} : memref<16x1024xf32, #tpu.memory_space<vmem>>, vector<1x16xf32>,
          %swap3A_490 = vector.shape_cast %swap3A_489 : vector<1x16xf32> to vector<16xf32>
          %swap3A_491 = vector.shape_cast %add3A_486 : vector<16xf32> to vector<1x16xf32>
          tpu.vector_store %arg8[%swap3A_487, %swap3A_488], %swap3A_491 {strides = array<i32>} : memref<16x1024xf32, #tpu.memory_space<vmem>>, vector<1x16xf32>,
          %get3A_492 = arith.index_cast %scan3A_157 : i32 to index
          %get3A_493 = arith.constant 384 : index
          %get3A_494 = tpu.vector_load %arg6[%get3A_492, %get3A_493] {strides = array<i32>} : memref<16x1024xf32, #tpu.memory_space<vmem>>, vector<1x16xf32>,
          %get3A_495 = vector.shape_cast %get3A_494 : vector<1x16xf32> to vector<16xf32>
          %get3A_496 = arith.index_cast %scan3A_157 : i32 to index
          %get3A_497 = arith.constant 384 : index
          %get3A_498 = tpu.vector_load %arg9[%get3A_496, %get3A_497] {strides = array<i32>} : memref<16x1024xf32, #tpu.memory_space<vmem>>, vector<1x16xf32>,
          %get3A_499 = vector.shape_cast %get3A_498 : vector<1x16xf32> to vector<16xf32>
          %add3A_500 = arith.addf %get3A_495, %get3A_499 : vector<16xf32>
          %swap3A_501 = arith.index_cast %scan3A_157 : i32 to index
          %swap3A_502 = arith.constant 384 : index
          %swap3A_503 = tpu.vector_load %arg8[%swap3A_501, %swap3A_502] {strides = array<i32>} : memref<16x1024xf32, #tpu.memory_space<vmem>>, vector<1x16xf32>,
          %swap3A_504 = vector.shape_cast %swap3A_503 : vector<1x16xf32> to vector<16xf32>
          %swap3A_505 = vector.shape_cast %add3A_500 : vector<16xf32> to vector<1x16xf32>
          tpu.vector_store %arg8[%swap3A_501, %swap3A_502], %swap3A_505 {strides = array<i32>} : memref<16x1024xf32, #tpu.memory_space<vmem>>, vector<1x16xf32>,
          %get3A_506 = arith.index_cast %scan3A_157 : i32 to index
          %get3A_507 = arith.constant 400 : index
          %get3A_508 = tpu.vector_load %arg6[%get3A_506, %get3A_507] {strides = array<i32>} : memref<16x1024xf32, #tpu.memory_space<vmem>>, vector<1x16xf32>,
          %get3A_509 = vector.shape_cast %get3A_508 : vector<1x16xf32> to vector<16xf32>
          %get3A_510 = arith.index_cast %scan3A_157 : i32 to index
          %get3A_511 = arith.constant 400 : index
          %get3A_512 = tpu.vector_load %arg9[%get3A_510, %get3A_511] {strides = array<i32>} : memref<16x1024xf32, #tpu.memory_space<vmem>>, vector<1x16xf32>,
          %get3A_513 = vector.shape_cast %get3A_512 : vector<1x16xf32> to vector<16xf32>
          %add3A_514 = arith.addf %get3A_509, %get3A_513 : vector<16xf32>
          %swap3A_515 = arith.index_cast %scan3A_157 : i32 to index
          %swap3A_516 = arith.constant 400 : index
          %swap3A_517 = tpu.vector_load %arg8[%swap3A_515, %swap3A_516] {strides = array<i32>} : memref<16x1024xf32, #tpu.memory_space<vmem>>, vector<1x16xf32>,
          %swap3A_518 = vector.shape_cast %swap3A_517 : vector<1x16xf32> to vector<16xf32>
          %swap3A_519 = vector.shape_cast %add3A_514 : vector<16xf32> to vector<1x16xf32>
          tpu.vector_store %arg8[%swap3A_515, %swap3A_516], %swap3A_519 {strides = array<i32>} : memref<16x1024xf32, #tpu.memory_space<vmem>>, vector<1x16xf32>,
          %get3A_520 = arith.index_cast %scan3A_157 : i32 to index
          %get3A_521 = arith.constant 416 : index
          %get3A_522 = tpu.vector_load %arg6[%get3A_520, %get3A_521] {strides = array<i32>} : memref<16x1024xf32, #tpu.memory_space<vmem>>, vector<1x16xf32>,
          %get3A_523 = vector.shape_cast %get3A_522 : vector<1x16xf32> to vector<16xf32>
          %get3A_524 = arith.index_cast %scan3A_157 : i32 to index
          %get3A_525 = arith.constant 416 : index
          %get3A_526 = tpu.vector_load %arg9[%get3A_524, %get3A_525] {strides = array<i32>} : memref<16x1024xf32, #tpu.memory_space<vmem>>, vector<1x16xf32>,
          %get3A_527 = vector.shape_cast %get3A_526 : vector<1x16xf32> to vector<16xf32>
          %add3A_528 = arith.addf %get3A_523, %get3A_527 : vector<16xf32>
          %swap3A_529 = arith.index_cast %scan3A_157 : i32 to index
          %swap3A_530 = arith.constant 416 : index
          %swap3A_531 = tpu.vector_load %arg8[%swap3A_529, %swap3A_530] {strides = array<i32>} : memref<16x1024xf32, #tpu.memory_space<vmem>>, vector<1x16xf32>,
          %swap3A_532 = vector.shape_cast %swap3A_531 : vector<1x16xf32> to vector<16xf32>
          %swap3A_533 = vector.shape_cast %add3A_528 : vector<16xf32> to vector<1x16xf32>
          tpu.vector_store %arg8[%swap3A_529, %swap3A_530], %swap3A_533 {strides = array<i32>} : memref<16x1024xf32, #tpu.memory_space<vmem>>, vector<1x16xf32>,
          %get3A_534 = arith.index_cast %scan3A_157 : i32 to index
          %get3A_535 = arith.constant 432 : index
          %get3A_536 = tpu.vector_load %arg6[%get3A_534, %get3A_535] {strides = array<i32>} : memref<16x1024xf32, #tpu.memory_space<vmem>>, vector<1x16xf32>,
          %get3A_537 = vector.shape_cast %get3A_536 : vector<1x16xf32> to vector<16xf32>
          %get3A_538 = arith.index_cast %scan3A_157 : i32 to index
          %get3A_539 = arith.constant 432 : index
          %get3A_540 = tpu.vector_load %arg9[%get3A_538, %get3A_539] {strides = array<i32>} : memref<16x1024xf32, #tpu.memory_space<vmem>>, vector<1x16xf32>,
          %get3A_541 = vector.shape_cast %get3A_540 : vector<1x16xf32> to vector<16xf32>
          %add3A_542 = arith.addf %get3A_537, %get3A_541 : vector<16xf32>
          %swap3A_543 = arith.index_cast %scan3A_157 : i32 to index
          %swap3A_544 = arith.constant 432 : index
          %swap3A_545 = tpu.vector_load %arg8[%swap3A_543, %swap3A_544] {strides = array<i32>} : memref<16x1024xf32, #tpu.memory_space<vmem>>, vector<1x16xf32>,
          %swap3A_546 = vector.shape_cast %swap3A_545 : vector<1x16xf32> to vector<16xf32>
          %swap3A_547 = vector.shape_cast %add3A_542 : vector<16xf32> to vector<1x16xf32>
          tpu.vector_store %arg8[%swap3A_543, %swap3A_544], %swap3A_547 {strides = array<i32>} : memref<16x1024xf32, #tpu.memory_space<vmem>>, vector<1x16xf32>,
          %get3A_548 = arith.index_cast %scan3A_157 : i32 to index
          %get3A_549 = arith.constant 448 : index
          %get3A_550 = tpu.vector_load %arg6[%get3A_548, %get3A_549] {strides = array<i32>} : memref<16x1024xf32, #tpu.memory_space<vmem>>, vector<1x16xf32>,
          %get3A_551 = vector.shape_cast %get3A_550 : vector<1x16xf32> to vector<16xf32>
          %get3A_552 = arith.index_cast %scan3A_157 : i32 to index
          %get3A_553 = arith.constant 448 : index
          %get3A_554 = tpu.vector_load %arg9[%get3A_552, %get3A_553] {strides = array<i32>} : memref<16x1024xf32, #tpu.memory_space<vmem>>, vector<1x16xf32>,
          %get3A_555 = vector.shape_cast %get3A_554 : vector<1x16xf32> to vector<16xf32>
          %add3A_556 = arith.addf %get3A_551, %get3A_555 : vector<16xf32>
          %swap3A_557 = arith.index_cast %scan3A_157 : i32 to index
          %swap3A_558 = arith.constant 448 : index
          %swap3A_559 = tpu.vector_load %arg8[%swap3A_557, %swap3A_558] {strides = array<i32>} : memref<16x1024xf32, #tpu.memory_space<vmem>>, vector<1x16xf32>,
          %swap3A_560 = vector.shape_cast %swap3A_559 : vector<1x16xf32> to vector<16xf32>
          %swap3A_561 = vector.shape_cast %add3A_556 : vector<16xf32> to vector<1x16xf32>
          tpu.vector_store %arg8[%swap3A_557, %swap3A_558], %swap3A_561 {strides = array<i32>} : memref<16x1024xf32, #tpu.memory_space<vmem>>, vector<1x16xf32>,
          %get3A_562 = arith.index_cast %scan3A_157 : i32 to index
          %get3A_563 = arith.constant 464 : index
          %get3A_564 = tpu.vector_load %arg6[%get3A_562, %get3A_563] {strides = array<i32>} : memref<16x1024xf32, #tpu.memory_space<vmem>>, vector<1x16xf32>,
          %get3A_565 = vector.shape_cast %get3A_564 : vector<1x16xf32> to vector<16xf32>
          %get3A_566 = arith.index_cast %scan3A_157 : i32 to index
          %get3A_567 = arith.constant 464 : index
          %get3A_568 = tpu.vector_load %arg9[%get3A_566, %get3A_567] {strides = array<i32>} : memref<16x1024xf32, #tpu.memory_space<vmem>>, vector<1x16xf32>,
          %get3A_569 = vector.shape_cast %get3A_568 : vector<1x16xf32> to vector<16xf32>
          %add3A_570 = arith.addf %get3A_565, %get3A_569 : vector<16xf32>
          %swap3A_571 = arith.index_cast %scan3A_157 : i32 to index
          %swap3A_572 = arith.constant 464 : index
          %swap3A_573 = tpu.vector_load %arg8[%swap3A_571, %swap3A_572] {strides = array<i32>} : memref<16x1024xf32, #tpu.memory_space<vmem>>, vector<1x16xf32>,
          %swap3A_574 = vector.shape_cast %swap3A_573 : vector<1x16xf32> to vector<16xf32>
          %swap3A_575 = vector.shape_cast %add3A_570 : vector<16xf32> to vector<1x16xf32>
          tpu.vector_store %arg8[%swap3A_571, %swap3A_572], %swap3A_575 {strides = array<i32>} : memref<16x1024xf32, #tpu.memory_space<vmem>>, vector<1x16xf32>,
          %get3A_576 = arith.index_cast %scan3A_157 : i32 to index
          %get3A_577 = arith.constant 480 : index
          %get3A_578 = tpu.vector_load %arg6[%get3A_576, %get3A_577] {strides = array<i32>} : memref<16x1024xf32, #tpu.memory_space<vmem>>, vector<1x16xf32>,
          %get3A_579 = vector.shape_cast %get3A_578 : vector<1x16xf32> to vector<16xf32>
          %get3A_580 = arith.index_cast %scan3A_157 : i32 to index
          %get3A_581 = arith.constant 480 : index
          %get3A_582 = tpu.vector_load %arg9[%get3A_580, %get3A_581] {strides = array<i32>} : memref<16x1024xf32, #tpu.memory_space<vmem>>, vector<1x16xf32>,
          %get3A_583 = vector.shape_cast %get3A_582 : vector<1x16xf32> to vector<16xf32>
          %add3A_584 = arith.addf %get3A_579, %get3A_583 : vector<16xf32>
          %swap3A_585 = arith.index_cast %scan3A_157 : i32 to index
          %swap3A_586 = arith.constant 480 : index
          %swap3A_587 = tpu.vector_load %arg8[%swap3A_585, %swap3A_586] {strides = array<i32>} : memref<16x1024xf32, #tpu.memory_space<vmem>>, vector<1x16xf32>,
          %swap3A_588 = vector.shape_cast %swap3A_587 : vector<1x16xf32> to vector<16xf32>
          %swap3A_589 = vector.shape_cast %add3A_584 : vector<16xf32> to vector<1x16xf32>
          tpu.vector_store %arg8[%swap3A_585, %swap3A_586], %swap3A_589 {strides = array<i32>} : memref<16x1024xf32, #tpu.memory_space<vmem>>, vector<1x16xf32>,
          %get3A_590 = arith.index_cast %scan3A_157 : i32 to index
          %get3A_591 = arith.constant 496 : index
          %get3A_592 = tpu.vector_load %arg6[%get3A_590, %get3A_591] {strides = array<i32>} : memref<16x1024xf32, #tpu.memory_space<vmem>>, vector<1x16xf32>,
          %get3A_593 = vector.shape_cast %get3A_592 : vector<1x16xf32> to vector<16xf32>
          %get3A_594 = arith.index_cast %scan3A_157 : i32 to index
          %get3A_595 = arith.constant 496 : index
          %get3A_596 = tpu.vector_load %arg9[%get3A_594, %get3A_595] {strides = array<i32>} : memref<16x1024xf32, #tpu.memory_space<vmem>>, vector<1x16xf32>,
          %get3A_597 = vector.shape_cast %get3A_596 : vector<1x16xf32> to vector<16xf32>
          %add3A_598 = arith.addf %get3A_593, %get3A_597 : vector<16xf32>
          %swap3A_599 = arith.index_cast %scan3A_157 : i32 to index
          %swap3A_600 = arith.constant 496 : index
          %swap3A_601 = tpu.vector_load %arg8[%swap3A_599, %swap3A_600] {strides = array<i32>} : memref<16x1024xf32, #tpu.memory_space<vmem>>, vector<1x16xf32>,
          %swap3A_602 = vector.shape_cast %swap3A_601 : vector<1x16xf32> to vector<16xf32>
          %swap3A_603 = vector.shape_cast %add3A_598 : vector<16xf32> to vector<1x16xf32>
          tpu.vector_store %arg8[%swap3A_599, %swap3A_600], %swap3A_603 {strides = array<i32>} : memref<16x1024xf32, #tpu.memory_space<vmem>>, vector<1x16xf32>,
          %get3A_604 = arith.index_cast %scan3A_157 : i32 to index
          %get3A_605 = arith.constant 512 : index
          %get3A_606 = tpu.vector_load %arg6[%get3A_604, %get3A_605] {strides = array<i32>} : memref<16x1024xf32, #tpu.memory_space<vmem>>, vector<1x16xf32>,
          %get3A_607 = vector.shape_cast %get3A_606 : vector<1x16xf32> to vector<16xf32>
          %get3A_608 = arith.index_cast %scan3A_157 : i32 to index
          %get3A_609 = arith.constant 512 : index
          %get3A_610 = tpu.vector_load %arg9[%get3A_608, %get3A_609] {strides = array<i32>} : memref<16x1024xf32, #tpu.memory_space<vmem>>, vector<1x16xf32>,
          %get3A_611 = vector.shape_cast %get3A_610 : vector<1x16xf32> to vector<16xf32>
          %add3A_612 = arith.addf %get3A_607, %get3A_611 : vector<16xf32>
          %swap3A_613 = arith.index_cast %scan3A_157 : i32 to index
          %swap3A_614 = arith.constant 512 : index
          %swap3A_615 = tpu.vector_load %arg8[%swap3A_613, %swap3A_614] {strides = array<i32>} : memref<16x1024xf32, #tpu.memory_space<vmem>>, vector<1x16xf32>,
          %swap3A_616 = vector.shape_cast %swap3A_615 : vector<1x16xf32> to vector<16xf32>
          %swap3A_617 = vector.shape_cast %add3A_612 : vector<16xf32> to vector<1x16xf32>
          tpu.vector_store %arg8[%swap3A_613, %swap3A_614], %swap3A_617 {strides = array<i32>} : memref<16x1024xf32, #tpu.memory_space<vmem>>, vector<1x16xf32>,
          %get3A_618 = arith.index_cast %scan3A_157 : i32 to index
          %get3A_619 = arith.constant 528 : index
          %get3A_620 = tpu.vector_load %arg6[%get3A_618, %get3A_619] {strides = array<i32>} : memref<16x1024xf32, #tpu.memory_space<vmem>>, vector<1x16xf32>,
          %get3A_621 = vector.shape_cast %get3A_620 : vector<1x16xf32> to vector<16xf32>
          %get3A_622 = arith.index_cast %scan3A_157 : i32 to index
          %get3A_623 = arith.constant 528 : index
          %get3A_624 = tpu.vector_load %arg9[%get3A_622, %get3A_623] {strides = array<i32>} : memref<16x1024xf32, #tpu.memory_space<vmem>>, vector<1x16xf32>,
          %get3A_625 = vector.shape_cast %get3A_624 : vector<1x16xf32> to vector<16xf32>
          %add3A_626 = arith.addf %get3A_621, %get3A_625 : vector<16xf32>
          %swap3A_627 = arith.index_cast %scan3A_157 : i32 to index
          %swap3A_628 = arith.constant 528 : index
          %swap3A_629 = tpu.vector_load %arg8[%swap3A_627, %swap3A_628] {strides = array<i32>} : memref<16x1024xf32, #tpu.memory_space<vmem>>, vector<1x16xf32>,
          %swap3A_630 = vector.shape_cast %swap3A_629 : vector<1x16xf32> to vector<16xf32>
          %swap3A_631 = vector.shape_cast %add3A_626 : vector<16xf32> to vector<1x16xf32>
          tpu.vector_store %arg8[%swap3A_627, %swap3A_628], %swap3A_631 {strides = array<i32>} : memref<16x1024xf32, #tpu.memory_space<vmem>>, vector<1x16xf32>,
          %get3A_632 = arith.index_cast %scan3A_157 : i32 to index
          %get3A_633 = arith.constant 544 : index
          %get3A_634 = tpu.vector_load %arg6[%get3A_632, %get3A_633] {strides = array<i32>} : memref<16x1024xf32, #tpu.memory_space<vmem>>, vector<1x16xf32>,
          %get3A_635 = vector.shape_cast %get3A_634 : vector<1x16xf32> to vector<16xf32>
          %get3A_636 = arith.index_cast %scan3A_157 : i32 to index
          %get3A_637 = arith.constant 544 : index
          %get3A_638 = tpu.vector_load %arg9[%get3A_636, %get3A_637] {strides = array<i32>} : memref<16x1024xf32, #tpu.memory_space<vmem>>, vector<1x16xf32>,
          %get3A_639 = vector.shape_cast %get3A_638 : vector<1x16xf32> to vector<16xf32>
          %add3A_640 = arith.addf %get3A_635, %get3A_639 : vector<16xf32>
          %swap3A_641 = arith.index_cast %scan3A_157 : i32 to index
          %swap3A_642 = arith.constant 544 : index
          %swap3A_643 = tpu.vector_load %arg8[%swap3A_641, %swap3A_642] {strides = array<i32>} : memref<16x1024xf32, #tpu.memory_space<vmem>>, vector<1x16xf32>,
          %swap3A_644 = vector.shape_cast %swap3A_643 : vector<1x16xf32> to vector<16xf32>
          %swap3A_645 = vector.shape_cast %add3A_640 : vector<16xf32> to vector<1x16xf32>
          tpu.vector_store %arg8[%swap3A_641, %swap3A_642], %swap3A_645 {strides = array<i32>} : memref<16x1024xf32, #tpu.memory_space<vmem>>, vector<1x16xf32>,
          %get3A_646 = arith.index_cast %scan3A_157 : i32 to index
          %get3A_647 = arith.constant 560 : index
          %get3A_648 = tpu.vector_load %arg6[%get3A_646, %get3A_647] {strides = array<i32>} : memref<16x1024xf32, #tpu.memory_space<vmem>>, vector<1x16xf32>,
          %get3A_649 = vector.shape_cast %get3A_648 : vector<1x16xf32> to vector<16xf32>
          %get3A_650 = arith.index_cast %scan3A_157 : i32 to index
          %get3A_651 = arith.constant 560 : index
          %get3A_652 = tpu.vector_load %arg9[%get3A_650, %get3A_651] {strides = array<i32>} : memref<16x1024xf32, #tpu.memory_space<vmem>>, vector<1x16xf32>,
          %get3A_653 = vector.shape_cast %get3A_652 : vector<1x16xf32> to vector<16xf32>
          %add3A_654 = arith.addf %get3A_649, %get3A_653 : vector<16xf32>
          %swap3A_655 = arith.index_cast %scan3A_157 : i32 to index
          %swap3A_656 = arith.constant 560 : index
          %swap3A_657 = tpu.vector_load %arg8[%swap3A_655, %swap3A_656] {strides = array<i32>} : memref<16x1024xf32, #tpu.memory_space<vmem>>, vector<1x16xf32>,
          %swap3A_658 = vector.shape_cast %swap3A_657 : vector<1x16xf32> to vector<16xf32>
          %swap3A_659 = vector.shape_cast %add3A_654 : vector<16xf32> to vector<1x16xf32>
          tpu.vector_store %arg8[%swap3A_655, %swap3A_656], %swap3A_659 {strides = array<i32>} : memref<16x1024xf32, #tpu.memory_space<vmem>>, vector<1x16xf32>,
          %get3A_660 = arith.index_cast %scan3A_157 : i32 to index
          %get3A_661 = arith.constant 576 : index
          %get3A_662 = tpu.vector_load %arg6[%get3A_660, %get3A_661] {strides = array<i32>} : memref<16x1024xf32, #tpu.memory_space<vmem>>, vector<1x16xf32>,
          %get3A_663 = vector.shape_cast %get3A_662 : vector<1x16xf32> to vector<16xf32>
          %get3A_664 = arith.index_cast %scan3A_157 : i32 to index
          %get3A_665 = arith.constant 576 : index
          %get3A_666 = tpu.vector_load %arg9[%get3A_664, %get3A_665] {strides = array<i32>} : memref<16x1024xf32, #tpu.memory_space<vmem>>, vector<1x16xf32>,
          %get3A_667 = vector.shape_cast %get3A_666 : vector<1x16xf32> to vector<16xf32>
          %add3A_668 = arith.addf %get3A_663, %get3A_667 : vector<16xf32>
          %swap3A_669 = arith.index_cast %scan3A_157 : i32 to index
          %swap3A_670 = arith.constant 576 : index
          %swap3A_671 = tpu.vector_load %arg8[%swap3A_669, %swap3A_670] {strides = array<i32>} : memref<16x1024xf32, #tpu.memory_space<vmem>>, vector<1x16xf32>,
          %swap3A_672 = vector.shape_cast %swap3A_671 : vector<1x16xf32> to vector<16xf32>
          %swap3A_673 = vector.shape_cast %add3A_668 : vector<16xf32> to vector<1x16xf32>
          tpu.vector_store %arg8[%swap3A_669, %swap3A_670], %swap3A_673 {strides = array<i32>} : memref<16x1024xf32, #tpu.memory_space<vmem>>, vector<1x16xf32>,
          %get3A_674 = arith.index_cast %scan3A_157 : i32 to index
          %get3A_675 = arith.constant 592 : index
          %get3A_676 = tpu.vector_load %arg6[%get3A_674, %get3A_675] {strides = array<i32>} : memref<16x1024xf32, #tpu.memory_space<vmem>>, vector<1x16xf32>,
          %get3A_677 = vector.shape_cast %get3A_676 : vector<1x16xf32> to vector<16xf32>
          %get3A_678 = arith.index_cast %scan3A_157 : i32 to index
          %get3A_679 = arith.constant 592 : index
          %get3A_680 = tpu.vector_load %arg9[%get3A_678, %get3A_679] {strides = array<i32>} : memref<16x1024xf32, #tpu.memory_space<vmem>>, vector<1x16xf32>,
          %get3A_681 = vector.shape_cast %get3A_680 : vector<1x16xf32> to vector<16xf32>
          %add3A_682 = arith.addf %get3A_677, %get3A_681 : vector<16xf32>
          %swap3A_683 = arith.index_cast %scan3A_157 : i32 to index
          %swap3A_684 = arith.constant 592 : index
          %swap3A_685 = tpu.vector_load %arg8[%swap3A_683, %swap3A_684] {strides = array<i32>} : memref<16x1024xf32, #tpu.memory_space<vmem>>, vector<1x16xf32>,
          %swap3A_686 = vector.shape_cast %swap3A_685 : vector<1x16xf32> to vector<16xf32>
          %swap3A_687 = vector.shape_cast %add3A_682 : vector<16xf32> to vector<1x16xf32>
          tpu.vector_store %arg8[%swap3A_683, %swap3A_684], %swap3A_687 {strides = array<i32>} : memref<16x1024xf32, #tpu.memory_space<vmem>>, vector<1x16xf32>,
          %get3A_688 = arith.index_cast %scan3A_157 : i32 to index
          %get3A_689 = arith.constant 608 : index
          %get3A_690 = tpu.vector_load %arg6[%get3A_688, %get3A_689] {strides = array<i32>} : memref<16x1024xf32, #tpu.memory_space<vmem>>, vector<1x16xf32>,
          %get3A_691 = vector.shape_cast %get3A_690 : vector<1x16xf32> to vector<16xf32>
          %get3A_692 = arith.index_cast %scan3A_157 : i32 to index
          %get3A_693 = arith.constant 608 : index
          %get3A_694 = tpu.vector_load %arg9[%get3A_692, %get3A_693] {strides = array<i32>} : memref<16x1024xf32, #tpu.memory_space<vmem>>, vector<1x16xf32>,
          %get3A_695 = vector.shape_cast %get3A_694 : vector<1x16xf32> to vector<16xf32>
          %add3A_696 = arith.addf %get3A_691, %get3A_695 : vector<16xf32>
          %swap3A_697 = arith.index_cast %scan3A_157 : i32 to index
          %swap3A_698 = arith.constant 608 : index
          %swap3A_699 = tpu.vector_load %arg8[%swap3A_697, %swap3A_698] {strides = array<i32>} : memref<16x1024xf32, #tpu.memory_space<vmem>>, vector<1x16xf32>,
          %swap3A_700 = vector.shape_cast %swap3A_699 : vector<1x16xf32> to vector<16xf32>
          %swap3A_701 = vector.shape_cast %add3A_696 : vector<16xf32> to vector<1x16xf32>
          tpu.vector_store %arg8[%swap3A_697, %swap3A_698], %swap3A_701 {strides = array<i32>} : memref<16x1024xf32, #tpu.memory_space<vmem>>, vector<1x16xf32>,
          %get3A_702 = arith.index_cast %scan3A_157 : i32 to index
          %get3A_703 = arith.constant 624 : index
          %get3A_704 = tpu.vector_load %arg6[%get3A_702, %get3A_703] {strides = array<i32>} : memref<16x1024xf32, #tpu.memory_space<vmem>>, vector<1x16xf32>,
          %get3A_705 = vector.shape_cast %get3A_704 : vector<1x16xf32> to vector<16xf32>
          %get3A_706 = arith.index_cast %scan3A_157 : i32 to index
          %get3A_707 = arith.constant 624 : index
          %get3A_708 = tpu.vector_load %arg9[%get3A_706, %get3A_707] {strides = array<i32>} : memref<16x1024xf32, #tpu.memory_space<vmem>>, vector<1x16xf32>,
          %get3A_709 = vector.shape_cast %get3A_708 : vector<1x16xf32> to vector<16xf32>
          %add3A_710 = arith.addf %get3A_705, %get3A_709 : vector<16xf32>
          %swap3A_711 = arith.index_cast %scan3A_157 : i32 to index
          %swap3A_712 = arith.constant 624 : index
          %swap3A_713 = tpu.vector_load %arg8[%swap3A_711, %swap3A_712] {strides = array<i32>} : memref<16x1024xf32, #tpu.memory_space<vmem>>, vector<1x16xf32>,
          %swap3A_714 = vector.shape_cast %swap3A_713 : vector<1x16xf32> to vector<16xf32>
          %swap3A_715 = vector.shape_cast %add3A_710 : vector<16xf32> to vector<1x16xf32>
          tpu.vector_store %arg8[%swap3A_711, %swap3A_712], %swap3A_715 {strides = array<i32>} : memref<16x1024xf32, #tpu.memory_space<vmem>>, vector<1x16xf32>,
          %get3A_716 = arith.index_cast %scan3A_157 : i32 to index
          %get3A_717 = arith.constant 640 : index
          %get3A_718 = tpu.vector_load %arg6[%get3A_716, %get3A_717] {strides = array<i32>} : memref<16x1024xf32, #tpu.memory_space<vmem>>, vector<1x16xf32>,
          %get3A_719 = vector.shape_cast %get3A_718 : vector<1x16xf32> to vector<16xf32>
          %get3A_720 = arith.index_cast %scan3A_157 : i32 to index
          %get3A_721 = arith.constant 640 : index
          %get3A_722 = tpu.vector_load %arg9[%get3A_720, %get3A_721] {strides = array<i32>} : memref<16x1024xf32, #tpu.memory_space<vmem>>, vector<1x16xf32>,
          %get3A_723 = vector.shape_cast %get3A_722 : vector<1x16xf32> to vector<16xf32>
          %add3A_724 = arith.addf %get3A_719, %get3A_723 : vector<16xf32>
          %swap3A_725 = arith.index_cast %scan3A_157 : i32 to index
          %swap3A_726 = arith.constant 640 : index
          %swap3A_727 = tpu.vector_load %arg8[%swap3A_725, %swap3A_726] {strides = array<i32>} : memref<16x1024xf32, #tpu.memory_space<vmem>>, vector<1x16xf32>,
          %swap3A_728 = vector.shape_cast %swap3A_727 : vector<1x16xf32> to vector<16xf32>
          %swap3A_729 = vector.shape_cast %add3A_724 : vector<16xf32> to vector<1x16xf32>
          tpu.vector_store %arg8[%swap3A_725, %swap3A_726], %swap3A_729 {strides = array<i32>} : memref<16x1024xf32, #tpu.memory_space<vmem>>, vector<1x16xf32>,
          %get3A_730 = arith.index_cast %scan3A_157 : i32 to index
          %get3A_731 = arith.constant 656 : index
          %get3A_732 = tpu.vector_load %arg6[%get3A_730, %get3A_731] {strides = array<i32>} : memref<16x1024xf32, #tpu.memory_space<vmem>>, vector<1x16xf32>,
          %get3A_733 = vector.shape_cast %get3A_732 : vector<1x16xf32> to vector<16xf32>
          %get3A_734 = arith.index_cast %scan3A_157 : i32 to index
          %get3A_735 = arith.constant 656 : index
          %get3A_736 = tpu.vector_load %arg9[%get3A_734, %get3A_735] {strides = array<i32>} : memref<16x1024xf32, #tpu.memory_space<vmem>>, vector<1x16xf32>,
          %get3A_737 = vector.shape_cast %get3A_736 : vector<1x16xf32> to vector<16xf32>
          %add3A_738 = arith.addf %get3A_733, %get3A_737 : vector<16xf32>
          %swap3A_739 = arith.index_cast %scan3A_157 : i32 to index
          %swap3A_740 = arith.constant 656 : index
          %swap3A_741 = tpu.vector_load %arg8[%swap3A_739, %swap3A_740] {strides = array<i32>} : memref<16x1024xf32, #tpu.memory_space<vmem>>, vector<1x16xf32>,
          %swap3A_742 = vector.shape_cast %swap3A_741 : vector<1x16xf32> to vector<16xf32>
          %swap3A_743 = vector.shape_cast %add3A_738 : vector<16xf32> to vector<1x16xf32>
          tpu.vector_store %arg8[%swap3A_739, %swap3A_740], %swap3A_743 {strides = array<i32>} : memref<16x1024xf32, #tpu.memory_space<vmem>>, vector<1x16xf32>,
          %get3A_744 = arith.index_cast %scan3A_157 : i32 to index
          %get3A_745 = arith.constant 672 : index
          %get3A_746 = tpu.vector_load %arg6[%get3A_744, %get3A_745] {strides = array<i32>} : memref<16x1024xf32, #tpu.memory_space<vmem>>, vector<1x16xf32>,
          %get3A_747 = vector.shape_cast %get3A_746 : vector<1x16xf32> to vector<16xf32>
          %get3A_748 = arith.index_cast %scan3A_157 : i32 to index
          %get3A_749 = arith.constant 672 : index
          %get3A_750 = tpu.vector_load %arg9[%get3A_748, %get3A_749] {strides = array<i32>} : memref<16x1024xf32, #tpu.memory_space<vmem>>, vector<1x16xf32>,
          %get3A_751 = vector.shape_cast %get3A_750 : vector<1x16xf32> to vector<16xf32>
          %add3A_752 = arith.addf %get3A_747, %get3A_751 : vector<16xf32>
          %swap3A_753 = arith.index_cast %scan3A_157 : i32 to index
          %swap3A_754 = arith.constant 672 : index
          %swap3A_755 = tpu.vector_load %arg8[%swap3A_753, %swap3A_754] {strides = array<i32>} : memref<16x1024xf32, #tpu.memory_space<vmem>>, vector<1x16xf32>,
          %swap3A_756 = vector.shape_cast %swap3A_755 : vector<1x16xf32> to vector<16xf32>
          %swap3A_757 = vector.shape_cast %add3A_752 : vector<16xf32> to vector<1x16xf32>
          tpu.vector_store %arg8[%swap3A_753, %swap3A_754], %swap3A_757 {strides = array<i32>} : memref<16x1024xf32, #tpu.memory_space<vmem>>, vector<1x16xf32>,
          %get3A_758 = arith.index_cast %scan3A_157 : i32 to index
          %get3A_759 = arith.constant 688 : index
          %get3A_760 = tpu.vector_load %arg6[%get3A_758, %get3A_759] {strides = array<i32>} : memref<16x1024xf32, #tpu.memory_space<vmem>>, vector<1x16xf32>,
          %get3A_761 = vector.shape_cast %get3A_760 : vector<1x16xf32> to vector<16xf32>
          %get3A_762 = arith.index_cast %scan3A_157 : i32 to index
          %get3A_763 = arith.constant 688 : index
          %get3A_764 = tpu.vector_load %arg9[%get3A_762, %get3A_763] {strides = array<i32>} : memref<16x1024xf32, #tpu.memory_space<vmem>>, vector<1x16xf32>,
          %get3A_765 = vector.shape_cast %get3A_764 : vector<1x16xf32> to vector<16xf32>
          %add3A_766 = arith.addf %get3A_761, %get3A_765 : vector<16xf32>
          %swap3A_767 = arith.index_cast %scan3A_157 : i32 to index
          %swap3A_768 = arith.constant 688 : index
          %swap3A_769 = tpu.vector_load %arg8[%swap3A_767, %swap3A_768] {strides = array<i32>} : memref<16x1024xf32, #tpu.memory_space<vmem>>, vector<1x16xf32>,
          %swap3A_770 = vector.shape_cast %swap3A_769 : vector<1x16xf32> to vector<16xf32>
          %swap3A_771 = vector.shape_cast %add3A_766 : vector<16xf32> to vector<1x16xf32>
          tpu.vector_store %arg8[%swap3A_767, %swap3A_768], %swap3A_771 {strides = array<i32>} : memref<16x1024xf32, #tpu.memory_space<vmem>>, vector<1x16xf32>,
          %get3A_772 = arith.index_cast %scan3A_157 : i32 to index
          %get3A_773 = arith.constant 704 : index
          %get3A_774 = tpu.vector_load %arg6[%get3A_772, %get3A_773] {strides = array<i32>} : memref<16x1024xf32, #tpu.memory_space<vmem>>, vector<1x16xf32>,
          %get3A_775 = vector.shape_cast %get3A_774 : vector<1x16xf32> to vector<16xf32>
          %get3A_776 = arith.index_cast %scan3A_157 : i32 to index
          %get3A_777 = arith.constant 704 : index
          %get3A_778 = tpu.vector_load %arg9[%get3A_776, %get3A_777] {strides = array<i32>} : memref<16x1024xf32, #tpu.memory_space<vmem>>, vector<1x16xf32>,
          %get3A_779 = vector.shape_cast %get3A_778 : vector<1x16xf32> to vector<16xf32>
          %add3A_780 = arith.addf %get3A_775, %get3A_779 : vector<16xf32>
          %swap3A_781 = arith.index_cast %scan3A_157 : i32 to index
          %swap3A_782 = arith.constant 704 : index
          %swap3A_783 = tpu.vector_load %arg8[%swap3A_781, %swap3A_782] {strides = array<i32>} : memref<16x1024xf32, #tpu.memory_space<vmem>>, vector<1x16xf32>,
          %swap3A_784 = vector.shape_cast %swap3A_783 : vector<1x16xf32> to vector<16xf32>
          %swap3A_785 = vector.shape_cast %add3A_780 : vector<16xf32> to vector<1x16xf32>
          tpu.vector_store %arg8[%swap3A_781, %swap3A_782], %swap3A_785 {strides = array<i32>} : memref<16x1024xf32, #tpu.memory_space<vmem>>, vector<1x16xf32>,
          %get3A_786 = arith.index_cast %scan3A_157 : i32 to index
          %get3A_787 = arith.constant 720 : index
          %get3A_788 = tpu.vector_load %arg6[%get3A_786, %get3A_787] {strides = array<i32>} : memref<16x1024xf32, #tpu.memory_space<vmem>>, vector<1x16xf32>,
          %get3A_789 = vector.shape_cast %get3A_788 : vector<1x16xf32> to vector<16xf32>
          %get3A_790 = arith.index_cast %scan3A_157 : i32 to index
          %get3A_791 = arith.constant 720 : index
          %get3A_792 = tpu.vector_load %arg9[%get3A_790, %get3A_791] {strides = array<i32>} : memref<16x1024xf32, #tpu.memory_space<vmem>>, vector<1x16xf32>,
          %get3A_793 = vector.shape_cast %get3A_792 : vector<1x16xf32> to vector<16xf32>
          %add3A_794 = arith.addf %get3A_789, %get3A_793 : vector<16xf32>
          %swap3A_795 = arith.index_cast %scan3A_157 : i32 to index
          %swap3A_796 = arith.constant 720 : index
          %swap3A_797 = tpu.vector_load %arg8[%swap3A_795, %swap3A_796] {strides = array<i32>} : memref<16x1024xf32, #tpu.memory_space<vmem>>, vector<1x16xf32>,
          %swap3A_798 = vector.shape_cast %swap3A_797 : vector<1x16xf32> to vector<16xf32>
          %swap3A_799 = vector.shape_cast %add3A_794 : vector<16xf32> to vector<1x16xf32>
          tpu.vector_store %arg8[%swap3A_795, %swap3A_796], %swap3A_799 {strides = array<i32>} : memref<16x1024xf32, #tpu.memory_space<vmem>>, vector<1x16xf32>,
          %get3A_800 = arith.index_cast %scan3A_157 : i32 to index
          %get3A_801 = arith.constant 736 : index
          %get3A_802 = tpu.vector_load %arg6[%get3A_800, %get3A_801] {strides = array<i32>} : memref<16x1024xf32, #tpu.memory_space<vmem>>, vector<1x16xf32>,
          %get3A_803 = vector.shape_cast %get3A_802 : vector<1x16xf32> to vector<16xf32>
          %get3A_804 = arith.index_cast %scan3A_157 : i32 to index
          %get3A_805 = arith.constant 736 : index
          %get3A_806 = tpu.vector_load %arg9[%get3A_804, %get3A_805] {strides = array<i32>} : memref<16x1024xf32, #tpu.memory_space<vmem>>, vector<1x16xf32>,
          %get3A_807 = vector.shape_cast %get3A_806 : vector<1x16xf32> to vector<16xf32>
          %add3A_808 = arith.addf %get3A_803, %get3A_807 : vector<16xf32>
          %swap3A_809 = arith.index_cast %scan3A_157 : i32 to index
          %swap3A_810 = arith.constant 736 : index
          %swap3A_811 = tpu.vector_load %arg8[%swap3A_809, %swap3A_810] {strides = array<i32>} : memref<16x1024xf32, #tpu.memory_space<vmem>>, vector<1x16xf32>,
          %swap3A_812 = vector.shape_cast %swap3A_811 : vector<1x16xf32> to vector<16xf32>
          %swap3A_813 = vector.shape_cast %add3A_808 : vector<16xf32> to vector<1x16xf32>
          tpu.vector_store %arg8[%swap3A_809, %swap3A_810], %swap3A_813 {strides = array<i32>} : memref<16x1024xf32, #tpu.memory_space<vmem>>, vector<1x16xf32>,
          %get3A_814 = arith.index_cast %scan3A_157 : i32 to index
          %get3A_815 = arith.constant 752 : index
          %get3A_816 = tpu.vector_load %arg6[%get3A_814, %get3A_815] {strides = array<i32>} : memref<16x1024xf32, #tpu.memory_space<vmem>>, vector<1x16xf32>,
          %get3A_817 = vector.shape_cast %get3A_816 : vector<1x16xf32> to vector<16xf32>
          %get3A_818 = arith.index_cast %scan3A_157 : i32 to index
          %get3A_819 = arith.constant 752 : index
          %get3A_820 = tpu.vector_load %arg9[%get3A_818, %get3A_819] {strides = array<i32>} : memref<16x1024xf32, #tpu.memory_space<vmem>>, vector<1x16xf32>,
          %get3A_821 = vector.shape_cast %get3A_820 : vector<1x16xf32> to vector<16xf32>
          %add3A_822 = arith.addf %get3A_817, %get3A_821 : vector<16xf32>
          %swap3A_823 = arith.index_cast %scan3A_157 : i32 to index
          %swap3A_824 = arith.constant 752 : index
          %swap3A_825 = tpu.vector_load %arg8[%swap3A_823, %swap3A_824] {strides = array<i32>} : memref<16x1024xf32, #tpu.memory_space<vmem>>, vector<1x16xf32>,
          %swap3A_826 = vector.shape_cast %swap3A_825 : vector<1x16xf32> to vector<16xf32>
          %swap3A_827 = vector.shape_cast %add3A_822 : vector<16xf32> to vector<1x16xf32>
          tpu.vector_store %arg8[%swap3A_823, %swap3A_824], %swap3A_827 {strides = array<i32>} : memref<16x1024xf32, #tpu.memory_space<vmem>>, vector<1x16xf32>,
          %get3A_828 = arith.index_cast %scan3A_157 : i32 to index
          %get3A_829 = arith.constant 768 : index
          %get3A_830 = tpu.vector_load %arg6[%get3A_828, %get3A_829] {strides = array<i32>} : memref<16x1024xf32, #tpu.memory_space<vmem>>, vector<1x16xf32>,
          %get3A_831 = vector.shape_cast %get3A_830 : vector<1x16xf32> to vector<16xf32>
          %get3A_832 = arith.index_cast %scan3A_157 : i32 to index
          %get3A_833 = arith.constant 768 : index
          %get3A_834 = tpu.vector_load %arg9[%get3A_832, %get3A_833] {strides = array<i32>} : memref<16x1024xf32, #tpu.memory_space<vmem>>, vector<1x16xf32>,
          %get3A_835 = vector.shape_cast %get3A_834 : vector<1x16xf32> to vector<16xf32>
          %add3A_836 = arith.addf %get3A_831, %get3A_835 : vector<16xf32>
          %swap3A_837 = arith.index_cast %scan3A_157 : i32 to index
          %swap3A_838 = arith.constant 768 : index
          %swap3A_839 = tpu.vector_load %arg8[%swap3A_837, %swap3A_838] {strides = array<i32>} : memref<16x1024xf32, #tpu.memory_space<vmem>>, vector<1x16xf32>,
          %swap3A_840 = vector.shape_cast %swap3A_839 : vector<1x16xf32> to vector<16xf32>
          %swap3A_841 = vector.shape_cast %add3A_836 : vector<16xf32> to vector<1x16xf32>
          tpu.vector_store %arg8[%swap3A_837, %swap3A_838], %swap3A_841 {strides = array<i32>} : memref<16x1024xf32, #tpu.memory_space<vmem>>, vector<1x16xf32>,
          %get3A_842 = arith.index_cast %scan3A_157 : i32 to index
          %get3A_843 = arith.constant 784 : index
          %get3A_844 = tpu.vector_load %arg6[%get3A_842, %get3A_843] {strides = array<i32>} : memref<16x1024xf32, #tpu.memory_space<vmem>>, vector<1x16xf32>,
          %get3A_845 = vector.shape_cast %get3A_844 : vector<1x16xf32> to vector<16xf32>
          %get3A_846 = arith.index_cast %scan3A_157 : i32 to index
          %get3A_847 = arith.constant 784 : index
          %get3A_848 = tpu.vector_load %arg9[%get3A_846, %get3A_847] {strides = array<i32>} : memref<16x1024xf32, #tpu.memory_space<vmem>>, vector<1x16xf32>,
          %get3A_849 = vector.shape_cast %get3A_848 : vector<1x16xf32> to vector<16xf32>
          %add3A_850 = arith.addf %get3A_845, %get3A_849 : vector<16xf32>
          %swap3A_851 = arith.index_cast %scan3A_157 : i32 to index
          %swap3A_852 = arith.constant 784 : index
          %swap3A_853 = tpu.vector_load %arg8[%swap3A_851, %swap3A_852] {strides = array<i32>} : memref<16x1024xf32, #tpu.memory_space<vmem>>, vector<1x16xf32>,
          %swap3A_854 = vector.shape_cast %swap3A_853 : vector<1x16xf32> to vector<16xf32>
          %swap3A_855 = vector.shape_cast %add3A_850 : vector<16xf32> to vector<1x16xf32>
          tpu.vector_store %arg8[%swap3A_851, %swap3A_852], %swap3A_855 {strides = array<i32>} : memref<16x1024xf32, #tpu.memory_space<vmem>>, vector<1x16xf32>,
          %get3A_856 = arith.index_cast %scan3A_157 : i32 to index
          %get3A_857 = arith.constant 800 : index
          %get3A_858 = tpu.vector_load %arg6[%get3A_856, %get3A_857] {strides = array<i32>} : memref<16x1024xf32, #tpu.memory_space<vmem>>, vector<1x16xf32>,
          %get3A_859 = vector.shape_cast %get3A_858 : vector<1x16xf32> to vector<16xf32>
          %get3A_860 = arith.index_cast %scan3A_157 : i32 to index
          %get3A_861 = arith.constant 800 : index
          %get3A_862 = tpu.vector_load %arg9[%get3A_860, %get3A_861] {strides = array<i32>} : memref<16x1024xf32, #tpu.memory_space<vmem>>, vector<1x16xf32>,
          %get3A_863 = vector.shape_cast %get3A_862 : vector<1x16xf32> to vector<16xf32>
          %add3A_864 = arith.addf %get3A_859, %get3A_863 : vector<16xf32>
          %swap3A_865 = arith.index_cast %scan3A_157 : i32 to index
          %swap3A_866 = arith.constant 800 : index
          %swap3A_867 = tpu.vector_load %arg8[%swap3A_865, %swap3A_866] {strides = array<i32>} : memref<16x1024xf32, #tpu.memory_space<vmem>>, vector<1x16xf32>,
          %swap3A_868 = vector.shape_cast %swap3A_867 : vector<1x16xf32> to vector<16xf32>
          %swap3A_869 = vector.shape_cast %add3A_864 : vector<16xf32> to vector<1x16xf32>
          tpu.vector_store %arg8[%swap3A_865, %swap3A_866], %swap3A_869 {strides = array<i32>} : memref<16x1024xf32, #tpu.memory_space<vmem>>, vector<1x16xf32>,
          %get3A_870 = arith.index_cast %scan3A_157 : i32 to index
          %get3A_871 = arith.constant 816 : index
          %get3A_872 = tpu.vector_load %arg6[%get3A_870, %get3A_871] {strides = array<i32>} : memref<16x1024xf32, #tpu.memory_space<vmem>>, vector<1x16xf32>,
          %get3A_873 = vector.shape_cast %get3A_872 : vector<1x16xf32> to vector<16xf32>
          %get3A_874 = arith.index_cast %scan3A_157 : i32 to index
          %get3A_875 = arith.constant 816 : index
          %get3A_876 = tpu.vector_load %arg9[%get3A_874, %get3A_875] {strides = array<i32>} : memref<16x1024xf32, #tpu.memory_space<vmem>>, vector<1x16xf32>,
          %get3A_877 = vector.shape_cast %get3A_876 : vector<1x16xf32> to vector<16xf32>
          %add3A_878 = arith.addf %get3A_873, %get3A_877 : vector<16xf32>
          %swap3A_879 = arith.index_cast %scan3A_157 : i32 to index
          %swap3A_880 = arith.constant 816 : index
          %swap3A_881 = tpu.vector_load %arg8[%swap3A_879, %swap3A_880] {strides = array<i32>} : memref<16x1024xf32, #tpu.memory_space<vmem>>, vector<1x16xf32>,
          %swap3A_882 = vector.shape_cast %swap3A_881 : vector<1x16xf32> to vector<16xf32>
          %swap3A_883 = vector.shape_cast %add3A_878 : vector<16xf32> to vector<1x16xf32>
          tpu.vector_store %arg8[%swap3A_879, %swap3A_880], %swap3A_883 {strides = array<i32>} : memref<16x1024xf32, #tpu.memory_space<vmem>>, vector<1x16xf32>,
          %get3A_884 = arith.index_cast %scan3A_157 : i32 to index
          %get3A_885 = arith.constant 832 : index
          %get3A_886 = tpu.vector_load %arg6[%get3A_884, %get3A_885] {strides = array<i32>} : memref<16x1024xf32, #tpu.memory_space<vmem>>, vector<1x16xf32>,
          %get3A_887 = vector.shape_cast %get3A_886 : vector<1x16xf32> to vector<16xf32>
          %get3A_888 = arith.index_cast %scan3A_157 : i32 to index
          %get3A_889 = arith.constant 832 : index
          %get3A_890 = tpu.vector_load %arg9[%get3A_888, %get3A_889] {strides = array<i32>} : memref<16x1024xf32, #tpu.memory_space<vmem>>, vector<1x16xf32>,
          %get3A_891 = vector.shape_cast %get3A_890 : vector<1x16xf32> to vector<16xf32>
          %add3A_892 = arith.addf %get3A_887, %get3A_891 : vector<16xf32>
          %swap3A_893 = arith.index_cast %scan3A_157 : i32 to index
          %swap3A_894 = arith.constant 832 : index
          %swap3A_895 = tpu.vector_load %arg8[%swap3A_893, %swap3A_894] {strides = array<i32>} : memref<16x1024xf32, #tpu.memory_space<vmem>>, vector<1x16xf32>,
          %swap3A_896 = vector.shape_cast %swap3A_895 : vector<1x16xf32> to vector<16xf32>
          %swap3A_897 = vector.shape_cast %add3A_892 : vector<16xf32> to vector<1x16xf32>
          tpu.vector_store %arg8[%swap3A_893, %swap3A_894], %swap3A_897 {strides = array<i32>} : memref<16x1024xf32, #tpu.memory_space<vmem>>, vector<1x16xf32>,
          %get3A_898 = arith.index_cast %scan3A_157 : i32 to index
          %get3A_899 = arith.constant 848 : index
          %get3A_900 = tpu.vector_load %arg6[%get3A_898, %get3A_899] {strides = array<i32>} : memref<16x1024xf32, #tpu.memory_space<vmem>>, vector<1x16xf32>,
          %get3A_901 = vector.shape_cast %get3A_900 : vector<1x16xf32> to vector<16xf32>
          %get3A_902 = arith.index_cast %scan3A_157 : i32 to index
          %get3A_903 = arith.constant 848 : index
          %get3A_904 = tpu.vector_load %arg9[%get3A_902, %get3A_903] {strides = array<i32>} : memref<16x1024xf32, #tpu.memory_space<vmem>>, vector<1x16xf32>,
          %get3A_905 = vector.shape_cast %get3A_904 : vector<1x16xf32> to vector<16xf32>
          %add3A_906 = arith.addf %get3A_901, %get3A_905 : vector<16xf32>
          %swap3A_907 = arith.index_cast %scan3A_157 : i32 to index
          %swap3A_908 = arith.constant 848 : index
          %swap3A_909 = tpu.vector_load %arg8[%swap3A_907, %swap3A_908] {strides = array<i32>} : memref<16x1024xf32, #tpu.memory_space<vmem>>, vector<1x16xf32>,
          %swap3A_910 = vector.shape_cast %swap3A_909 : vector<1x16xf32> to vector<16xf32>
          %swap3A_911 = vector.shape_cast %add3A_906 : vector<16xf32> to vector<1x16xf32>
          tpu.vector_store %arg8[%swap3A_907, %swap3A_908], %swap3A_911 {strides = array<i32>} : memref<16x1024xf32, #tpu.memory_space<vmem>>, vector<1x16xf32>,
          %get3A_912 = arith.index_cast %scan3A_157 : i32 to index
          %get3A_913 = arith.constant 864 : index
          %get3A_914 = tpu.vector_load %arg6[%get3A_912, %get3A_913] {strides = array<i32>} : memref<16x1024xf32, #tpu.memory_space<vmem>>, vector<1x16xf32>,
          %get3A_915 = vector.shape_cast %get3A_914 : vector<1x16xf32> to vector<16xf32>
          %get3A_916 = arith.index_cast %scan3A_157 : i32 to index
          %get3A_917 = arith.constant 864 : index
          %get3A_918 = tpu.vector_load %arg9[%get3A_916, %get3A_917] {strides = array<i32>} : memref<16x1024xf32, #tpu.memory_space<vmem>>, vector<1x16xf32>,
          %get3A_919 = vector.shape_cast %get3A_918 : vector<1x16xf32> to vector<16xf32>
          %add3A_920 = arith.addf %get3A_915, %get3A_919 : vector<16xf32>
          %swap3A_921 = arith.index_cast %scan3A_157 : i32 to index
          %swap3A_922 = arith.constant 864 : index
          %swap3A_923 = tpu.vector_load %arg8[%swap3A_921, %swap3A_922] {strides = array<i32>} : memref<16x1024xf32, #tpu.memory_space<vmem>>, vector<1x16xf32>,
          %swap3A_924 = vector.shape_cast %swap3A_923 : vector<1x16xf32> to vector<16xf32>
          %swap3A_925 = vector.shape_cast %add3A_920 : vector<16xf32> to vector<1x16xf32>
          tpu.vector_store %arg8[%swap3A_921, %swap3A_922], %swap3A_925 {strides = array<i32>} : memref<16x1024xf32, #tpu.memory_space<vmem>>, vector<1x16xf32>,
          %get3A_926 = arith.index_cast %scan3A_157 : i32 to index
          %get3A_927 = arith.constant 880 : index
          %get3A_928 = tpu.vector_load %arg6[%get3A_926, %get3A_927] {strides = array<i32>} : memref<16x1024xf32, #tpu.memory_space<vmem>>, vector<1x16xf32>,
          %get3A_929 = vector.shape_cast %get3A_928 : vector<1x16xf32> to vector<16xf32>
          %get3A_930 = arith.index_cast %scan3A_157 : i32 to index
          %get3A_931 = arith.constant 880 : index
          %get3A_932 = tpu.vector_load %arg9[%get3A_930, %get3A_931] {strides = array<i32>} : memref<16x1024xf32, #tpu.memory_space<vmem>>, vector<1x16xf32>,
          %get3A_933 = vector.shape_cast %get3A_932 : vector<1x16xf32> to vector<16xf32>
          %add3A_934 = arith.addf %get3A_929, %get3A_933 : vector<16xf32>
          %swap3A_935 = arith.index_cast %scan3A_157 : i32 to index
          %swap3A_936 = arith.constant 880 : index
          %swap3A_937 = tpu.vector_load %arg8[%swap3A_935, %swap3A_936] {strides = array<i32>} : memref<16x1024xf32, #tpu.memory_space<vmem>>, vector<1x16xf32>,
          %swap3A_938 = vector.shape_cast %swap3A_937 : vector<1x16xf32> to vector<16xf32>
          %swap3A_939 = vector.shape_cast %add3A_934 : vector<16xf32> to vector<1x16xf32>
          tpu.vector_store %arg8[%swap3A_935, %swap3A_936], %swap3A_939 {strides = array<i32>} : memref<16x1024xf32, #tpu.memory_space<vmem>>, vector<1x16xf32>,
          %get3A_940 = arith.index_cast %scan3A_157 : i32 to index
          %get3A_941 = arith.constant 896 : index
          %get3A_942 = tpu.vector_load %arg6[%get3A_940, %get3A_941] {strides = array<i32>} : memref<16x1024xf32, #tpu.memory_space<vmem>>, vector<1x16xf32>,
          %get3A_943 = vector.shape_cast %get3A_942 : vector<1x16xf32> to vector<16xf32>
          %get3A_944 = arith.index_cast %scan3A_157 : i32 to index
          %get3A_945 = arith.constant 896 : index
          %get3A_946 = tpu.vector_load %arg9[%get3A_944, %get3A_945] {strides = array<i32>} : memref<16x1024xf32, #tpu.memory_space<vmem>>, vector<1x16xf32>,
          %get3A_947 = vector.shape_cast %get3A_946 : vector<1x16xf32> to vector<16xf32>
          %add3A_948 = arith.addf %get3A_943, %get3A_947 : vector<16xf32>
          %swap3A_949 = arith.index_cast %scan3A_157 : i32 to index
          %swap3A_950 = arith.constant 896 : index
          %swap3A_951 = tpu.vector_load %arg8[%swap3A_949, %swap3A_950] {strides = array<i32>} : memref<16x1024xf32, #tpu.memory_space<vmem>>, vector<1x16xf32>,
          %swap3A_952 = vector.shape_cast %swap3A_951 : vector<1x16xf32> to vector<16xf32>
          %swap3A_953 = vector.shape_cast %add3A_948 : vector<16xf32> to vector<1x16xf32>
          tpu.vector_store %arg8[%swap3A_949, %swap3A_950], %swap3A_953 {strides = array<i32>} : memref<16x1024xf32, #tpu.memory_space<vmem>>, vector<1x16xf32>,
          %get3A_954 = arith.index_cast %scan3A_157 : i32 to index
          %get3A_955 = arith.constant 912 : index
          %get3A_956 = tpu.vector_load %arg6[%get3A_954, %get3A_955] {strides = array<i32>} : memref<16x1024xf32, #tpu.memory_space<vmem>>, vector<1x16xf32>,
          %get3A_957 = vector.shape_cast %get3A_956 : vector<1x16xf32> to vector<16xf32>
          %get3A_958 = arith.index_cast %scan3A_157 : i32 to index
          %get3A_959 = arith.constant 912 : index
          %get3A_960 = tpu.vector_load %arg9[%get3A_958, %get3A_959] {strides = array<i32>} : memref<16x1024xf32, #tpu.memory_space<vmem>>, vector<1x16xf32>,
          %get3A_961 = vector.shape_cast %get3A_960 : vector<1x16xf32> to vector<16xf32>
          %add3A_962 = arith.addf %get3A_957, %get3A_961 : vector<16xf32>
          %swap3A_963 = arith.index_cast %scan3A_157 : i32 to index
          %swap3A_964 = arith.constant 912 : index
          %swap3A_965 = tpu.vector_load %arg8[%swap3A_963, %swap3A_964] {strides = array<i32>} : memref<16x1024xf32, #tpu.memory_space<vmem>>, vector<1x16xf32>,
          %swap3A_966 = vector.shape_cast %swap3A_965 : vector<1x16xf32> to vector<16xf32>
          %swap3A_967 = vector.shape_cast %add3A_962 : vector<16xf32> to vector<1x16xf32>
          tpu.vector_store %arg8[%swap3A_963, %swap3A_964], %swap3A_967 {strides = array<i32>} : memref<16x1024xf32, #tpu.memory_space<vmem>>, vector<1x16xf32>,
          %get3A_968 = arith.index_cast %scan3A_157 : i32 to index
          %get3A_969 = arith.constant 928 : index
          %get3A_970 = tpu.vector_load %arg6[%get3A_968, %get3A_969] {strides = array<i32>} : memref<16x1024xf32, #tpu.memory_space<vmem>>, vector<1x16xf32>,
          %get3A_971 = vector.shape_cast %get3A_970 : vector<1x16xf32> to vector<16xf32>
          %get3A_972 = arith.index_cast %scan3A_157 : i32 to index
          %get3A_973 = arith.constant 928 : index
          %get3A_974 = tpu.vector_load %arg9[%get3A_972, %get3A_973] {strides = array<i32>} : memref<16x1024xf32, #tpu.memory_space<vmem>>, vector<1x16xf32>,
          %get3A_975 = vector.shape_cast %get3A_974 : vector<1x16xf32> to vector<16xf32>
          %add3A_976 = arith.addf %get3A_971, %get3A_975 : vector<16xf32>
          %swap3A_977 = arith.index_cast %scan3A_157 : i32 to index
          %swap3A_978 = arith.constant 928 : index
          %swap3A_979 = tpu.vector_load %arg8[%swap3A_977, %swap3A_978] {strides = array<i32>} : memref<16x1024xf32, #tpu.memory_space<vmem>>, vector<1x16xf32>,
          %swap3A_980 = vector.shape_cast %swap3A_979 : vector<1x16xf32> to vector<16xf32>
          %swap3A_981 = vector.shape_cast %add3A_976 : vector<16xf32> to vector<1x16xf32>
          tpu.vector_store %arg8[%swap3A_977, %swap3A_978], %swap3A_981 {strides = array<i32>} : memref<16x1024xf32, #tpu.memory_space<vmem>>, vector<1x16xf32>,
          %get3A_982 = arith.index_cast %scan3A_157 : i32 to index
          %get3A_983 = arith.constant 944 : index
          %get3A_984 = tpu.vector_load %arg6[%get3A_982, %get3A_983] {strides = array<i32>} : memref<16x1024xf32, #tpu.memory_space<vmem>>, vector<1x16xf32>,
          %get3A_985 = vector.shape_cast %get3A_984 : vector<1x16xf32> to vector<16xf32>
          %get3A_986 = arith.index_cast %scan3A_157 : i32 to index
          %get3A_987 = arith.constant 944 : index
          %get3A_988 = tpu.vector_load %arg9[%get3A_986, %get3A_987] {strides = array<i32>} : memref<16x1024xf32, #tpu.memory_space<vmem>>, vector<1x16xf32>,
          %get3A_989 = vector.shape_cast %get3A_988 : vector<1x16xf32> to vector<16xf32>
          %add3A_990 = arith.addf %get3A_985, %get3A_989 : vector<16xf32>
          %swap3A_991 = arith.index_cast %scan3A_157 : i32 to index
          %swap3A_992 = arith.constant 944 : index
          %swap3A_993 = tpu.vector_load %arg8[%swap3A_991, %swap3A_992] {strides = array<i32>} : memref<16x1024xf32, #tpu.memory_space<vmem>>, vector<1x16xf32>,
          %swap3A_994 = vector.shape_cast %swap3A_993 : vector<1x16xf32> to vector<16xf32>
          %swap3A_995 = vector.shape_cast %add3A_990 : vector<16xf32> to vector<1x16xf32>
          tpu.vector_store %arg8[%swap3A_991, %swap3A_992], %swap3A_995 {strides = array<i32>} : memref<16x1024xf32, #tpu.memory_space<vmem>>, vector<1x16xf32>,
          %get3A_996 = arith.index_cast %scan3A_157 : i32 to index
          %get3A_997 = arith.constant 960 : index
          %get3A_998 = tpu.vector_load %arg6[%get3A_996, %get3A_997] {strides = array<i32>} : memref<16x1024xf32, #tpu.memory_space<vmem>>, vector<1x16xf32>,
          %get3A_999 = vector.shape_cast %get3A_998 : vector<1x16xf32> to vector<16xf32>
          %get3A_1000 = arith.index_cast %scan3A_157 : i32 to index
          %get3A_1001 = arith.constant 960 : index
          %get3A_1002 = tpu.vector_load %arg9[%get3A_1000, %get3A_1001] {strides = array<i32>} : memref<16x1024xf32, #tpu.memory_space<vmem>>, vector<1x16xf32>,
          %get3A_1003 = vector.shape_cast %get3A_1002 : vector<1x16xf32> to vector<16xf32>
          %add3A_1004 = arith.addf %get3A_999, %get3A_1003 : vector<16xf32>
          %swap3A_1005 = arith.index_cast %scan3A_157 : i32 to index
          %swap3A_1006 = arith.constant 960 : index
          %swap3A_1007 = tpu.vector_load %arg8[%swap3A_1005, %swap3A_1006] {strides = array<i32>} : memref<16x1024xf32, #tpu.memory_space<vmem>>, vector<1x16xf32>,
          %swap3A_1008 = vector.shape_cast %swap3A_1007 : vector<1x16xf32> to vector<16xf32>
          %swap3A_1009 = vector.shape_cast %add3A_1004 : vector<16xf32> to vector<1x16xf32>
          tpu.vector_store %arg8[%swap3A_1005, %swap3A_1006], %swap3A_1009 {strides = array<i32>} : memref<16x1024xf32, #tpu.memory_space<vmem>>, vector<1x16xf32>,
          %get3A_1010 = arith.index_cast %scan3A_157 : i32 to index
          %get3A_1011 = arith.constant 976 : index
          %get3A_1012 = tpu.vector_load %arg6[%get3A_1010, %get3A_1011] {strides = array<i32>} : memref<16x1024xf32, #tpu.memory_space<vmem>>, vector<1x16xf32>,
          %get3A_1013 = vector.shape_cast %get3A_1012 : vector<1x16xf32> to vector<16xf32>
          %get3A_1014 = arith.index_cast %scan3A_157 : i32 to index
          %get3A_1015 = arith.constant 976 : index
          %get3A_1016 = tpu.vector_load %arg9[%get3A_1014, %get3A_1015] {strides = array<i32>} : memref<16x1024xf32, #tpu.memory_space<vmem>>, vector<1x16xf32>,
          %get3A_1017 = vector.shape_cast %get3A_1016 : vector<1x16xf32> to vector<16xf32>
          %add3A_1018 = arith.addf %get3A_1013, %get3A_1017 : vector<16xf32>
          %swap3A_1019 = arith.index_cast %scan3A_157 : i32 to index
          %swap3A_1020 = arith.constant 976 : index
          %swap3A_1021 = tpu.vector_load %arg8[%swap3A_1019, %swap3A_1020] {strides = array<i32>} : memref<16x1024xf32, #tpu.memory_space<vmem>>, vector<1x16xf32>,
          %swap3A_1022 = vector.shape_cast %swap3A_1021 : vector<1x16xf32> to vector<16xf32>
          %swap3A_1023 = vector.shape_cast %add3A_1018 : vector<16xf32> to vector<1x16xf32>
          tpu.vector_store %arg8[%swap3A_1019, %swap3A_1020], %swap3A_1023 {strides = array<i32>} : memref<16x1024xf32, #tpu.memory_space<vmem>>, vector<1x16xf32>,
          %get3A_1024 = arith.index_cast %scan3A_157 : i32 to index
          %get3A_1025 = arith.constant 992 : index
          %get3A_1026 = tpu.vector_load %arg6[%get3A_1024, %get3A_1025] {strides = array<i32>} : memref<16x1024xf32, #tpu.memory_space<vmem>>, vector<1x16xf32>,
          %get3A_1027 = vector.shape_cast %get3A_1026 : vector<1x16xf32> to vector<16xf32>
          %get3A_1028 = arith.index_cast %scan3A_157 : i32 to index
          %get3A_1029 = arith.constant 992 : index
          %get3A_1030 = tpu.vector_load %arg9[%get3A_1028, %get3A_1029] {strides = array<i32>} : memref<16x1024xf32, #tpu.memory_space<vmem>>, vector<1x16xf32>,
          %get3A_1031 = vector.shape_cast %get3A_1030 : vector<1x16xf32> to vector<16xf32>
          %add3A_1032 = arith.addf %get3A_1027, %get3A_1031 : vector<16xf32>
          %swap3A_1033 = arith.index_cast %scan3A_157 : i32 to index
          %swap3A_1034 = arith.constant 992 : index
          %swap3A_1035 = tpu.vector_load %arg8[%swap3A_1033, %swap3A_1034] {strides = array<i32>} : memref<16x1024xf32, #tpu.memory_space<vmem>>, vector<1x16xf32>,
          %swap3A_1036 = vector.shape_cast %swap3A_1035 : vector<1x16xf32> to vector<16xf32>
          %swap3A_1037 = vector.shape_cast %add3A_1032 : vector<16xf32> to vector<1x16xf32>
          tpu.vector_store %arg8[%swap3A_1033, %swap3A_1034], %swap3A_1037 {strides = array<i32>} : memref<16x1024xf32, #tpu.memory_space<vmem>>, vector<1x16xf32>,
          %get3A_1038 = arith.index_cast %scan3A_157 : i32 to index
          %get3A_1039 = arith.constant 1008 : index
          %get3A_1040 = tpu.vector_load %arg6[%get3A_1038, %get3A_1039] {strides = array<i32>} : memref<16x1024xf32, #tpu.memory_space<vmem>>, vector<1x16xf32>,
          %get3A_1041 = vector.shape_cast %get3A_1040 : vector<1x16xf32> to vector<16xf32>
          %get3A_1042 = arith.index_cast %scan3A_157 : i32 to index
          %get3A_1043 = arith.constant 1008 : index
          %get3A_1044 = tpu.vector_load %arg9[%get3A_1042, %get3A_1043] {strides = array<i32>} : memref<16x1024xf32, #tpu.memory_space<vmem>>, vector<1x16xf32>,
          %get3A_1045 = vector.shape_cast %get3A_1044 : vector<1x16xf32> to vector<16xf32>
          %add3A_1046 = arith.addf %get3A_1041, %get3A_1045 : vector<16xf32>
          %swap3A_1047 = arith.index_cast %scan3A_157 : i32 to index
          %swap3A_1048 = arith.constant 1008 : index
          %swap3A_1049 = tpu.vector_load %arg8[%swap3A_1047, %swap3A_1048] {strides = array<i32>} : memref<16x1024xf32, #tpu.memory_space<vmem>>, vector<1x16xf32>,
          %swap3A_1050 = vector.shape_cast %swap3A_1049 : vector<1x16xf32> to vector<16xf32>
          %swap3A_1051 = vector.shape_cast %add3A_1046 : vector<16xf32> to vector<1x16xf32>
          tpu.vector_store %arg8[%swap3A_1047, %swap3A_1048], %swap3A_1051 {strides = array<i32>} : memref<16x1024xf32, #tpu.memory_space<vmem>>, vector<1x16xf32>,
        }
        %scan3A_116 = arith.constant 16 : i32
        %jit3A_117 = arith.constant 4 : i32
        %div3A_118 = arith.divsi %scan3A_56, %jit3A_117 : i32
        %sign3A_119 = arith.constant 0 : i32
        %sign3A_120 = arith.cmpi sgt, %scan3A_56, %sign3A_119 : i32
        %sign3A_121 = arith.extui %sign3A_120 : i1 to i32
        %sign3A_122 = arith.constant 0 : i32
        %sign3A_123 = arith.cmpi slt, %scan3A_56, %sign3A_122 : i32
        %sign3A_124 = arith.extui %sign3A_123 : i1 to i32
        %sign3A_125 = arith.subi %sign3A_121, %sign3A_124 : i32
        %sign3A_126 = arith.constant 0 : i32
        %sign3A_127 = arith.cmpi sgt, %jit3A_117, %sign3A_126 : i32
        %sign3A_128 = arith.extui %sign3A_127 : i1 to i32
        %sign3A_129 = arith.constant 0 : i32
        %sign3A_130 = arith.cmpi slt, %jit3A_117, %sign3A_129 : i32
        %sign3A_131 = arith.extui %sign3A_130 : i1 to i32
        %sign3A_132 = arith.subi %sign3A_128, %sign3A_131 : i32
        %ne3A_133 = arith.cmpi ne, %sign3A_125, %sign3A_132 : i32
        %rem3A_134 = arith.remsi %scan3A_56, %jit3A_117 : i32
        %ne3A_135 = arith.constant 0 : i32
        %ne3A_136 = arith.cmpi ne, %rem3A_134, %ne3A_135 : i32
        %and3A_137 = arith.andi %ne3A_133, %ne3A_136 : i1
        %sub3A_138 = arith.constant 1 : i32
        %sub3A_139 = arith.subi %div3A_118, %sub3A_138 : i32
        %select_n3A_140 = arith.select %and3A_137, %sub3A_139, %div3A_118 : i32
        %rem3A_141 = arith.constant 4 : i32
        %rem3A_142 = arith.remsi %scan3A_56, %rem3A_141 : i32
        %mul3A_143 = arith.constant 8192 : i32
        %mul3A_144 = arith.muli %rem3A_142, %mul3A_143 : i32
        %add3A_145 = arith.addi %mul3A_144, %mul3A_2 : i32
        %mul3A_146 = arith.constant 16 : i32
        %mul3A_147 = arith.muli %select_n3A_140, %mul3A_146 : i32
        %add3A_148 = arith.addi %add3A_145, %mul3A_147 : i32
        %rem3A_149 = arith.constant 2 : i32
        %rem3A_150 = arith.remsi %scan3A_56, %rem3A_149 : i32
        %dma_start3A_151 = arith.constant 0 : i32
        %dma_start3A_152 = tpu.memref_slice %arg4[%add3A_148, %dma_start3A_151] : memref<32768x1024xf32, #tpu.memory_space<hbm>> -> memref<16x1024xf32, #tpu.memory_space<hbm>>
        %dma_start3A_153 = tpu.memref_slice %arg11[%rem3A_150] : memref<2x!tpu.dma_semaphore, #tpu.memory_space<semaphore_mem>> -> memref<1x!tpu.dma_semaphore, #tpu.memory_space<semaphore_mem>>
        %dma_start3A_154 = tpu.memref_squeeze %dma_start3A_153 : memref<1x!tpu.dma_semaphore, #tpu.memory_space<semaphore_mem>> -> memref<!tpu.dma_semaphore, #tpu.memory_space<semaphore_mem>>
        %dma_start3A_155 = arith.constant 0 : i32
        %dma_start3A_156 = tpu.memref_slice %arg4[%add3A_148, %dma_start3A_155] : memref<32768x1024xf32, #tpu.memory_space<hbm>> -> memref<16x1024xf32, #tpu.memory_space<hbm>>
        tpu.enqueue_dma source(%arg8 : memref<16x1024xf32, #tpu.memory_space<vmem>>) target(%dma_start3A_156 : memref<16x1024xf32, #tpu.memory_space<hbm>>) target_semaphore(%dma_start3A_154 : memref<!tpu.dma_semaphore, #tpu.memory_space<semaphore_mem>>)
      }
    }
    %scan3A_22 = arith.constant 64 : i32
    %rem3A_23 = arith.constant 62 : i32
    %rem3A_24 = arith.constant 4 : i32
    %rem3A_25 = arith.remsi %rem3A_23, %rem3A_24 : i32
    %mul3A_26 = arith.constant 8192 : i32
    %mul3A_27 = arith.muli %rem3A_25, %mul3A_26 : i32
    %add3A_28 = arith.addi %mul3A_27, %mul3A_2 : i32
    %add3A_29 = arith.constant 240 : i32
    %add3A_30 = arith.addi %add3A_28, %add3A_29 : i32
    %rem3A_31 = arith.constant 62 : i32
    %rem3A_32 = arith.constant 2 : i32
    %rem3A_33 = arith.remsi %rem3A_31, %rem3A_32 : i32
    %dma_wait3A = arith.constant 0 : i32
    %dma_wait3A_34 = tpu.memref_slice %arg4[%add3A_30, %dma_wait3A] : memref<32768x1024xf32, #tpu.memory_space<hbm>> -> memref<16x1024xf32, #tpu.memory_space<hbm>>
    %dma_wait3A_35 = tpu.memref_slice %arg11[%rem3A_33] : memref<2x!tpu.dma_semaphore, #tpu.memory_space<semaphore_mem>> -> memref<1x!tpu.dma_semaphore, #tpu.memory_space<semaphore_mem>>
    %dma_wait3A_36 = tpu.memref_squeeze %dma_wait3A_35 : memref<1x!tpu.dma_semaphore, #tpu.memory_space<semaphore_mem>> -> memref<!tpu.dma_semaphore, #tpu.memory_space<semaphore_mem>>
    %dma_wait3A_37 = arith.constant 0 : i32
    %dma_wait3A_38 = tpu.memref_slice %arg4[%add3A_30, %dma_wait3A_37] : memref<32768x1024xf32, #tpu.memory_space<hbm>> -> memref<16x1024xf32, #tpu.memory_space<hbm>>
    tpu.wait_dma2 semaphore(%dma_wait3A_36 : memref<!tpu.dma_semaphore, #tpu.memory_space<semaphore_mem>>) src(%arg7 : memref<16x1024xf32, #tpu.memory_space<vmem>>) dst(%dma_wait3A_38 : memref<16x1024xf32, #tpu.memory_space<hbm>>)
    %rem3A_39 = arith.constant 63 : i32
    %rem3A_40 = arith.constant 4 : i32
    %rem3A_41 = arith.remsi %rem3A_39, %rem3A_40 : i32
    %mul3A_42 = arith.constant 8192 : i32
    %mul3A_43 = arith.muli %rem3A_41, %mul3A_42 : i32
    %add3A_44 = arith.addi %mul3A_43, %mul3A_2 : i32
    %add3A_45 = arith.constant 240 : i32
    %add3A_46 = arith.addi %add3A_44, %add3A_45 : i32
    %rem3A_47 = arith.constant 63 : i32
    %rem3A_48 = arith.constant 2 : i32
    %rem3A_49 = arith.remsi %rem3A_47, %rem3A_48 : i32
    %dma_wait3A_50 = arith.constant 0 : i32
    %dma_wait3A_51 = tpu.memref_slice %arg4[%add3A_46, %dma_wait3A_50] : memref<32768x1024xf32, #tpu.memory_space<hbm>> -> memref<16x1024xf32, #tpu.memory_space<hbm>>
    %dma_wait3A_52 = tpu.memref_slice %arg11[%rem3A_49] : memref<2x!tpu.dma_semaphore, #tpu.memory_space<semaphore_mem>> -> memref<1x!tpu.dma_semaphore, #tpu.memory_space<semaphore_mem>>
    %dma_wait3A_53 = tpu.memref_squeeze %dma_wait3A_52 : memref<1x!tpu.dma_semaphore, #tpu.memory_space<semaphore_mem>> -> memref<!tpu.dma_semaphore, #tpu.memory_space<semaphore_mem>>
    %dma_wait3A_54 = arith.constant 0 : i32
    %dma_wait3A_55 = tpu.memref_slice %arg4[%add3A_46, %dma_wait3A_54] : memref<32768x1024xf32, #tpu.memory_space<hbm>> -> memref<16x1024xf32, #tpu.memory_space<hbm>>
    tpu.wait_dma2 semaphore(%dma_wait3A_53 : memref<!tpu.dma_semaphore, #tpu.memory_space<semaphore_mem>>) src(%arg8 : memref<16x1024xf32, #tpu.memory_space<vmem>>) dst(%dma_wait3A_55 : memref<16x1024xf32, #tpu.memory_space<hbm>>)
    return
  }
}

</mosaic_0001>

<sc_bundles>
// kernel: kernel.3.cloned.1.call-start
scs
__scs_entry_jumppad:
0x0: {  	(pc) =	sbr.rel $0x88, $3  }
0x1: {  	(tag) =	ssettag $0x0;
	lr =	simm.s32 $0x1  }
0x2: {  	[smem:$0x3F9F] =	sst lr;
	_ =	strace $0xD0000000  }
0x3: {  	_ = 	snop  }
0x4: {  	_ = 	snop  }
0x5: {  	_ = 	snop  }
0x6: {  	_ = 	snop  }
0x7: {  	_ = 	snop  }
__scs_overlays_trampoline_lowered:
0x8: {  	[smem:$0x3FAE] =	sst s0  }
0x9: {  	[smem:$0x3FAF] =	sst s1  }
0xa: {  	[smem:$0x3FB0] =	sst s2  }
0xb: {  	[smem:$0x3FB1] =	sst s3  }
0xc: {  	[smem:$0x3FB2] =	sst s4  }
0xd: {  	[smem:$0x3FB3] =	sst s5  }
0xe: {  	[smem:$0x3FB4] =	sst s6  }
0xf: {  	[smem:$0x3FB5] =	sst s7  }
0x10: {  	[smem:$0x3FB6] =	sst s8  }
0x11: {  	[smem:$0x3FB7] =	sst s9;
	s0 =	simm.s32 @!p0 $0x0  }
0x12: {  	s1 =	sld [smem:$0x3F9D];
	s0 =	simm.s32 @p0 $0x1  }
0x13: {  	[smem:$0x3FB8] =	sst s0;
	s0 =	simm.s32 @!p1 $0x0  }
0x14: {  	s2 =	sld [smem:$0x3F9C];
	s0 =	simm.s32 @p1 $0x1  }
0x15: {  	[smem:$0x3FB9] =	sst s0;
	s0 =	simm.s32 @!p2 $0x0  }
0x16: {  	s3 =	sld [smem:$0x3FDB];
	s0 =	simm.s32 @p2 $0x1  }
0x17: {  	s4 =	simm.s32 $0x1BF5;
	[smem:$0x3FBB] =	sst s0  }
0x18: {  	s0 =	sld [smem:$0x3F9E];
	_ =	swait.ge [sflag:s4], $0x0  }
0x19: {  	s7 =	sld [smem:$0x3F9F]  }
0x1a: {  	s8 =	sadd.s32 $0xFFFFE003, lr  }
0x1b: {  	s9 =	sadd.s32 $0xFFFFFEF7, lr;
	s5 =	simm.s32 $0xFFFFFFFF;
	p2 =	slt.u32 s8, $0xFFFFF086  }
0x1c: {  	p1 =	slt.u32 s9, $0xF7A;
	s5 =	simm.s32 @!p2 $0x0  }
0x1d: {  	s5 =	simm.s32 @p1 $0x1;
	p0 =	seq.s32 s7, s2  }
0x1e: {  	s7 =	smul.u32 @!p0 $0xF7A, s2;
	p2 =	seq.s32 @!p0 s5, $0x0  }
0x1f: {  	s9 =	smul.u32 $0xF7A, s1;
	s8 =	simm.s32 @!p0 $0x1BF5;
	p2 =	por !p2, p0  }
0x20: {  	[sflag:s8] =	ssyncset.s32 @!p0 $0xFFFFF086;
	s6 =	sadd.s32 @!p0 s3, s7;
	s7 =	simm.s32 @!p0 $0x108  }
0x21: {  	s3 =	sadd.s32 s3, s9;
	s6 =	sadd.s32 @!p0 $0x88, s6;
	s7 =	simm.s32 @p2 $0x1082  }
0x22: {  	[simem:s7], [sflag:s8] =	dma.local @!p0 [hbm:s6], $0xF7A  }
0x23: {  	s9 =	sor.u32 $0xD0000000, s2;
	s6 =	simm.s32 $0x108;
	_ =	swait.ge @!p0 [sflag:s8], $0x0  }
0x24: {  	s3 =	sadd.s32 $0x88, s3;
	s6 =	simm.s32 @!p1 $0x1082;
	[sflag:s4] =	ssyncset.s32 $0xFFFFF086  }
0x25: {  	[simem:s6], [sflag:s4] =	dma.local [hbm:s3], $0xF7A  }
0x26: {  	[smem:$0x3F9F] =	sst s1;
	(tag) =	ssettag s2;
	_ =	strace s9  }
0x27: {  	s1 =	sld [smem:$0x3FAF]  }
0x28: {  	s2 =	sld [smem:$0x3FB0]  }
0x29: {  	s4 =	sld [smem:$0x3FB2]  }
0x2a: {  	p0 =	seq.s32 s5, $0x0;
	s5 =	sld [smem:$0x3FB3]  }
0x2b: {  	s6 =	sld [smem:$0x3FB4]  }
0x2c: {  	s7 =	sld [smem:$0x3FB5]  }
0x2d: {  	s3 =	simm.s32 $0x108;
	s8 =	sld [smem:$0x3FB6]  }
0x2e: {  	s3 =	simm.s32 @!p0 $0x1082;
	s9 =	sld [smem:$0x3FB7]  }
0x2f: {  	lr =	sadd.s32 s0, s3;
	s0 =	sld [smem:$0x3FAE]  }
0x30: {  	s3 =	sld [smem:$0x3FB1]  }
0x31: {  	[smem:$0x3FBA] =	sst s10  }
0x32: {  	s10 =	sld [smem:$0x3FB8];
	_ =	sdelay $0x3  }
0x33: {  	p0 =	seq.s32 s10, $0x1;
	s10 =	sld [smem:$0x3FBA];
	_ =	sdelay $0x3  }
0x34: {  	[smem:$0x3FBA] =	sst s10  }
0x35: {  	s10 =	sld [smem:$0x3FB9];
	_ =	sdelay $0x3  }
0x36: {  	p1 =	seq.s32 s10, $0x1;
	s10 =	sld [smem:$0x3FBA];
	_ =	sdelay $0x3  }
0x37: {  	[smem:$0x3FBA] =	sst s10  }
0x38: {  	s10 =	sld [smem:$0x3FBB]  }
0x39: {  	_ = 	snop;
	(pc) =	sbr.ind lr, $3  }
0x3a: {  	_ = 	snop  }
0x3b: {  	_ = 	snop  }
0x3c: {  	p2 =	seq.s32 s10, $0x1;
	s10 =	sld [smem:$0x3FBA]  }
0x3d: {  	_ =	shalt  }
0x3e: {  	_ =	shalt  }
0x3f: {  	_ =	shalt  }
0x40: {  	_ =	shalt  }
0x41: {  	_ =	shalt  }
0x42: {  	_ =	shalt  }
0x43: {  	_ =	shalt  }
0x44: {  	_ =	shalt  }
0x45: {  	_ =	shalt  }
0x46: {  	_ =	shalt  }
0x47: {  	_ =	shalt  }
0x48: {  	_ =	shalt  }
0x49: {  	_ =	shalt  }
0x4a: {  	_ =	shalt  }
0x4b: {  	_ =	shalt  }
0x4c: {  	_ =	shalt  }
0x4d: {  	_ =	shalt  }
0x4e: {  	_ =	shalt  }
0x4f: {  	_ =	shalt  }
0x50: {  	_ =	shalt  }
0x51: {  	_ =	shalt  }
0x52: {  	_ =	shalt  }
0x53: {  	_ =	shalt  }
0x54: {  	_ =	shalt  }
0x55: {  	_ =	shalt  }
0x56: {  	_ =	shalt  }
0x57: {  	_ =	shalt  }
0x58: {  	_ =	shalt  }
0x59: {  	_ =	shalt  }
0x5a: {  	_ =	shalt  }
0x5b: {  	_ =	shalt  }
0x5c: {  	_ =	shalt  }
0x5d: {  	_ =	shalt  }
0x5e: {  	_ =	shalt  }
0x5f: {  	_ =	shalt  }
0x60: {  	_ =	shalt  }
0x61: {  	_ =	shalt  }
0x62: {  	_ =	shalt  }
0x63: {  	_ =	shalt  }
0x64: {  	_ =	shalt  }
0x65: {  	_ =	shalt  }
0x66: {  	_ =	shalt  }
0x67: {  	_ =	shalt  }
0x68: {  	_ =	shalt  }
0x69: {  	_ =	shalt  }
0x6a: {  	_ =	shalt  }
0x6b: {  	_ =	shalt  }
0x6c: {  	_ =	shalt  }
0x6d: {  	_ =	shalt  }
0x6e: {  	_ =	shalt  }
0x6f: {  	_ =	shalt  }
0x70: {  	_ =	shalt  }
0x71: {  	_ =	shalt  }
0x72: {  	_ =	shalt  }
0x73: {  	_ =	shalt  }
0x74: {  	_ =	shalt  }
0x75: {  	_ =	shalt  }
0x76: {  	_ =	shalt  }
0x77: {  	_ =	shalt  }
0x78: {  	_ =	shalt  }
0x79: {  	_ =	shalt  }
0x7a: {  	_ =	shalt  }
0x7b: {  	_ =	shalt  }
0x7c: {  	_ =	shalt  }
0x7d: {  	_ =	shalt  }
0x7e: {  	_ =	shalt  }
0x7f: {  	_ =	shalt  }
0x80: {  	_ =	shalt  }
0x81: {  	_ =	shalt  }
0x82: {  	_ =	shalt  }
0x83: {  	_ =	shalt  }
0x84: {  	_ =	shalt  }
0x85: {  	_ =	shalt  }
0x86: {  	_ =	shalt  }
0x87: {  	_ =	shalt  }
.Lfunc_end0:
.L_simem_size_0:
called_computation_lowered:
.L_overlay_start_0:
0x88: {  	s2 =	sld [smem:$0x3FD9]  }
0x89: {  	s3 =	sld [smem:$0x3FFE];
	_ =	sdelay $0x1  }
0x8a: {  	s1 =	srdreg.scid  }
0x8b: {  	s0 =	sand.u32 $0x1, s1  }
0x8c: {  	s18 =	sshll.u32 s0, $0xA;
	s2 =	sadd.s32 s3, s2  }
0x8d: {  	s2 =	sadd.s32 s2, s18  }
0x8e: {  	[smem:$0x3FC6] =	sst s2  }
0x8f: {  	_ = 	snop  }
0x90: {  	s2 =	sld [smem:$0x3FC9]  }
0x91: {  	s19 =	sld [smem:$0x3FC8]  }
0x92: {  	s4 =	sld [smem:$0x3FD0];
	(tm) =	ssettm $0x1  }
0x93: {  	s5 =	sld [smem:$0x3FFB];
	_ =	sdelay $0x3  }
0x94: {  	_ =	strace s5  }
0x95: {  	s5 =	sld [smem:$0x3FFC];
	_ =	sdelay $0x3  }
0x96: {  	_ =	strace s5  }
0x97: {  	s5 =	sld [smem:$0x3FFD];
	_ =	sdelay $0x3  }
0x98: {  	_ =	strace s5  }
0x99: {  	_ =	strace $0x8FFFFFFF  }
0x9a: {  	s20 =	sld [smem:$0x3FDB];
	_ =	sdelay $0x1  }
0x9b: {  	s6 =	simm.s32 $_scs_section_size  }
0x9c: {  	s7 =	simm.s32 $_size__tile_overlayer_lowered;
	s8 =	simm.s32 $_tile_overlayer_lowered  }
0x9d: {  	s23 =	simm.s32 $0x1BFF;
	s22 =	sshll.u32 s8, $0x1;
	s5 =	sadd.s32 s6, s20  }
0x9e: {  	s9 =	simm.s32 $0x0;
	s21 =	sshll.u32 s7, $0x1;
	s7 =	sadd.s32 s22, s5  }
0x9f: {  	[timem:s9], [sflag:s23] =	dma.local [hbm:s7], s21  }
0xa0: {  	_ =	swait.ge [sflag:s23], s21  }
0xa1: {  	s6 =	ssub.s32 $0x0, s21;
	[sflag:s23] =	ssyncset.done $0x0  }
0xa2: {  	[sflag:s23] =	ssyncadd.s32 s6;
	_ =	sdelay $0x1  }
0xa3: {  	s24 =	simm.s32 $0x1B8B  }
0xa4: {  	_ =	swait.ge [sflag:s24], $0x1  }
0xa5: {  	[sflag:s24] =	ssyncset.done $0x0  }
0xa6: {  	s25 =	simm.s32 $0x1B8E;
	[sflag:s24] =	ssyncadd.s32 $0xFFFFFFFF  }
0xa7: {  	s26 =	simm.s32 $execute0_lowered;
	[smem:$0x3FD2] =	sst s25  }
0xa8: {  	s6 =	sshll.u32 s26, $0x1;
	_ =	strace $0x80000046;
	[dreg:$0x1] =	wrdreg $0xFFFFFFFF  }
0xa9: {  	s28 =	simm.s32 $_size_execute0_lowered;
	s5 =	sadd.s32 s5, s6;
	[dreg:$0x0] =	wrdreg $0x0  }
0xaa: {  	s6 =	sshll.u32 s28, $0x1;
	[dreg:$0x2] =	wrdreg s5  }
0xab: {  	[dreg:$0x3] =	wrdreg s6  }
0xac: {  	[dreg:$0x4] =	wrdreg $0xC0  }
0xad: {  	_ =	task [dreg:s9], $0x5FFFF  }
0xae: {  	[dreg:$0x1] =	wrdreg $0xFFFFFFFF  }
0xaf: {  	[dreg:$0x0] =	wrdreg $0x60  }
0xb0: {  	[dreg:$0x2] =	wrdreg s2  }
0xb1: {  	[dreg:$0x3] =	wrdreg s19  }
0xb2: {  	[dreg:$0x4] =	wrdreg s4  }
0xb3: {  	[dreg:$0x5] =	wrdreg $0x9  }
0xb4: {  	_ =	task.clear_ibuf [dreg:s9], $0x6FFFF;
	_ =	strace $0x90000046  }
0xb5: {  	s29 =	simm.s32 $0x9;
	_ =	strace $0x80000048  }
0xb6: {  	_ =	swait.ge [sflag:s29], $0x1  }
0xb7: {  	[sflag:s29] =	ssyncadd.s32 $0xFFFFFFFF  }
0xb8: {  	_ =	strace $0x90000048  }
0xb9: {  	_ =	sfence  }
0xba: {  	s30 =	sld [smem:$0x0];
	_ =	sdelay $0x2  }
0xbb: {  	s31 =	sshll.u32 s1, $0xD;
	s1 =	sshrl.u32 s1, $0x2  }
0xbc: {  	s3 =	sand.u32 $0x4000, s31;
	s1 =	sadd.s32 s1, s30  }
0xbd: {  	s0 =	sor.u32 s3, s0;
	s1 =	sshll.u32 s1, $0x11  }
0xbe: {  	s0 =	sor.u32 s1, s0  }
0xbf: {  	s0 =	sadd.s32 $0x8F2B, s0  }
0xc0: {  	[sflag:s0] =	ssyncadd.remote.s32 $0x1  }
0xc1: {  	_ =	sfence.sel $0xFFFF  }
0xc2: {  	[dreg:$0x0] =	wrdreg $0xFFFFFFFF;
	(pc) =	sbr.abs _section_cstart, $3  }
0xc3: {  	[dreg:$0x1] =	wrdreg $0xFFFFFFFF  }
0xc4: {  	_ =	task.clear_ibuf [dreg:s9], $0x2FFFF;
	_ =	strace $0x9FFFFFFF  }
0xc5: {  	(tm) =	ssettm $0x7FFFFFFF  }
tec
execute0_lowered:
.L_overlay_start_1:
0x0: {  	(tag) =	ssettag $0x1  }
0x1: {  	s3 =	rddreg [dreg:$0x0]  }
0x2: {  	s4 =	rddreg [dreg:$0x1]  }
0x3: {  	s5 =	rddreg [dreg:$0x2]  }
0x4: {  	s0 =	rddreg [dreg:$0x3];
	s6 =	srdreg.scid;
	s2 =	simm.s32 $0x0  }
0x5: {  	s1 =	stileid.u32;
	s10 =	simm.s32 $0x8000;
	s11 =	simm.s32 $0x3  }
0x6: {  	s12 =	simm.s32 $0x4;
	s13 =	simm.s32 $0x2;
	s14 =	simm.s32 $0xC000  }
0x7: {  	s15 =	simm.s32 $0x0;
	s6 =	sand.u32 $0x1, s6;
	s8 =	sshll.u32 s1, $0xF  }
.Ltmp0:
0x8: {  	[smem:$0x7FF] =	sst s2;
	s7 =	ssub.s32 $0x2, s6;
	(pc) =	sbr.rel .LBB2_1-.Ltmp0, $4  }
0x9: {  	s6 =	sshll.u32 s6, $0x13;
	_ =	strace $0x80000047;
	s9 =	sshrl.u32 s7, $0x1  }
0xa: {  	s6 =	sor.u32 s8, s6;
	s8 =	simm.s32 $0x1;
	s7 =	ssub.s32 s7, s9  }
0xb: {  	s3 =	sadd.s32 s3, s6;
	s4 =	sadd.s32 s4, s6;
	s5 =	sadd.s32 s5, s6  }
0xc: {  	s9 =	simm.s32 $0x4000;
	s6 =	sadd.s32 $0x100000, s3;
	s7 =	smax.u32 s7, $0x1  }
.LBB2_10:
0xd: {  	s15 =	sadd.s32 $0x1, s15  }
0xe: {  	_ =	swait.ge [sflag:s11], $0x4000;
	p0 =	sne.s32 s15, s7  }
.Ltmp1:
0xf: {  	[sflag:s11] =	ssyncset.done $0x0;
	(pc) =	sbr.rel @!p0 .LBB2_11-.Ltmp1, $4  }
0x10: {  	[sflag:s11] =	ssyncadd.s32 $0xFFFFC000  }
0x11: {  	_ =	swait.ge [sflag:s12], $0x4000  }
0x12: {  	[sflag:s12] =	ssyncset.done $0x0  }
0x13: {  	[sflag:s12] =	ssyncadd.s32 $0xFFFFC000  }
.LBB2_1:
.Ltmp2:
0x14: {  	(pc) =	sbr.rel .LBB2_2-.Ltmp2, $3  }
0x15: {  	_ =	sdelay $0x1  }
0x16: {  	[tilespmem:s2], [sflag:$0x1] =	stream.linear.gather [hbm4b:s3+s2], $0x4000, $0x38;
	[tilespmem:$0x14000] =	vst v63  }
0x17: {  	s16 =	simm.s32 $0x0  }
.LBB2_8:
0x18: {  	s17 =	sshll.u32 s17, $0x14  }
0x19: {  	s17 =	sadd.s32 s17, s5  }
0x1a: {  	s17 =	sadd.s32 s18, s17  }
0x1b: {  	[hbm4b:s17+s2] =	stream.linear.scatter [tilespmem:s14], [sflag:$0x4], $0x4000, $0x38;
	[tilespmem:$0x14000] =	vst v63  }
.LBB2_9:
0x1c: {  	s16 =	sadd.s32 $0x1, s16  }
0x1d: {  	p0 =	sne.s32 s16, $0x40  }
.Ltmp3:
0x1e: {  	_ = 	snop;
	(pc) =	sbr.rel @!p0 .LBB2_10-.Ltmp3, $1  }
0x1f: {  	_ =	sdelay $0x3  }
.LBB2_2:
0x20: {  	s17 =	sand.u32 $0x3, s16  }
0x21: {  	s30 =	sand.u32 $0x1, s16;
	p0 =	sne.s32 s17, $0x0  }
0x22: {  	p1 =	sne.s32 s30, $0x0;
	s18 =	sshll.u32 @!p0 s16, $0x9  }
0x23: {  	s19 =	simm.s32 @!p0 $0x0;
	s20 =	simm.s32 @!p0 $0x10000;
	s18 =	sadd.s32 @!p0 s18, s4  }
0x24: {  	[tilespmem:s20], [sflag:$0x5] =	stream.linear.gather @!p0 [hbm4b:s18+s19], $0x4000, $0x38;
	[tilespmem:$0x14000] =	vst v63  }
.Ltmp4:
0x25: {  	_ = 	snop;
	(pc) =	sbr.rel @p1 .LBB2_6-.Ltmp4, $4  }
0x26: {  	s18 =	simm.s32 @!p0 $0x5  }
0x27: {  	_ =	swait.ge @!p0 [sflag:s18], $0x4000  }
0x28: {  	s31 =	sshll.u32 s16, $0x9;
	[sflag:s18] =	ssyncset.done @!p0 $0x0  }
0x29: {  	[sflag:s18] =	ssyncadd.s32 @!p0 $0xFFFFC000;
	s18 =	sand.u32 $0x7800, s31  }
0x2a: {  	s19 =	sshll.u32 s16, $0x14  }
0x2b: {  	_ =	swait.ge [sflag:s8], $0x4000;
	s19 =	sand.u32 $0x200000, s19  }
0x2c: {  	[sflag:s8] =	ssyncset.done $0x0;
	s19 =	sadd.s32 s19, s6  }
0x2d: {  	p0 =	slt.u32 s16, $0x2;
	[sflag:s8] =	ssyncadd.s32 $0xFFFFC000;
	s19 =	sadd.s32 s18, s19  }
0x2e: {  	[tilespmem:s9], [sflag:$0x2] =	stream.linear.gather [hbm4b:s19+s2], $0x4000, $0x38;
	[tilespmem:$0x14000] =	vst v63  }
0x2f: {  	s19 =	simm.s32 @!p0 $0x3  }
0x30: {  	_ =	swait.ge @!p0 [sflag:s19], $0x4000  }
0x31: {  	s20 =	simm.s32 $0xFFFFC000;
	s21 =	simm.s32 $0x0;
	[sflag:s19] =	ssyncset.done @!p0 $0x0  }
0x32: {  	s22 =	simm.s32 $0x0;
	[sflag:s19] =	ssyncadd.s32 @!p0 $0xFFFFC000;
	s19 =	simm.s32 $0x0  }
.LBB2_4:
0x33: {  	s23 =	sadd.s32 $0x4000, s20  }
0x34: {  	s24 =	sand.u32 $0x380, s22;
	s23 =	sand.u32 $0x2000, s23  }
0x35: {  	s23 =	sor.u32 s24, s23  }
0x36: {  	v0 =	vld [tilespmem:s23+$0x0]  }
0x37: {  	v1 =	vld [tilespmem:s23+$0x10000]  }
0x38: {  	v2 =	vld [tilespmem:s23+$0x10]  }
0x39: {  	v3 =	vld [tilespmem:s23+$0x10010]  }
0x3a: {  	v4 =	vld [tilespmem:s23+$0x20]  }
0x3b: {  	v5 =	vld [tilespmem:s23+$0x10020]  }
0x3c: {  	v6 =	vld [tilespmem:s23+$0x30]  }
0x3d: {  	v7 =	vld [tilespmem:s23+$0x10030]  }
0x3e: {  	v8 =	vld [tilespmem:s23+$0x40]  }
0x3f: {  	v9 =	vld [tilespmem:s23+$0x10040]  }
0x40: {  	v10 =	vld [tilespmem:s23+$0x50]  }
0x41: {  	v11 =	vld [tilespmem:s23+$0x10050]  }
0x42: {  	v12 =	vld [tilespmem:s23+$0x60]  }
0x43: {  	v13 =	vld [tilespmem:s23+$0x10060]  }
0x44: {  	v14 =	vld [tilespmem:s23+$0x70]  }
0x45: {  	v15 =	vld [tilespmem:s23+$0x10070]  }
0x46: {  	v16 =	vld [tilespmem:s23+$0x400]  }
0x47: {  	v17 =	vld [tilespmem:s23+$0x10400]  }
0x48: {  	v18 =	vld [tilespmem:s23+$0x410]  }
0x49: {  	v19 =	vld [tilespmem:s23+$0x10410]  }
0x4a: {  	v20 =	vld [tilespmem:s23+$0x420]  }
0x4b: {  	v21 =	vld [tilespmem:s23+$0x10420]  }
0x4c: {  	v22 =	vld [tilespmem:s23+$0x430]  }
0x4d: {  	v23 =	vld [tilespmem:s23+$0x10430]  }
0x4e: {  	v24 =	vld [tilespmem:s23+$0x440]  }
0x4f: {  	v25 =	vld [tilespmem:s23+$0x10440]  }
0x50: {  	v26 =	vld [tilespmem:s23+$0x450]  }
0x51: {  	v27 =	vld [tilespmem:s23+$0x10450]  }
0x52: {  	v28 =	vld [tilespmem:s23+$0x460]  }
0x53: {  	v29 =	vld [tilespmem:s23+$0x10460]  }
0x54: {  	v30 =	vld [tilespmem:s23+$0x470]  }
0x55: {  	v31 =	vld [tilespmem:s23+$0x10470]  }
0x56: {  	v32 =	vld [tilespmem:s23+$0x800]  }
0x57: {  	v33 =	vld [tilespmem:s23+$0x10800]  }
0x58: {  	v34 =	vld [tilespmem:s23+$0x810]  }
0x59: {  	v35 =	vld [tilespmem:s23+$0x10810]  }
0x5a: {  	v36 =	vld [tilespmem:s23+$0x820]  }
0x5b: {  	v37 =	vld [tilespmem:s23+$0x10820]  }
0x5c: {  	v38 =	vld [tilespmem:s23+$0x830]  }
0x5d: {  	v39 =	vld [tilespmem:s23+$0x10830]  }
0x5e: {  	v40 =	vld [tilespmem:s23+$0x840]  }
0x5f: {  	v41 =	vld [tilespmem:s23+$0x10840]  }
0x60: {  	v42 =	vld [tilespmem:s23+$0x850]  }
0x61: {  	v43 =	vld [tilespmem:s23+$0x10850]  }
0x62: {  	v44 =	vld [tilespmem:s23+$0x860]  }
0x63: {  	v45 =	vld [tilespmem:s23+$0x10860]  }
0x64: {  	v46 =	vld [tilespmem:s23+$0x870]  }
0x65: {  	v47 =	vld [tilespmem:s23+$0x10870]  }
0x66: {  	v48 =	vld [tilespmem:s23+$0xC00]  }
0x67: {  	v49 =	vld [tilespmem:s23+$0x10C00]  }
0x68: {  	v50 =	vld [tilespmem:s23+$0xC10]  }
0x69: {  	v51 =	vld [tilespmem:s23+$0x10C10]  }
0x6a: {  	v52 =	vld [tilespmem:s23+$0xC20]  }
0x6b: {  	v53 =	vld [tilespmem:s23+$0x10C20]  }
0x6c: {  	v54 =	vld [tilespmem:s23+$0xC30]  }
0x6d: {  	v55 =	vld [tilespmem:s23+$0x10C30]  }
0x6e: {  	v56 =	vld [tilespmem:s23+$0xC40]  }
0x6f: {  	v57 =	vld [tilespmem:s23+$0x10C40]  }
0x70: {  	v58 =	vld [tilespmem:s23+$0xC50]  }
0x71: {  	v59 =	vld [tilespmem:s23+$0x10C50]  }
0x72: {  	v60 =	vld [tilespmem:s23+$0xC60]  }
0x73: {  	v0 =	vadd.f32 v1, v0;
	v1 =	vld [tilespmem:s23+$0x10C60]  }
0x74: {  	v2 =	vadd.f32 v3, v2;
	v3 =	vld [tilespmem:s23+$0xC70]  }
0x75: {  	v63 =	vadd.f32 v5, v4;
	v4 =	vld [tilespmem:s23+$0x10C70];
	[tilespmem:s23+$0x8000] =	vst v0  }
0x76: {  	v61 =	vadd.f32 v7, v6;
	v5 =	vld [tilespmem:s23+$0x1000];
	[tilespmem:s23+$0x8010] =	vst v2  }
0x77: {  	v62 =	vadd.f32 v9, v8;
	v6 =	vld [tilespmem:s23+$0x11000];
	[tilespmem:s23+$0x8020] =	vst v63  }
0x78: {  	v7 =	vld [tilespmem:s23+$0x1010];
	v13 =	vadd.f32 v13, v12;
	[tilespmem:s23+$0x8030] =	vst v61  }
0x79: {  	v8 =	vld [tilespmem:s23+$0x11010];
	v15 =	vadd.f32 v15, v14;
	[tilespmem:s23+$0x8040] =	vst v62  }
0x7a: {  	v9 =	vld [tilespmem:s23+$0x1020];
	v17 =	vadd.f32 v17, v16;
	[tilespmem:s23+$0x8060] =	vst v13  }
0x7b: {  	v19 =	vadd.f32 v19, v18;
	v12 =	vld [tilespmem:s23+$0x11030];
	[tilespmem:s23+$0x8070] =	vst v15  }
0x7c: {  	v21 =	vadd.f32 v21, v20;
	v14 =	vld [tilespmem:s23+$0x11040];
	[tilespmem:s23+$0x8400] =	vst v17  }
0x7d: {  	v23 =	vadd.f32 v23, v22;
	v16 =	vld [tilespmem:s23+$0x11050];
	[tilespmem:s23+$0x8410] =	vst v19  }
0x7e: {  	v25 =	vadd.f32 v25, v24;
	v20 =	vld [tilespmem:s23+$0x11070];
	[tilespmem:s23+$0x8420] =	vst v21  }
0x7f: {  	v27 =	vadd.f32 v27, v26;
	v22 =	vld [tilespmem:s23+$0x11400];
	[tilespmem:s23+$0x8430] =	vst v23  }
0x80: {  	v29 =	vadd.f32 v29, v28;
	v24 =	vld [tilespmem:s23+$0x11410];
	[tilespmem:s23+$0x8440] =	vst v25  }
0x81: {  	v28 =	vadd.f32 v37, v36;
	v37 =	vld [tilespmem:s23+$0x1430];
	[tilespmem:s23+$0x8450] =	vst v27  }
0x82: {  	v36 =	vadd.f32 v51, v50;
	v51 =	vld [tilespmem:s23+$0x11460];
	[tilespmem:s23+$0x8460] =	vst v29  }
0x83: {  	v63 =	vadd.f32 v11, v10;
	v10 =	vld [tilespmem:s23+$0x11020];
	[tilespmem:s23+$0x8820] =	vst v28  }
0x84: {  	v11 =	vld [tilespmem:s23+$0x1030];
	v61 =	vadd.f32 v31, v30;
	[tilespmem:s23+$0x8C10] =	vst v36  }
0x85: {  	v13 =	vld [tilespmem:s23+$0x1040];
	v62 =	vadd.f32 v33, v32;
	[tilespmem:s23+$0x8050] =	vst v63  }
0x86: {  	v15 =	vld [tilespmem:s23+$0x1050];
	v27 =	vadd.f32 v35, v34;
	[tilespmem:s23+$0x8470] =	vst v61  }
0x87: {  	v17 =	vld [tilespmem:s23+$0x1060];
	v29 =	vadd.f32 v39, v38;
	[tilespmem:s23+$0x8800] =	vst v62  }
0x88: {  	v19 =	vld [tilespmem:s23+$0x1070];
	v30 =	vadd.f32 v41, v40;
	[tilespmem:s23+$0x8810] =	vst v27  }
0x89: {  	v21 =	vld [tilespmem:s23+$0x1400];
	v31 =	vadd.f32 v43, v42;
	[tilespmem:s23+$0x8830] =	vst v29  }
0x8a: {  	v23 =	vld [tilespmem:s23+$0x1410];
	v32 =	vadd.f32 v45, v44;
	[tilespmem:s23+$0x8840] =	vst v30  }
0x8b: {  	v33 =	vadd.f32 v47, v46;
	v25 =	vld [tilespmem:s23+$0x1420];
	[tilespmem:s23+$0x8850] =	vst v31  }
0x8c: {  	v34 =	vadd.f32 v49, v48;
	v35 =	vld [tilespmem:s23+$0x11420];
	[tilespmem:s23+$0x8860] =	vst v32  }
0x8d: {  	v38 =	vadd.f32 v53, v52;
	v39 =	vld [tilespmem:s23+$0x11430];
	[tilespmem:s23+$0x8870] =	vst v33  }
0x8e: {  	v40 =	vadd.f32 v55, v54;
	v41 =	vld [tilespmem:s23+$0x1440];
	[tilespmem:s23+$0x8C00] =	vst v34  }
0x8f: {  	v42 =	vadd.f32 v57, v56;
	v43 =	vld [tilespmem:s23+$0x11440];
	[tilespmem:s23+$0x8C20] =	vst v38  }
0x90: {  	v44 =	vadd.f32 v59, v58;
	v45 =	vld [tilespmem:s23+$0x1450];
	[tilespmem:s23+$0x8C30] =	vst v40  }
0x91: {  	v47 =	vld [tilespmem:s23+$0x11450];
	[tilespmem:s23+$0x8C40] =	vst v42;
	v46 =	vadd.f32 v1, v60  }
0x92: {  	v49 =	vld [tilespmem:s23+$0x1460];
	[tilespmem:s23+$0x8C50] =	vst v44;
	v48 =	vadd.f32 v4, v3  }
0x93: {  	v53 =	vld [tilespmem:s23+$0x1470];
	v50 =	vadd.f32 v6, v5;
	[tilespmem:s23+$0x8C60] =	vst v46  }
0x94: {  	v55 =	vld [tilespmem:s23+$0x11470];
	v52 =	vadd.f32 v8, v7;
	[tilespmem:s23+$0x8C70] =	vst v48  }
0x95: {  	v57 =	vld [tilespmem:s23+$0x1800];
	[tilespmem:s23+$0x9000] =	vst v50;
	v54 =	vadd.f32 v10, v9  }
0x96: {  	v59 =	vld [tilespmem:s23+$0x11800];
	[tilespmem:s23+$0x9010] =	vst v52;
	v56 =	vadd.f32 v12, v11  }
0x97: {  	v36 =	vld [tilespmem:s23+$0x11830];
	v58 =	vadd.f32 v14, v13;
	[tilespmem:s23+$0x9020] =	vst v54  }
0x98: {  	v63 =	vld [tilespmem:s23+$0x11060];
	v60 =	vadd.f32 v16, v15;
	[tilespmem:s23+$0x9030] =	vst v56  }
0x99: {  	v61 =	vld [tilespmem:s23+$0x1810];
	v19 =	vadd.f32 v20, v19;
	[tilespmem:s23+$0x9040] =	vst v58  }
0x9a: {  	v32 =	vld [tilespmem:s23+$0x11820];
	v22 =	vadd.f32 v22, v21;
	[tilespmem:s23+$0x9050] =	vst v60  }
0x9b: {  	v34 =	vld [tilespmem:s23+$0x1830];
	v33 =	vadd.f32 v24, v23;
	[tilespmem:s23+$0x9070] =	vst v19  }
0x9c: {  	v38 =	vld [tilespmem:s23+$0x1840];
	v35 =	vadd.f32 v35, v25;
	[tilespmem:s23+$0x9400] =	vst v22  }
0x9d: {  	v40 =	vld [tilespmem:s23+$0x11840];
	v37 =	vadd.f32 v39, v37;
	[tilespmem:s23+$0x9410] =	vst v33  }
0x9e: {  	v20 =	vld [tilespmem:s23+$0x1820];
	v39 =	vadd.f32 v43, v41;
	[tilespmem:s23+$0x9420] =	vst v35  }
0x9f: {  	v1 =	vadd.f32 v47, v45;
	v41 =	vld [tilespmem:s23+$0x1850];
	[tilespmem:s23+$0x9430] =	vst v37  }
0xa0: {  	v42 =	vadd.f32 v51, v49;
	v43 =	vld [tilespmem:s23+$0x11850];
	[tilespmem:s23+$0x9440] =	vst v39  }
0xa1: {  	v44 =	vadd.f32 v55, v53;
	v45 =	vld [tilespmem:s23+$0x1860];
	[tilespmem:s23+$0x9450] =	vst v1  }
0xa2: {  	v46 =	vadd.f32 v59, v57;
	v47 =	vld [tilespmem:s23+$0x11860];
	[tilespmem:s23+$0x9460] =	vst v42  }
0xa3: {  	v49 =	vld [tilespmem:s23+$0x1870];
	v62 =	vadd.f32 v63, v17;
	[tilespmem:s23+$0x9470] =	vst v44  }
0xa4: {  	v51 =	vld [tilespmem:s23+$0x11870];
	[tilespmem:s23+$0x9800] =	vst v46;
	v52 =	vadd.f32 v36, v34  }
0xa5: {  	v63 =	vld [tilespmem:s23+$0x11810];
	v53 =	vadd.f32 v40, v38;
	[tilespmem:s23+$0x9060] =	vst v62  }
0xa6: {  	[tilespmem:s23+$0x9830] =	vst v52;
	v50 =	vadd.f32 v32, v20  }
0xa7: {  	[tilespmem:s23+$0x9840] =	vst v53;
	v54 =	vadd.f32 v43, v41  }
0xa8: {  	v55 =	vadd.f32 v47, v45;
	[tilespmem:s23+$0x9820] =	vst v50  }
0xa9: {  	s29 =	sand.u32 $0x7, s19;
	v56 =	vadd.f32 v51, v49;
	[tilespmem:s23+$0x9850] =	vst v54  }
0xaa: {  	s24 =	sshll.u32 s29, $0x7;
	v48 =	vadd.f32 v63, v61;
	[tilespmem:s23+$0x9860] =	vst v55  }
0xab: {  	s24 =	sadd.s32 s24, s21;
	[tilespmem:s23+$0x9870] =	vst v56  }
0xac: {  	s30 =	sor.u32 $0x1C00, s24;
	[tilespmem:s23+$0x9810] =	vst v48  }
0xad: {  	v0 =	vld [tilespmem:s30+$0x0]  }
0xae: {  	v1 =	vld [tilespmem:s30+$0x10000];
	_ =	sdelay $0x4  }
0xaf: {  	v0 =	vadd.f32 v1, v0;
	_ =	sdelay $0x1  }
0xb0: {  	s31 =	sor.u32 $0x1C10, s24;
	[tilespmem:s30+$0x8000] =	vst v0  }
0xb1: {  	v0 =	vld [tilespmem:s31+$0x0]  }
0xb2: {  	v57 =	vld [tilespmem:s31+$0x10000];
	_ =	sdelay $0x4  }
0xb3: {  	v0 =	vadd.f32 v57, v0;
	_ =	sdelay $0x1  }
0xb4: {  	s25 =	sor.u32 $0x1C20, s24;
	[tilespmem:s31+$0x8000] =	vst v0  }
0xb5: {  	v0 =	vld [tilespmem:s25+$0x0]  }
0xb6: {  	v58 =	vld [tilespmem:s25+$0x10000];
	_ =	sdelay $0x4  }
0xb7: {  	v0 =	vadd.f32 v58, v0;
	_ =	sdelay $0x1  }
0xb8: {  	s26 =	sor.u32 $0x1C30, s24;
	[tilespmem:s25+$0x8000] =	vst v0  }
0xb9: {  	v0 =	vld [tilespmem:s26+$0x0]  }
0xba: {  	v59 =	vld [tilespmem:s26+$0x10000];
	_ =	sdelay $0x4  }
0xbb: {  	v0 =	vadd.f32 v59, v0;
	_ =	sdelay $0x1  }
0xbc: {  	s28 =	sor.u32 $0x1C40, s24;
	[tilespmem:s26+$0x8000] =	vst v0  }
0xbd: {  	v0 =	vld [tilespmem:s28+$0x0]  }
0xbe: {  	v60 =	vld [tilespmem:s28+$0x10000];
	_ =	sdelay $0x4  }
0xbf: {  	v0 =	vadd.f32 v60, v0;
	_ =	sdelay $0x1  }
0xc0: {  	s29 =	sor.u32 $0x1C50, s24;
	[tilespmem:s28+$0x8000] =	vst v0  }
0xc1: {  	v0 =	vld [tilespmem:s29+$0x0]  }
0xc2: {  	v61 =	vld [tilespmem:s29+$0x10000];
	_ =	sdelay $0x4  }
0xc3: {  	v0 =	vadd.f32 v61, v0;
	_ =	sdelay $0x1  }
0xc4: {  	s30 =	sor.u32 $0x1C60, s24;
	[tilespmem:s29+$0x8000] =	vst v0  }
0xc5: {  	v0 =	vld [tilespmem:s30+$0x0]  }
0xc6: {  	v62 =	vld [tilespmem:s30+$0x10000];
	_ =	sdelay $0x4  }
0xc7: {  	v0 =	vadd.f32 v62, v0;
	_ =	sdelay $0x1  }
0xc8: {  	s31 =	sor.u32 $0x1C70, s24;
	[tilespmem:s30+$0x8000] =	vst v0  }
0xc9: {  	v0 =	vld [tilespmem:s31+$0x0]  }
0xca: {  	v63 =	vld [tilespmem:s31+$0x10000];
	_ =	sdelay $0x1  }
0xcb: {  	p0 =	sne.s32 s22, $0x780  }
.Ltmp5:
0xcc: {  	_ = 	snop;
	(pc) =	sbr.rel @p0 .LBB2_4-.Ltmp5, $4  }
0xcd: {  	_ = 	snop  }
0xce: {  	v0 =	vadd.f32 v63, v0  }
0xcf: {  	s19 =	sadd.s32 $0x1, s19  }
0xd0: {  	s20 =	sadd.s32 $0x400, s20;
	s22 =	sadd.s32 $0x80, s22;
	s21 =	sadd.s32 $0x400, s21;
	[tilespmem:s31+$0x8000] =	vst v0  }
.Ltmp6:
0xd1: {  	(pc) =	sbr.rel .LBB2_9-.Ltmp6, $4  }
0xd2: {  	s17 =	sshll.u32 s17, $0x14  }
0xd3: {  	s17 =	sadd.s32 s17, s5  }
0xd4: {  	s17 =	sadd.s32 s18, s17  }
0xd5: {  	[hbm4b:s17+s2] =	stream.linear.scatter [tilespmem:s10], [sflag:$0x3], $0x4000, $0x38;
	[tilespmem:$0x14000] =	vst v63  }
.LBB2_6:
0xd6: {  	p0 =	seq.s32 s16, $0x3F  }
0xd7: {  	s19 =	sadd.s32 @!p0 $0x1, s16  }
0xd8: {  	_ =	swait.ge [sflag:s13], $0x4000;
	s20 =	sshll.u32 @!p0 s19, $0x14  }
0xd9: {  	[sflag:s13] =	ssyncset.done $0x0;
	s19 =	sshll.u32 @!p0 s19, $0x9;
	s20 =	sand.u32 @!p0 $0x200000, s20  }
0xda: {  	p1 =	slt.u32 @!p0 s16, $0x2;
	s19 =	sand.u32 @!p0 $0xF800, s19;
	s20 =	sadd.s32 @!p0 s20, s3  }
0xdb: {  	[sflag:s13] =	ssyncadd.s32 $0xFFFFC000;
	s19 =	sadd.s32 @!p0 s19, s20;
	s20 =	simm.s32 @!p0 $0x0  }
0xdc: {  	[tilespmem:s20], [sflag:$0x1] =	stream.linear.gather @!p0 [hbm4b:s19+s20], $0x4000, $0x38;
	[tilespmem:$0x14000] =	vst v63  }
0xdd: {  	p0 =	por p0, !p1  }
0xde: {  	_ =	swait.ge @p0 [sflag:s12], $0x4000  }
0xdf: {  	s21 =	simm.s32 $0x0;
	s22 =	simm.s32 $0x0;
	[sflag:s12] =	ssyncset.done @p0 $0x0  }
0xe0: {  	s19 =	simm.s32 $0x0;
	s20 =	simm.s32 $0xFFFFC000;
	[sflag:s12] =	ssyncadd.s32 @p0 $0xFFFFC000  }
.LBB2_7:
0xe1: {  	s23 =	sadd.s32 $0x4000, s20  }
0xe2: {  	s24 =	sand.u32 $0x380, s22;
	s23 =	sand.u32 $0x2000, s23  }
0xe3: {  	s23 =	sor.u32 s24, s23  }
0xe4: {  	v0 =	vld [tilespmem:s23+$0x4000]  }
0xe5: {  	v1 =	vld [tilespmem:s23+$0x10000]  }
0xe6: {  	v2 =	vld [tilespmem:s23+$0x4010]  }
0xe7: {  	v3 =	vld [tilespmem:s23+$0x10010]  }
0xe8: {  	v4 =	vld [tilespmem:s23+$0x4020]  }
0xe9: {  	v5 =	vld [tilespmem:s23+$0x10020]  }
0xea: {  	v6 =	vld [tilespmem:s23+$0x4030]  }
0xeb: {  	v7 =	vld [tilespmem:s23+$0x10030]  }
0xec: {  	v8 =	vld [tilespmem:s23+$0x4040]  }
0xed: {  	v9 =	vld [tilespmem:s23+$0x10040]  }
0xee: {  	v10 =	vld [tilespmem:s23+$0x4050]  }
0xef: {  	v11 =	vld [tilespmem:s23+$0x10050]  }
0xf0: {  	v12 =	vld [tilespmem:s23+$0x4060]  }
0xf1: {  	v13 =	vld [tilespmem:s23+$0x10060]  }
0xf2: {  	v14 =	vld [tilespmem:s23+$0x4070]  }
0xf3: {  	v15 =	vld [tilespmem:s23+$0x10070]  }
0xf4: {  	v16 =	vld [tilespmem:s23+$0x4400]  }
0xf5: {  	v17 =	vld [tilespmem:s23+$0x10400]  }
0xf6: {  	v18 =	vld [tilespmem:s23+$0x4410]  }
0xf7: {  	v19 =	vld [tilespmem:s23+$0x10410]  }
0xf8: {  	v20 =	vld [tilespmem:s23+$0x4420]  }
0xf9: {  	v21 =	vld [tilespmem:s23+$0x10420]  }
0xfa: {  	v22 =	vld [tilespmem:s23+$0x4430]  }
0xfb: {  	v23 =	vld [tilespmem:s23+$0x10430]  }
0xfc: {  	v24 =	vld [tilespmem:s23+$0x4440]  }
0xfd: {  	v25 =	vld [tilespmem:s23+$0x10440]  }
0xfe: {  	v26 =	vld [tilespmem:s23+$0x4450]  }
0xff: {  	v27 =	vld [tilespmem:s23+$0x10450]  }
0x100: {  	v28 =	vld [tilespmem:s23+$0x4460]  }
0x101: {  	v29 =	vld [tilespmem:s23+$0x10460]  }
0x102: {  	v30 =	vld [tilespmem:s23+$0x4470]  }
0x103: {  	v31 =	vld [tilespmem:s23+$0x10470]  }
0x104: {  	v32 =	vld [tilespmem:s23+$0x4800]  }
0x105: {  	v33 =	vld [tilespmem:s23+$0x10800]  }
0x106: {  	v34 =	vld [tilespmem:s23+$0x4810]  }
0x107: {  	v35 =	vld [tilespmem:s23+$0x10810]  }
0x108: {  	v36 =	vld [tilespmem:s23+$0x4820]  }
0x109: {  	v37 =	vld [tilespmem:s23+$0x10820]  }
0x10a: {  	v38 =	vld [tilespmem:s23+$0x4830]  }
0x10b: {  	v39 =	vld [tilespmem:s23+$0x10830]  }
0x10c: {  	v40 =	vld [tilespmem:s23+$0x4840]  }
0x10d: {  	v41 =	vld [tilespmem:s23+$0x10840]  }
0x10e: {  	v42 =	vld [tilespmem:s23+$0x4850]  }
0x10f: {  	v43 =	vld [tilespmem:s23+$0x10850]  }
0x110: {  	v44 =	vld [tilespmem:s23+$0x4860]  }
0x111: {  	v45 =	vld [tilespmem:s23+$0x10860]  }
0x112: {  	v46 =	vld [tilespmem:s23+$0x4870]  }
0x113: {  	v47 =	vld [tilespmem:s23+$0x10870]  }
0x114: {  	v48 =	vld [tilespmem:s23+$0x4C00]  }
0x115: {  	v49 =	vld [tilespmem:s23+$0x10C00]  }
0x116: {  	v50 =	vld [tilespmem:s23+$0x4C10]  }
0x117: {  	v51 =	vld [tilespmem:s23+$0x10C10]  }
0x118: {  	v52 =	vld [tilespmem:s23+$0x4C20]  }
0x119: {  	v53 =	vld [tilespmem:s23+$0x10C20]  }
0x11a: {  	v54 =	vld [tilespmem:s23+$0x4C30]  }
0x11b: {  	v55 =	vld [tilespmem:s23+$0x10C30]  }
0x11c: {  	v56 =	vld [tilespmem:s23+$0x4C40]  }
0x11d: {  	v57 =	vld [tilespmem:s23+$0x10C40]  }
0x11e: {  	v58 =	vld [tilespmem:s23+$0x4C50]  }
0x11f: {  	v59 =	vld [tilespmem:s23+$0x10C50]  }
0x120: {  	v60 =	vld [tilespmem:s23+$0x4C60]  }
0x121: {  	v0 =	vadd.f32 v1, v0;
	v1 =	vld [tilespmem:s23+$0x10C60]  }
0x122: {  	v2 =	vadd.f32 v3, v2;
	v3 =	vld [tilespmem:s23+$0x4C70]  }
0x123: {  	v63 =	vadd.f32 v5, v4;
	v4 =	vld [tilespmem:s23+$0x10C70];
	[tilespmem:s23+$0xC000] =	vst v0  }
0x124: {  	v61 =	vadd.f32 v7, v6;
	v5 =	vld [tilespmem:s23+$0x5000];
	[tilespmem:s23+$0xC010] =	vst v2  }
0x125: {  	v62 =	vadd.f32 v9, v8;
	v6 =	vld [tilespmem:s23+$0x11000];
	[tilespmem:s23+$0xC020] =	vst v63  }
0x126: {  	v7 =	vld [tilespmem:s23+$0x5010];
	v13 =	vadd.f32 v13, v12;
	[tilespmem:s23+$0xC030] =	vst v61  }
0x127: {  	v8 =	vld [tilespmem:s23+$0x11010];
	v15 =	vadd.f32 v15, v14;
	[tilespmem:s23+$0xC040] =	vst v62  }
0x128: {  	v9 =	vld [tilespmem:s23+$0x5020];
	v17 =	vadd.f32 v17, v16;
	[tilespmem:s23+$0xC060] =	vst v13  }
0x129: {  	v19 =	vadd.f32 v19, v18;
	v12 =	vld [tilespmem:s23+$0x11030];
	[tilespmem:s23+$0xC070] =	vst v15  }
0x12a: {  	v21 =	vadd.f32 v21, v20;
	v14 =	vld [tilespmem:s23+$0x11040];
	[tilespmem:s23+$0xC400] =	vst v17  }
0x12b: {  	v23 =	vadd.f32 v23, v22;
	v16 =	vld [tilespmem:s23+$0x11050];
	[tilespmem:s23+$0xC410] =	vst v19  }
0x12c: {  	v25 =	vadd.f32 v25, v24;
	v20 =	vld [tilespmem:s23+$0x11070];
	[tilespmem:s23+$0xC420] =	vst v21  }
0x12d: {  	v27 =	vadd.f32 v27, v26;
	v22 =	vld [tilespmem:s23+$0x11400];
	[tilespmem:s23+$0xC430] =	vst v23  }
0x12e: {  	v29 =	vadd.f32 v29, v28;
	v24 =	vld [tilespmem:s23+$0x11410];
	[tilespmem:s23+$0xC440] =	vst v25  }
0x12f: {  	v28 =	vadd.f32 v37, v36;
	v37 =	vld [tilespmem:s23+$0x5430];
	[tilespmem:s23+$0xC450] =	vst v27  }
0x130: {  	v36 =	vadd.f32 v51, v50;
	v51 =	vld [tilespmem:s23+$0x11460];
	[tilespmem:s23+$0xC460] =	vst v29  }
0x131: {  	v63 =	vadd.f32 v11, v10;
	v10 =	vld [tilespmem:s23+$0x11020];
	[tilespmem:s23+$0xC820] =	vst v28  }
0x132: {  	v11 =	vld [tilespmem:s23+$0x5030];
	v61 =	vadd.f32 v31, v30;
	[tilespmem:s23+$0xCC10] =	vst v36  }
0x133: {  	v13 =	vld [tilespmem:s23+$0x5040];
	v62 =	vadd.f32 v33, v32;
	[tilespmem:s23+$0xC050] =	vst v63  }
0x134: {  	v15 =	vld [tilespmem:s23+$0x5050];
	v27 =	vadd.f32 v35, v34;
	[tilespmem:s23+$0xC470] =	vst v61  }
0x135: {  	v17 =	vld [tilespmem:s23+$0x5060];
	v29 =	vadd.f32 v39, v38;
	[tilespmem:s23+$0xC800] =	vst v62  }
0x136: {  	v19 =	vld [tilespmem:s23+$0x5070];
	v30 =	vadd.f32 v41, v40;
	[tilespmem:s23+$0xC810] =	vst v27  }
0x137: {  	v21 =	vld [tilespmem:s23+$0x5400];
	v31 =	vadd.f32 v43, v42;
	[tilespmem:s23+$0xC830] =	vst v29  }
0x138: {  	v23 =	vld [tilespmem:s23+$0x5410];
	v32 =	vadd.f32 v45, v44;
	[tilespmem:s23+$0xC840] =	vst v30  }
0x139: {  	v33 =	vadd.f32 v47, v46;
	v25 =	vld [tilespmem:s23+$0x5420];
	[tilespmem:s23+$0xC850] =	vst v31  }
0x13a: {  	v34 =	vadd.f32 v49, v48;
	v35 =	vld [tilespmem:s23+$0x11420];
	[tilespmem:s23+$0xC860] =	vst v32  }
0x13b: {  	v38 =	vadd.f32 v53, v52;
	v39 =	vld [tilespmem:s23+$0x11430];
	[tilespmem:s23+$0xC870] =	vst v33  }
0x13c: {  	v40 =	vadd.f32 v55, v54;
	v41 =	vld [tilespmem:s23+$0x5440];
	[tilespmem:s23+$0xCC00] =	vst v34  }
0x13d: {  	v42 =	vadd.f32 v57, v56;
	v43 =	vld [tilespmem:s23+$0x11440];
	[tilespmem:s23+$0xCC20] =	vst v38  }
0x13e: {  	v44 =	vadd.f32 v59, v58;
	v45 =	vld [tilespmem:s23+$0x5450];
	[tilespmem:s23+$0xCC30] =	vst v40  }
0x13f: {  	v47 =	vld [tilespmem:s23+$0x11450];
	[tilespmem:s23+$0xCC40] =	vst v42;
	v46 =	vadd.f32 v1, v60  }
0x140: {  	v49 =	vld [tilespmem:s23+$0x5460];
	[tilespmem:s23+$0xCC50] =	vst v44;
	v48 =	vadd.f32 v4, v3  }
0x141: {  	v53 =	vld [tilespmem:s23+$0x5470];
	v50 =	vadd.f32 v6, v5;
	[tilespmem:s23+$0xCC60] =	vst v46  }
0x142: {  	v55 =	vld [tilespmem:s23+$0x11470];
	v52 =	vadd.f32 v8, v7;
	[tilespmem:s23+$0xCC70] =	vst v48  }
0x143: {  	v57 =	vld [tilespmem:s23+$0x5800];
	[tilespmem:s23+$0xD000] =	vst v50;
	v54 =	vadd.f32 v10, v9  }
0x144: {  	v59 =	vld [tilespmem:s23+$0x11800];
	[tilespmem:s23+$0xD010] =	vst v52;
	v56 =	vadd.f32 v12, v11  }
0x145: {  	v36 =	vld [tilespmem:s23+$0x11830];
	v58 =	vadd.f32 v14, v13;
	[tilespmem:s23+$0xD020] =	vst v54  }
0x146: {  	v63 =	vld [tilespmem:s23+$0x11060];
	v60 =	vadd.f32 v16, v15;
	[tilespmem:s23+$0xD030] =	vst v56  }
0x147: {  	v61 =	vld [tilespmem:s23+$0x5810];
	v19 =	vadd.f32 v20, v19;
	[tilespmem:s23+$0xD040] =	vst v58  }
0x148: {  	v32 =	vld [tilespmem:s23+$0x11820];
	v22 =	vadd.f32 v22, v21;
	[tilespmem:s23+$0xD050] =	vst v60  }
0x149: {  	v34 =	vld [tilespmem:s23+$0x5830];
	v33 =	vadd.f32 v24, v23;
	[tilespmem:s23+$0xD070] =	vst v19  }
0x14a: {  	v38 =	vld [tilespmem:s23+$0x5840];
	v35 =	vadd.f32 v35, v25;
	[tilespmem:s23+$0xD400] =	vst v22  }
0x14b: {  	v40 =	vld [tilespmem:s23+$0x11840];
	v37 =	vadd.f32 v39, v37;
	[tilespmem:s23+$0xD410] =	vst v33  }
0x14c: {  	v20 =	vld [tilespmem:s23+$0x5820];
	v39 =	vadd.f32 v43, v41;
	[tilespmem:s23+$0xD420] =	vst v35  }
0x14d: {  	v1 =	vadd.f32 v47, v45;
	v41 =	vld [tilespmem:s23+$0x5850];
	[tilespmem:s23+$0xD430] =	vst v37  }
0x14e: {  	v42 =	vadd.f32 v51, v49;
	v43 =	vld [tilespmem:s23+$0x11850];
	[tilespmem:s23+$0xD440] =	vst v39  }
0x14f: {  	v44 =	vadd.f32 v55, v53;
	v45 =	vld [tilespmem:s23+$0x5860];
	[tilespmem:s23+$0xD450] =	vst v1  }
0x150: {  	v46 =	vadd.f32 v59, v57;
	v47 =	vld [tilespmem:s23+$0x11860];
	[tilespmem:s23+$0xD460] =	vst v42  }
0x151: {  	v49 =	vld [tilespmem:s23+$0x5870];
	v62 =	vadd.f32 v63, v17;
	[tilespmem:s23+$0xD470] =	vst v44  }
0x152: {  	v51 =	vld [tilespmem:s23+$0x11870];
	[tilespmem:s23+$0xD800] =	vst v46;
	v52 =	vadd.f32 v36, v34  }
0x153: {  	v63 =	vld [tilespmem:s23+$0x11810];
	v53 =	vadd.f32 v40, v38;
	[tilespmem:s23+$0xD060] =	vst v62  }
0x154: {  	[tilespmem:s23+$0xD830] =	vst v52;
	v50 =	vadd.f32 v32, v20  }
0x155: {  	[tilespmem:s23+$0xD840] =	vst v53;
	v54 =	vadd.f32 v43, v41  }
0x156: {  	v55 =	vadd.f32 v47, v45;
	[tilespmem:s23+$0xD820] =	vst v50  }
0x157: {  	s29 =	sand.u32 $0x7, s19;
	v56 =	vadd.f32 v51, v49;
	[tilespmem:s23+$0xD850] =	vst v54  }
0x158: {  	s24 =	sshll.u32 s29, $0x7;
	v48 =	vadd.f32 v63, v61;
	[tilespmem:s23+$0xD860] =	vst v55  }
0x159: {  	s24 =	sadd.s32 s24, s21;
	[tilespmem:s23+$0xD870] =	vst v56  }
0x15a: {  	s30 =	sor.u32 $0x1C00, s24;
	[tilespmem:s23+$0xD810] =	vst v48  }
0x15b: {  	v0 =	vld [tilespmem:s30+$0x4000]  }
0x15c: {  	v1 =	vld [tilespmem:s30+$0x10000];
	_ =	sdelay $0x4  }
0x15d: {  	v0 =	vadd.f32 v1, v0;
	_ =	sdelay $0x1  }
0x15e: {  	s31 =	sor.u32 $0x1C10, s24;
	[tilespmem:s30+$0xC000] =	vst v0  }
0x15f: {  	v0 =	vld [tilespmem:s31+$0x4000]  }
0x160: {  	v57 =	vld [tilespmem:s31+$0x10000];
	_ =	sdelay $0x4  }
0x161: {  	v0 =	vadd.f32 v57, v0;
	_ =	sdelay $0x1  }
0x162: {  	s25 =	sor.u32 $0x1C20, s24;
	[tilespmem:s31+$0xC000] =	vst v0  }
0x163: {  	v0 =	vld [tilespmem:s25+$0x4000]  }
0x164: {  	v58 =	vld [tilespmem:s25+$0x10000];
	_ =	sdelay $0x4  }
0x165: {  	v0 =	vadd.f32 v58, v0;
	_ =	sdelay $0x1  }
0x166: {  	s26 =	sor.u32 $0x1C30, s24;
	[tilespmem:s25+$0xC000] =	vst v0  }
0x167: {  	v0 =	vld [tilespmem:s26+$0x4000]  }
0x168: {  	v59 =	vld [tilespmem:s26+$0x10000];
	_ =	sdelay $0x4  }
0x169: {  	v0 =	vadd.f32 v59, v0;
	_ =	sdelay $0x1  }
0x16a: {  	s28 =	sor.u32 $0x1C40, s24;
	[tilespmem:s26+$0xC000] =	vst v0  }
0x16b: {  	v0 =	vld [tilespmem:s28+$0x4000]  }
0x16c: {  	v60 =	vld [tilespmem:s28+$0x10000];
	_ =	sdelay $0x4  }
0x16d: {  	v0 =	vadd.f32 v60, v0;
	_ =	sdelay $0x1  }
0x16e: {  	s29 =	sor.u32 $0x1C50, s24;
	[tilespmem:s28+$0xC000] =	vst v0  }
0x16f: {  	v0 =	vld [tilespmem:s29+$0x4000]  }
0x170: {  	v61 =	vld [tilespmem:s29+$0x10000];
	_ =	sdelay $0x4  }
0x171: {  	v0 =	vadd.f32 v61, v0;
	_ =	sdelay $0x1  }
0x172: {  	s30 =	sor.u32 $0x1C60, s24;
	[tilespmem:s29+$0xC000] =	vst v0  }
0x173: {  	v0 =	vld [tilespmem:s30+$0x4000]  }
0x174: {  	v62 =	vld [tilespmem:s30+$0x10000];
	_ =	sdelay $0x4  }
0x175: {  	v0 =	vadd.f32 v62, v0;
	_ =	sdelay $0x1  }
0x176: {  	s31 =	sor.u32 $0x1C70, s24;
	[tilespmem:s30+$0xC000] =	vst v0  }
0x177: {  	v0 =	vld [tilespmem:s31+$0x4000]  }
0x178: {  	v63 =	vld [tilespmem:s31+$0x10000];
	_ =	sdelay $0x1  }
0x179: {  	p0 =	sne.s32 s22, $0x780  }
.Ltmp7:
0x17a: {  	_ = 	snop;
	(pc) =	sbr.rel @p0 .LBB2_7-.Ltmp7, $4  }
0x17b: {  	_ = 	snop  }
0x17c: {  	v0 =	vadd.f32 v63, v0  }
0x17d: {  	s19 =	sadd.s32 $0x1, s19  }
0x17e: {  	s20 =	sadd.s32 $0x400, s20;
	s22 =	sadd.s32 $0x80, s22;
	s21 =	sadd.s32 $0x400, s21;
	[tilespmem:s31+$0xC000] =	vst v0  }
.Ltmp8:
0x17f: {  	_ = 	snop;
	(pc) =	sbr.rel .LBB2_8-.Ltmp8, $1  }
0x180: {  	_ =	sdelay $0x3  }
.LBB2_11:
0x181: {  	_ =	sfence.sel $0x180000  }
0x182: {  	[bflag:$0x0] =	sbarrier.arrive $0xFFFF  }
0x183: {  	p0 =	sne.s32 s1, $0x0;
	_ =	strace $0x90000047  }
0x184: {  	s0 =	sadd.s32 @!p0 $0x100000, s0;
	[bflag:$0x2] =	sbarrier.arrive $0xFFFF  }
0x185: {  	[sflag:s0] =	ssyncadd.tile.s32 @!p0 $0x1;
	_ =	shalt  }
.Lfunc_end2:
_tile_overlayer_lowered:
.L_overlay_start_2:
0x186: {  	(tag) =	ssettag $0x2  }
0x187: {  	s0 =	rddreg [dreg:$0x0];
	s2 =	stileid.u32  }
0x188: {  	s1 =	rddreg [dreg:$0x1];
	p0 =	sne.s32 s2, $0x0  }
0x189: {  	s3 =	rddreg [dreg:$0x2];
	[bflag:$0x3] =	sbarrier.arrive $0xFFFF;
	s2 =	simm.s32 @!p0 $0x1C05  }
0x18a: {  	[timem:s3], [sflag:s2] =	dma.local @!p0 [hbm:s0], s1  }
0x18b: {  	s0 =	simm.s32 @!p0 $0x5  }
0x18c: {  	_ =	swait.ge @!p0 [sflag:s0], s1  }
0x18d: {  	s1 =	ssub.s32 @!p0 $0x0, s1;
	[sflag:s0] =	ssyncset.done @!p0 $0x0  }
0x18e: {  	[sflag:s0] =	ssyncadd.s32 @!p0 s1  }
0x18f: {  	[bflag:$0x3] =	sbarrier.arrive $0xFFFF  }
0x190: {  	_ =	shalt  }

</sc_bundles>
